<compile_context>
chip_gen: v7x
topology: tpu7x:2x2x1
jax: 0.10.2.dev20260603
libtpu: 0.0.44.dev20260713+nightly
codegen_flags: <defaults>
</compile_context>

<pallas_src>
import functools

import jax
import jax.numpy as jnp
from jax import lax
from jax.experimental import pallas as pl
from jax.experimental.pallas import tpu as pltpu
from jax.experimental.pallas import tpu_sc as plsc

CH = 128
P = 200
GRP = 8
C_IN = 128
KNUM = 16
K_NB = 16
ROW = 128
FL = C_IN // 2
BNP = 25000


def _sc_gather(table, idx, n_edges):
    info = plsc.get_sparse_core_info()
    nw = info.num_cores * info.num_subcores
    n_chunks = n_edges // CH
    chunks_per_w = (n_chunks + nw - 1) // nw
    row = table.shape[1]
    mesh = plsc.VectorSubcoreMesh(core_axis_name="c", subcore_axis_name="s")

    @functools.partial(
        pl.kernel,
        mesh=mesh,
        out_type=jax.ShapeDtypeStruct((n_edges, row), jnp.float32),
        scratch_types=[
            pltpu.VMEM((2, CH), jnp.int32),
            pltpu.VMEM((2, CH, row), jnp.float32),
            pltpu.SemaphoreType.DMA,
            pltpu.SemaphoreType.DMA,
            pltpu.SemaphoreType.DMA,
        ],
    )
    def gather_kernel(table_hbm, idx_hbm, out_hbm, idx_v, rows_v,
                      sem_i, sem_g, sem_o):
        wid = lax.axis_index("s") * info.num_cores + lax.axis_index("c")

        def idx_start(i, buf):
            off = (wid + i * nw) * CH
            pltpu.async_copy(idx_hbm.at[pl.ds(off, CH)], idx_v.at[buf], sem_i)

        def out_start(i, buf):
            off = (wid + i * nw) * CH
            pltpu.async_copy(rows_v.at[buf], out_hbm.at[pl.ds(off, CH)], sem_o)

        def drain(src, dst, sem):
            pltpu.make_async_copy(src, dst, sem).wait()

        idx_start(0, 0)

        def body(i, carry):
            buf = lax.rem(i, 2)
            @pl.when(i >= 2)
            def _():
                drain(rows_v.at[buf], out_hbm.at[pl.ds(0, CH)], sem_o)

            @pl.when(wid + i * nw < n_chunks)
            def _():
                drain(idx_hbm.at[pl.ds(0, CH)], idx_v.at[buf], sem_i)

                @pl.when(wid + (i + 1) * nw < n_chunks)
                def _():
                    idx_start(i + 1, 1 - buf)

                pltpu.async_copy(table_hbm.at[idx_v.at[buf]], rows_v.at[buf],
                                 sem_g).wait()
                out_start(i, buf)
            return carry

        lax.fori_loop(0, chunks_per_w, body, 0)

        for tail in (chunks_per_w - 2, chunks_per_w - 1):
            @pl.when(wid + tail * nw < n_chunks)
            def _():
                drain(rows_v.at[0], out_hbm.at[pl.ds(0, CH)], sem_o)

    return gather_kernel(table, idx)


def _dot(a, b):
    return lax.dot_general(a, b, (((1,), (0,)), ((), ())),
                           preferred_element_type=jnp.float32)


def _tc_body(g_ref, opts_ref, w1_ref, b1_ref, w2_ref, b2_ref, w3_ref,
             b3_ref, wf_ref, bias_ref, out_ref, d_ref, z_ref, s_ref, f_ref):
    ek = P * K_NB
    opts_rep = jnp.broadcast_to(opts_ref[...][:, None, :],
                                (P, K_NB, 3)).reshape(ek, 3)
    rel = g_ref[:, FL:FL + 3] - opts_rep
    h = jnp.maximum(_dot(rel, w1_ref[...]) + b1_ref[...], 0.0)
    h = jnp.maximum(_dot(h, w2_ref[...]) + b2_ref[...], 0.0)
    d_ref[...] = jnp.maximum(_dot(h, w3_ref[...]) + b3_ref[...], 0.0)
    @pl.when(pl.program_id(0) == 0)
    def _():
        s_ref[...] = jnp.zeros((GRP * K_NB, GRP * KNUM), jnp.bfloat16)

    g_i = pltpu.bitcast(g_ref[:, 0:FL], jnp.int32)
    for half in range(2):
        fh_i = pltpu.unpack_elementwise(
            g_i, index=half, packed_dtype=jnp.int16, unpacked_dtype=jnp.int32)
        f_ref[:, half * FL:(half + 1) * FL] = pltpu.bitcast(
            fh_i << 16, jnp.float32).astype(jnp.bfloat16)

    for g in range(P // GRP):
        rows = g * GRP * K_NB
        for q in range(GRP):
            s_ref[q * K_NB:(q + 1) * K_NB, q * KNUM:(q + 1) * KNUM] = (
                d_ref[rows + q * K_NB:rows + (q + 1) * K_NB, :]
                .astype(jnp.bfloat16))
        fg = f_ref[rows:rows + GRP * K_NB, :]
        zg = lax.dot_general(s_ref[...], fg, (((0,), (0,)), ((), ())),
                             preferred_element_type=jnp.float32)
        z_ref[g * GRP:(g + 1) * GRP, :, :] = zg.reshape(GRP, KNUM, C_IN)
    out = bias_ref[...]
    for j in range(KNUM):
        out += _dot(z_ref[:, j, :], wf_ref[j])
    out_ref[...] = out


def _tc_compute(g, opts, w1pp, b1p, w2, b2, w3, b3, wf, bias):
    n_blocks = BNP // P
    full = lambda *shape: pl.BlockSpec(shape, lambda i: (0,) * len(shape))
    return pl.pallas_call(
        _tc_body,
        grid=(n_blocks,),
        in_specs=[
            pl.BlockSpec((P * K_NB, ROW), lambda i: (i, 0)),
            pl.BlockSpec((P, 3), lambda i: (i, 0)),
            full(3, 32), full(1, 32), full(32, 16), full(1, 16),
            full(16, 16), full(1, 16), full(KNUM, C_IN, 128), full(1, 128),
        ],
        out_specs=pl.BlockSpec((P, 128), lambda i: (i, 0)),
        out_shape=jax.ShapeDtypeStruct((BNP, 128), jnp.float32),
        scratch_shapes=[pltpu.VMEM((P * K_NB, KNUM), jnp.float32),
                        pltpu.VMEM((P, KNUM, C_IN), jnp.float32),
                        pltpu.VMEM((GRP * K_NB, GRP * KNUM), jnp.bfloat16),
                        pltpu.VMEM((P * K_NB, C_IN), jnp.bfloat16)],
    )(g, opts, w1pp, b1p, w2, b2, w3, b3, wf, bias)


def kernel(features, input_pts, neighbor_num, output_pts, indices_, weight,
           bias, centers, W1, b1, W2, b2, W3, b3):
    b_sz, n_pts, c_in = features.shape
    k_nb = indices_.shape[2]
    bn = b_sz * n_pts
    dim = input_pts.shape[2]

    fpacked = lax.bitcast_convert_type(
        features.reshape(bn, c_in).astype(jnp.bfloat16).reshape(bn, FL, 2),
        jnp.float32)
    table = jnp.concatenate(
        [fpacked,
         jnp.pad(input_pts.reshape(bn, dim), ((0, 0), (0, ROW - FL - dim)))],
        axis=1)
    add = (jnp.arange(b_sz, dtype=indices_.dtype) * n_pts)[:, None, None]
    idx_f = (indices_ + add).reshape(-1).astype(jnp.int32)

    gathered = _sc_gather(table, idx_f, BNP * k_nb)

    w1pp = W1.reshape(dim, KNUM, W1.shape[1]).sum(axis=1)
    b1p = b1 - centers.reshape(-1) @ W1
    perm = jnp.concatenate([jnp.arange(0, c_in, 2), jnp.arange(1, c_in, 2)])
    wf = (jnp.transpose(weight, (1, 0, 2)) / float(k_nb))[:, perm, :]
    opts = output_pts.reshape(bn, dim)

    out = _tc_compute(gathered, opts, w1pp, b1p[None],
                      W2, b2[None], W3, b3[None], wf, bias[None])
    return out.reshape(b_sz, n_pts, weight.shape[2]), output_pts

# --- scband reference (transcript-rebuilt; emitter-appended) ---
"""Pipeline reference for scband-pt-conv-57372173140529 (READ-ONLY COPY).

The authoritative reference and input builder live on the scoring server;
editing this copy changes nothing except your own understanding.
"""

import jax, jax.numpy as jnp
import numpy as np

B = 2
N = 12500
K = 16
DIM = 3
C_IN = 128
C_OUT = 128
KNUM = 16


def _lin(k, fin, fout):
    lim = 1.0 / float(np.sqrt(fin))
    k1, k2 = jax.random.split(k)
    W = jax.random.uniform(k1, (fin, fout), minval=-lim, maxval=lim, dtype=jnp.float32)
    b = jax.random.uniform(k2, (fout,), minval=-lim, maxval=lim, dtype=jnp.float32)
    return W, b


def setup_inputs(seed: int = 0) -> dict:
    key = jax.random.key(seed)
    ks = jax.random.split(key, 9)
    features = jax.random.normal(ks[0], (B, N, C_IN), dtype=jnp.float32)
    input_pts = jax.random.normal(ks[1], (B, N, DIM), dtype=jnp.float32)
    output_pts = jax.random.normal(ks[2], (B, N, DIM), dtype=jnp.float32)
    indices_ = jax.random.randint(ks[3], (B, N, K), 0, N)
    bound = float(np.sqrt(3.0) * np.sqrt(2.0 / (C_IN + C_OUT)))
    weight = jax.random.uniform(ks[4], (C_IN, KNUM, C_OUT), minval=-bound, maxval=bound, dtype=jnp.float32)
    bias = jnp.zeros((C_OUT,), dtype=jnp.float32)
    centers = jax.random.uniform(ks[5], (DIM, KNUM), minval=-1.0, maxval=1.0, dtype=jnp.float32) / jnp.sqrt(3.0)
    W1, b1 = _lin(ks[6], DIM * KNUM, 2 * KNUM)
    W2, b2 = _lin(ks[7], 2 * KNUM, KNUM)
    W3, b3 = _lin(ks[8], KNUM, KNUM)
    return {"features": features, "input_pts": input_pts, "neighbor_num": K, "output_pts": output_pts, "indices_": indices_, "weight": weight, "bias": bias, "centers": centers, "W1": W1, "b1": b1, "W2": W2, "b2": b2, "W3": W3, "b3": b3}


def reference(features, input_pts, neighbor_num, output_pts, indices_, weight, bias, centers, W1, b1, W2, b2, W3, b3):
    Bb, n_pts, C = features.shape
    add = (jnp.arange(Bb, dtype=indices_.dtype) * n_pts)[:, None, None]
    idx = indices_ + add
    feats = features.reshape(-1, C)[idx]                      # [B, M, K, C] gather
    pts = input_pts.reshape(-1, input_pts.shape[2])[idx]      # [B, M, K, dim] gather
    pts = pts - output_pts[:, :, None, :]
    dists = pts[..., None] - centers                          # [B, M, K, dim, KNUM]
    dists = dists.reshape(dists.shape[0], dists.shape[1], dists.shape[2], -1)
    dists = jax.nn.relu(dists @ W1 + b1)
    dists = jax.nn.relu(dists @ W2 + b2)
    dists = jax.nn.relu(dists @ W3 + b3)
    fs = feats.shape
    f = jnp.swapaxes(feats, 2, 3).reshape(-1, fs[3], fs[2])   # [B*M, C, K]
    d = dists.reshape(-1, dists.shape[2], dists.shape[3])     # [B*M, K, KNUM]
    f = jnp.matmul(f, d)                                      # [B*M, C, KNUM]
    f = f.reshape(fs[0], fs[1], -1)                           # [B, M, C*KNUM]
    out = f @ weight.reshape(-1, weight.shape[2])
    out = out / fs[2]
    out = out + bias
    return (out, output_pts)

if __name__ == "__main__":
    import jax
    _d = setup_inputs()
    print(jax.jit(kernel)(*tuple(_d.values())))

</pallas_src>

<mosaic_0001>
#map = affine_map<(d0, d1) -> (0, 0)>
#map1 = affine_map<(d0, d1) -> (0)>
module attributes {stable_mosaic.version = 14 : i64} {
  func.func @gather_kernel(%arg0: i32, %arg1: i32, %arg2: memref<25000x128xf32, #tpu.memory_space<hbm>>, %arg3: memref<400000xi32, #tpu.memory_space<hbm>>, %arg4: memref<400000x128xf32, #tpu.memory_space<hbm>>, %arg5: memref<2x128xi32, #tpu.memory_space<vmem>>, %arg6: memref<2x128x128xf32, #tpu.memory_space<vmem>>, %arg7: memref<!tpu.dma_semaphore, #tpu.memory_space<semaphore_mem>>, %arg8: memref<!tpu.dma_semaphore, #tpu.memory_space<semaphore_mem>>, %arg9: memref<!tpu.dma_semaphore, #tpu.memory_space<semaphore_mem>>) attributes {dimension_semantics = [#tpu.dimension_semantics<core_parallel>, #tpu.dimension_semantics<subcore_parallel>], iteration_bounds = array<i64: 2, 16>, scalar_prefetch = 0 : i64, scratch_operands = 5 : i64, tpu.core_type = #tpu.core_type<sc_vector_subcore>, window_params = [{transform_indices = #map}, {transform_indices = #map1}, {transform_indices = #map}]} {
    %mul3A = arith.constant 2 : i32
    %mul3A_0 = arith.muli %arg1, %mul3A : i32
    %add3A = arith.addi %mul3A_0, %arg0 : i32
    %add3A_1 = arith.constant 0 : i32
    %add3A_2 = arith.addi %add3A, %add3A_1 : i32
    %mul3A_3 = arith.constant 128 : i32
    %mul3A_4 = arith.muli %add3A_2, %mul3A_3 : i32
    %dma_start3A = arith.constant 0 : i32
    %dma_start3A_5 = arith.constant 0 : i32
    %dma_start3A_6 = tpu.memref_slice %arg5[%dma_start3A, %dma_start3A_5] : memref<2x128xi32, #tpu.memory_space<vmem>> -> memref<1x128xi32, #tpu.memory_space<vmem>>
    %dma_start3A_7 = tpu.memref_squeeze %dma_start3A_6 : memref<1x128xi32, #tpu.memory_space<vmem>> -> memref<128xi32, #tpu.memory_space<vmem>>
    %dma_start3A_8 = tpu.memref_slice %arg3[%mul3A_4] : memref<400000xi32, #tpu.memory_space<hbm>> -> memref<128xi32, #tpu.memory_space<hbm>>
    %dma_start3A_9 = arith.constant 0 : i32
    %dma_start3A_10 = tpu.memref_slice %arg5[%dma_start3A, %dma_start3A_9] : memref<2x128xi32, #tpu.memory_space<vmem>> -> memref<1x128xi32, #tpu.memory_space<vmem>>
    %dma_start3A_11 = tpu.memref_squeeze %dma_start3A_10 : memref<1x128xi32, #tpu.memory_space<vmem>> -> memref<128xi32, #tpu.memory_space<vmem>>
    %dma_start3A_12 = tpu.memref_slice %arg3[%mul3A_4] : memref<400000xi32, #tpu.memory_space<hbm>> -> memref<128xi32, #tpu.memory_space<hbm>>
    tpu.enqueue_dma source(%dma_start3A_12 : memref<128xi32, #tpu.memory_space<hbm>>) target(%dma_start3A_11 : memref<128xi32, #tpu.memory_space<vmem>>) target_semaphore(%arg7 : memref<!tpu.dma_semaphore, #tpu.memory_space<semaphore_mem>>)
    %scan3A = arith.constant 0 : i32
    %scan3A_13 = arith.constant 0 : i32
    %scan3A_14 = arith.constant 98 : i32
    %scan3A_15 = arith.addi %scan3A_13, %scan3A_14 : i32
    %scan3A_16 = arith.constant 1 : i32
    scf.for %scan3A_29 = %scan3A_13 to %scan3A_15 step %scan3A_16  : i32 {
      %rem3A = arith.constant 2 : i32
      %rem3A_30 = arith.remsi %scan3A_29, %rem3A : i32
      %ge3A = arith.constant 2 : i32
      %ge3A_31 = arith.cmpi sge, %scan3A_29, %ge3A : i32
      %convert_element_type3A_32 = arith.extui %ge3A_31 : i1 to i32
      %cond3A_33 = arith.constant 0 : i32
      %cond3A_34 = arith.cmpi ne, %convert_element_type3A_32, %cond3A_33 : i32
      scf.if %cond3A_34 {
        %dma_wait3A = arith.constant 0 : i32
        %dma_wait3A_43 = arith.constant 0 : i32
        %dma_wait3A_44 = tpu.memref_slice %arg6[%rem3A_30, %dma_wait3A, %dma_wait3A_43] : memref<2x128x128xf32, #tpu.memory_space<vmem>> -> memref<1x128x128xf32, #tpu.memory_space<vmem>>
        %dma_wait3A_45 = tpu.memref_squeeze %dma_wait3A_44 : memref<1x128x128xf32, #tpu.memory_space<vmem>> -> memref<128x128xf32, #tpu.memory_space<vmem>>
        %dma_wait3A_46 = arith.constant 0 : i32
        %dma_wait3A_47 = arith.constant 0 : i32
        %dma_wait3A_48 = tpu.memref_slice %arg4[%dma_wait3A_46, %dma_wait3A_47] : memref<400000x128xf32, #tpu.memory_space<hbm>> -> memref<128x128xf32, #tpu.memory_space<hbm>>
        %dma_wait3A_49 = arith.constant 0 : i32
        %dma_wait3A_50 = arith.constant 0 : i32
        %dma_wait3A_51 = tpu.memref_slice %arg4[%dma_wait3A_49, %dma_wait3A_50] : memref<400000x128xf32, #tpu.memory_space<hbm>> -> memref<128x128xf32, #tpu.memory_space<hbm>>
        %dma_wait3A_52 = arith.constant 0 : i32
        %dma_wait3A_53 = arith.constant 0 : i32
        %dma_wait3A_54 = tpu.memref_slice %arg6[%rem3A_30, %dma_wait3A_52, %dma_wait3A_53] : memref<2x128x128xf32, #tpu.memory_space<vmem>> -> memref<1x128x128xf32, #tpu.memory_space<vmem>>
        %dma_wait3A_55 = tpu.memref_squeeze %dma_wait3A_54 : memref<1x128x128xf32, #tpu.memory_space<vmem>> -> memref<128x128xf32, #tpu.memory_space<vmem>>
        tpu.wait_dma2 semaphore(%arg9 : memref<!tpu.dma_semaphore, #tpu.memory_space<semaphore_mem>>) src(%dma_wait3A_55 : memref<128x128xf32, #tpu.memory_space<vmem>>) dst(%dma_wait3A_51 : memref<128x128xf32, #tpu.memory_space<hbm>>)
      } else {
      }
      %mul3A_35 = arith.constant 32 : i32
      %mul3A_36 = arith.muli %scan3A_29, %mul3A_35 : i32
      %add3A_37 = arith.addi %add3A, %mul3A_36 : i32
      %lt3A_38 = arith.constant 3125 : i32
      %lt3A_39 = arith.cmpi slt, %add3A_37, %lt3A_38 : i32
      %convert_element_type3A_40 = arith.extui %lt3A_39 : i1 to i32
      %cond3A_41 = arith.constant 0 : i32
      %cond3A_42 = arith.cmpi ne, %convert_element_type3A_40, %cond3A_41 : i32
      scf.if %cond3A_42 {
        %dma_wait3A = arith.constant 0 : i32
        %dma_wait3A_43 = tpu.memref_slice %arg5[%rem3A_30, %dma_wait3A] : memref<2x128xi32, #tpu.memory_space<vmem>> -> memref<1x128xi32, #tpu.memory_space<vmem>>
        %dma_wait3A_44 = tpu.memref_squeeze %dma_wait3A_43 : memref<1x128xi32, #tpu.memory_space<vmem>> -> memref<128xi32, #tpu.memory_space<vmem>>
        %dma_wait3A_45 = arith.constant 0 : i32
        %dma_wait3A_46 = tpu.memref_slice %arg3[%dma_wait3A_45] : memref<400000xi32, #tpu.memory_space<hbm>> -> memref<128xi32, #tpu.memory_space<hbm>>
        %dma_wait3A_47 = arith.constant 0 : i32
        %dma_wait3A_48 = tpu.memref_slice %arg5[%rem3A_30, %dma_wait3A_47] : memref<2x128xi32, #tpu.memory_space<vmem>> -> memref<1x128xi32, #tpu.memory_space<vmem>>
        %dma_wait3A_49 = tpu.memref_squeeze %dma_wait3A_48 : memref<1x128xi32, #tpu.memory_space<vmem>> -> memref<128xi32, #tpu.memory_space<vmem>>
        %dma_wait3A_50 = arith.constant 0 : i32
        %dma_wait3A_51 = tpu.memref_slice %arg3[%dma_wait3A_50] : memref<400000xi32, #tpu.memory_space<hbm>> -> memref<128xi32, #tpu.memory_space<hbm>>
        tpu.wait_dma2 semaphore(%arg7 : memref<!tpu.dma_semaphore, #tpu.memory_space<semaphore_mem>>) src(%dma_wait3A_51 : memref<128xi32, #tpu.memory_space<hbm>>) dst(%dma_wait3A_49 : memref<128xi32, #tpu.memory_space<vmem>>)
        %add3A_52 = arith.constant 1 : i32
        %add3A_53 = arith.addi %scan3A_29, %add3A_52 : i32
        %mul3A_54 = arith.constant 32 : i32
        %mul3A_55 = arith.muli %add3A_53, %mul3A_54 : i32
        %add3A_56 = arith.addi %add3A, %mul3A_55 : i32
        %lt3A_57 = arith.constant 3125 : i32
        %lt3A_58 = arith.cmpi slt, %add3A_56, %lt3A_57 : i32
        %convert_element_type3A_59 = arith.extui %lt3A_58 : i1 to i32
        %cond3A_60 = arith.constant 0 : i32
        %cond3A_61 = arith.cmpi ne, %convert_element_type3A_59, %cond3A_60 : i32
        scf.if %cond3A_61 {
          %add3A_99 = arith.constant 1 : i32
          %add3A_100 = arith.addi %scan3A_29, %add3A_99 : i32
          %sub3A = arith.constant 1 : i32
          %sub3A_101 = arith.subi %sub3A, %rem3A_30 : i32
          %mul3A_102 = arith.constant 32 : i32
          %mul3A_103 = arith.muli %add3A_100, %mul3A_102 : i32
          %add3A_104 = arith.addi %add3A, %mul3A_103 : i32
          %mul3A_105 = arith.constant 128 : i32
          %mul3A_106 = arith.muli %add3A_104, %mul3A_105 : i32
          %dma_start3A_107 = arith.constant 0 : i32
          %dma_start3A_108 = tpu.memref_slice %arg5[%sub3A_101, %dma_start3A_107] : memref<2x128xi32, #tpu.memory_space<vmem>> -> memref<1x128xi32, #tpu.memory_space<vmem>>
          %dma_start3A_109 = tpu.memref_squeeze %dma_start3A_108 : memref<1x128xi32, #tpu.memory_space<vmem>> -> memref<128xi32, #tpu.memory_space<vmem>>
          %dma_start3A_110 = tpu.memref_slice %arg3[%mul3A_106] : memref<400000xi32, #tpu.memory_space<hbm>> -> memref<128xi32, #tpu.memory_space<hbm>>
          %dma_start3A_111 = arith.constant 0 : i32
          %dma_start3A_112 = tpu.memref_slice %arg5[%sub3A_101, %dma_start3A_111] : memref<2x128xi32, #tpu.memory_space<vmem>> -> memref<1x128xi32, #tpu.memory_space<vmem>>
          %dma_start3A_113 = tpu.memref_squeeze %dma_start3A_112 : memref<1x128xi32, #tpu.memory_space<vmem>> -> memref<128xi32, #tpu.memory_space<vmem>>
          %dma_start3A_114 = tpu.memref_slice %arg3[%mul3A_106] : memref<400000xi32, #tpu.memory_space<hbm>> -> memref<128xi32, #tpu.memory_space<hbm>>
          tpu.enqueue_dma source(%dma_start3A_114 : memref<128xi32, #tpu.memory_space<hbm>>) target(%dma_start3A_113 : memref<128xi32, #tpu.memory_space<vmem>>) target_semaphore(%arg7 : memref<!tpu.dma_semaphore, #tpu.memory_space<semaphore_mem>>)
        } else {
        }
        %dma_start3A_62 = arith.constant 0 : i32
        %dma_start3A_63 = arith.constant 0 : i32
        %dma_start3A_64 = tpu.memref_slice %arg6[%rem3A_30, %dma_start3A_62, %dma_start3A_63] : memref<2x128x128xf32, #tpu.memory_space<vmem>> -> memref<1x128x128xf32, #tpu.memory_space<vmem>>
        %dma_start3A_65 = tpu.memref_squeeze %dma_start3A_64 : memref<1x128x128xf32, #tpu.memory_space<vmem>> -> memref<128x128xf32, #tpu.memory_space<vmem>>
        %dma_start3A_66 = arith.constant 0 : i32
        %dma_start3A_67 = tpu.memref_slice %arg5[%rem3A_30, %dma_start3A_66] : memref<2x128xi32, #tpu.memory_space<vmem>> -> memref<1x128xi32, #tpu.memory_space<vmem>>
        %dma_start3A_68 = tpu.memref_squeeze %dma_start3A_67 : memref<1x128xi32, #tpu.memory_space<vmem>> -> memref<128xi32, #tpu.memory_space<vmem>>
        %dma_start3A_69 = arith.constant 0 : i32
        %dma_start3A_70 = arith.constant 0 : i32
        %dma_start3A_71 = tpu.memref_slice %arg2[%dma_start3A_69, %dma_start3A_70] : memref<25000x128xf32, #tpu.memory_space<hbm>> -> memref<25000x128xf32, #tpu.memory_space<hbm>>
        tpu.enqueue_indirect_dma source(%dma_start3A_71 : memref<25000x128xf32, #tpu.memory_space<hbm>>) target(%dma_start3A_65 : memref<128x128xf32, #tpu.memory_space<vmem>>) offsets(%dma_start3A_68 : memref<128xi32, #tpu.memory_space<vmem>>) semaphore(%arg8 : memref<!tpu.dma_semaphore, #tpu.memory_space<semaphore_mem>>)
        %dma_wait3A_72 = arith.constant 0 : i32
        %dma_wait3A_73 = arith.constant 0 : i32
        %dma_wait3A_74 = tpu.memref_slice %arg6[%rem3A_30, %dma_wait3A_72, %dma_wait3A_73] : memref<2x128x128xf32, #tpu.memory_space<vmem>> -> memref<1x128x128xf32, #tpu.memory_space<vmem>>
        %dma_wait3A_75 = tpu.memref_squeeze %dma_wait3A_74 : memref<1x128x128xf32, #tpu.memory_space<vmem>> -> memref<128x128xf32, #tpu.memory_space<vmem>>
        %dma_wait3A_76 = arith.constant 0 : i32
        %dma_wait3A_77 = tpu.memref_slice %arg5[%rem3A_30, %dma_wait3A_76] : memref<2x128xi32, #tpu.memory_space<vmem>> -> memref<1x128xi32, #tpu.memory_space<vmem>>
        %dma_wait3A_78 = tpu.memref_squeeze %dma_wait3A_77 : memref<1x128xi32, #tpu.memory_space<vmem>> -> memref<128xi32, #tpu.memory_space<vmem>>
        %dma_wait3A_79 = arith.constant 0 : i32
        %dma_wait3A_80 = arith.constant 0 : i32
        %dma_wait3A_81 = tpu.memref_slice %arg2[%dma_wait3A_79, %dma_wait3A_80] : memref<25000x128xf32, #tpu.memory_space<hbm>> -> memref<25000x128xf32, #tpu.memory_space<hbm>>
        tpu.wait_indirect_dma semaphore(%arg8 : memref<!tpu.dma_semaphore, #tpu.memory_space<semaphore_mem>>) src(%dma_wait3A_81 : memref<25000x128xf32, #tpu.memory_space<hbm>>) dst(%dma_wait3A_75 : memref<128x128xf32, #tpu.memory_space<vmem>>)
        %mul3A_82 = arith.constant 32 : i32
        %mul3A_83 = arith.muli %scan3A_29, %mul3A_82 : i32
        %add3A_84 = arith.addi %add3A, %mul3A_83 : i32
        %mul3A_85 = arith.constant 128 : i32
        %mul3A_86 = arith.muli %add3A_84, %mul3A_85 : i32
        %dma_start3A_87 = arith.constant 0 : i32
        %dma_start3A_88 = arith.constant 0 : i32
        %dma_start3A_89 = tpu.memref_slice %arg6[%rem3A_30, %dma_start3A_87, %dma_start3A_88] : memref<2x128x128xf32, #tpu.memory_space<vmem>> -> memref<1x128x128xf32, #tpu.memory_space<vmem>>
        %dma_start3A_90 = tpu.memref_squeeze %dma_start3A_89 : memref<1x128x128xf32, #tpu.memory_space<vmem>> -> memref<128x128xf32, #tpu.memory_space<vmem>>
        %dma_start3A_91 = arith.constant 0 : i32
        %dma_start3A_92 = tpu.memref_slice %arg4[%mul3A_86, %dma_start3A_91] : memref<400000x128xf32, #tpu.memory_space<hbm>> -> memref<128x128xf32, #tpu.memory_space<hbm>>
        %dma_start3A_93 = arith.constant 0 : i32
        %dma_start3A_94 = tpu.memref_slice %arg4[%mul3A_86, %dma_start3A_93] : memref<400000x128xf32, #tpu.memory_space<hbm>> -> memref<128x128xf32, #tpu.memory_space<hbm>>
        %dma_start3A_95 = arith.constant 0 : i32
        %dma_start3A_96 = arith.constant 0 : i32
        %dma_start3A_97 = tpu.memref_slice %arg6[%rem3A_30, %dma_start3A_95, %dma_start3A_96] : memref<2x128x128xf32, #tpu.memory_space<vmem>> -> memref<1x128x128xf32, #tpu.memory_space<vmem>>
        %dma_start3A_98 = tpu.memref_squeeze %dma_start3A_97 : memref<1x128x128xf32, #tpu.memory_space<vmem>> -> memref<128x128xf32, #tpu.memory_space<vmem>>
        tpu.enqueue_dma source(%dma_start3A_98 : memref<128x128xf32, #tpu.memory_space<vmem>>) target(%dma_start3A_94 : memref<128x128xf32, #tpu.memory_space<hbm>>) target_semaphore(%arg9 : memref<!tpu.dma_semaphore, #tpu.memory_space<semaphore_mem>>)
      } else {
      }
    }
    %scan3A_17 = arith.constant 98 : i32
    %add3A_18 = arith.constant 3072 : i32
    %add3A_19 = arith.addi %add3A, %add3A_18 : i32
    %lt3A = arith.constant 3125 : i32
    %lt3A_20 = arith.cmpi slt, %add3A_19, %lt3A : i32
    %convert_element_type3A = arith.extui %lt3A_20 : i1 to i32
    %cond3A = arith.constant 0 : i32
    %cond3A_21 = arith.cmpi ne, %convert_element_type3A, %cond3A : i32
    scf.if %cond3A_21 {
      %dma_wait3A = arith.constant 0 : i32
      %dma_wait3A_29 = arith.constant 0 : i32
      %dma_wait3A_30 = arith.constant 0 : i32
      %dma_wait3A_31 = tpu.memref_slice %arg6[%dma_wait3A, %dma_wait3A_29, %dma_wait3A_30] : memref<2x128x128xf32, #tpu.memory_space<vmem>> -> memref<1x128x128xf32, #tpu.memory_space<vmem>>
      %dma_wait3A_32 = tpu.memref_squeeze %dma_wait3A_31 : memref<1x128x128xf32, #tpu.memory_space<vmem>> -> memref<128x128xf32, #tpu.memory_space<vmem>>
      %dma_wait3A_33 = arith.constant 0 : i32
      %dma_wait3A_34 = arith.constant 0 : i32
      %dma_wait3A_35 = tpu.memref_slice %arg4[%dma_wait3A_33, %dma_wait3A_34] : memref<400000x128xf32, #tpu.memory_space<hbm>> -> memref<128x128xf32, #tpu.memory_space<hbm>>
      %dma_wait3A_36 = arith.constant 0 : i32
      %dma_wait3A_37 = arith.constant 0 : i32
      %dma_wait3A_38 = tpu.memref_slice %arg4[%dma_wait3A_36, %dma_wait3A_37] : memref<400000x128xf32, #tpu.memory_space<hbm>> -> memref<128x128xf32, #tpu.memory_space<hbm>>
      %dma_wait3A_39 = arith.constant 0 : i32
      %dma_wait3A_40 = arith.constant 0 : i32
      %dma_wait3A_41 = tpu.memref_slice %arg6[%dma_wait3A, %dma_wait3A_39, %dma_wait3A_40] : memref<2x128x128xf32, #tpu.memory_space<vmem>> -> memref<1x128x128xf32, #tpu.memory_space<vmem>>
      %dma_wait3A_42 = tpu.memref_squeeze %dma_wait3A_41 : memref<1x128x128xf32, #tpu.memory_space<vmem>> -> memref<128x128xf32, #tpu.memory_space<vmem>>
      tpu.wait_dma2 semaphore(%arg9 : memref<!tpu.dma_semaphore, #tpu.memory_space<semaphore_mem>>) src(%dma_wait3A_42 : memref<128x128xf32, #tpu.memory_space<vmem>>) dst(%dma_wait3A_38 : memref<128x128xf32, #tpu.memory_space<hbm>>)
    } else {
    }
    %add3A_22 = arith.constant 3104 : i32
    %add3A_23 = arith.addi %add3A, %add3A_22 : i32
    %lt3A_24 = arith.constant 3125 : i32
    %lt3A_25 = arith.cmpi slt, %add3A_23, %lt3A_24 : i32
    %convert_element_type3A_26 = arith.extui %lt3A_25 : i1 to i32
    %cond3A_27 = arith.constant 0 : i32
    %cond3A_28 = arith.cmpi ne, %convert_element_type3A_26, %cond3A_27 : i32
    scf.if %cond3A_28 {
      %dma_wait3A = arith.constant 0 : i32
      %dma_wait3A_29 = arith.constant 0 : i32
      %dma_wait3A_30 = arith.constant 0 : i32
      %dma_wait3A_31 = tpu.memref_slice %arg6[%dma_wait3A, %dma_wait3A_29, %dma_wait3A_30] : memref<2x128x128xf32, #tpu.memory_space<vmem>> -> memref<1x128x128xf32, #tpu.memory_space<vmem>>
      %dma_wait3A_32 = tpu.memref_squeeze %dma_wait3A_31 : memref<1x128x128xf32, #tpu.memory_space<vmem>> -> memref<128x128xf32, #tpu.memory_space<vmem>>
      %dma_wait3A_33 = arith.constant 0 : i32
      %dma_wait3A_34 = arith.constant 0 : i32
      %dma_wait3A_35 = tpu.memref_slice %arg4[%dma_wait3A_33, %dma_wait3A_34] : memref<400000x128xf32, #tpu.memory_space<hbm>> -> memref<128x128xf32, #tpu.memory_space<hbm>>
      %dma_wait3A_36 = arith.constant 0 : i32
      %dma_wait3A_37 = arith.constant 0 : i32
      %dma_wait3A_38 = tpu.memref_slice %arg4[%dma_wait3A_36, %dma_wait3A_37] : memref<400000x128xf32, #tpu.memory_space<hbm>> -> memref<128x128xf32, #tpu.memory_space<hbm>>
      %dma_wait3A_39 = arith.constant 0 : i32
      %dma_wait3A_40 = arith.constant 0 : i32
      %dma_wait3A_41 = tpu.memref_slice %arg6[%dma_wait3A, %dma_wait3A_39, %dma_wait3A_40] : memref<2x128x128xf32, #tpu.memory_space<vmem>> -> memref<1x128x128xf32, #tpu.memory_space<vmem>>
      %dma_wait3A_42 = tpu.memref_squeeze %dma_wait3A_41 : memref<1x128x128xf32, #tpu.memory_space<vmem>> -> memref<128x128xf32, #tpu.memory_space<vmem>>
      tpu.wait_dma2 semaphore(%arg9 : memref<!tpu.dma_semaphore, #tpu.memory_space<semaphore_mem>>) src(%dma_wait3A_42 : memref<128x128xf32, #tpu.memory_space<vmem>>) dst(%dma_wait3A_38 : memref<128x128xf32, #tpu.memory_space<hbm>>)
    } else {
    }
    return
  }
}

module attributes {stable_mosaic.version = 14 : i64} {
  func.func @_tc_body(%arg0: i32, %arg1: memref<3200x128xf32, #tpu.memory_space<vmem>>, %arg2: memref<200x3xf32, #tpu.memory_space<vmem>>, %arg3: memref<3x32xf32, #tpu.memory_space<vmem>>, %arg4: memref<1x32xf32, #tpu.memory_space<vmem>>, %arg5: memref<32x16xf32, #tpu.memory_space<vmem>>, %arg6: memref<1x16xf32, #tpu.memory_space<vmem>>, %arg7: memref<16x16xf32, #tpu.memory_space<vmem>>, %arg8: memref<1x16xf32, #tpu.memory_space<vmem>>, %arg9: memref<16x128x128xf32, #tpu.memory_space<vmem>>, %arg10: memref<1x128xf32, #tpu.memory_space<vmem>>, %arg11: memref<200x128xf32, #tpu.memory_space<vmem>>, %arg12: memref<3200x16xf32, #tpu.memory_space<vmem>>, %arg13: memref<200x16x128xf32, #tpu.memory_space<vmem>>, %arg14: memref<128x128xbf16, #tpu.memory_space<vmem>>, %arg15: memref<3200x128xbf16, #tpu.memory_space<vmem>>) attributes {dimension_semantics = [#tpu.dimension_semantics<arbitrary>], iteration_bounds = array<i64: 125>, scalar_prefetch = 0 : i64, scratch_operands = 4 : i64, tpu.core_type = #tpu.core_type<tc>, window_params = [{transform_indices = @transform_0, window_bounds = array<i64: 3200, 128>}, {transform_indices = @transform_1, window_bounds = array<i64: 200, 3>}, {pipeline_mode = #tpu.pipeline_mode<synchronous>, transform_indices = @transform_2, window_bounds = array<i64: 3, 32>}, {pipeline_mode = #tpu.pipeline_mode<synchronous>, transform_indices = @transform_3, window_bounds = array<i64: 1, 32>}, {pipeline_mode = #tpu.pipeline_mode<synchronous>, transform_indices = @transform_4, window_bounds = array<i64: 32, 16>}, {pipeline_mode = #tpu.pipeline_mode<synchronous>, transform_indices = @transform_5, window_bounds = array<i64: 1, 16>}, {pipeline_mode = #tpu.pipeline_mode<synchronous>, transform_indices = @transform_6, window_bounds = array<i64: 16, 16>}, {pipeline_mode = #tpu.pipeline_mode<synchronous>, transform_indices = @transform_7, window_bounds = array<i64: 1, 16>}, {pipeline_mode = #tpu.pipeline_mode<synchronous>, transform_indices = @transform_8, window_bounds = array<i64: 16, 128, 128>}, {pipeline_mode = #tpu.pipeline_mode<synchronous>, transform_indices = @transform_9, window_bounds = array<i64: 1, 128>}, {transform_indices = @transform_10, window_bounds = array<i64: 200, 128>}]} {
    %get3A = arith.constant 0 : index
    %get3A_0 = arith.constant 0 : index
    %get3A_1 = vector.load %arg2[%get3A, %get3A_0] : memref<200x3xf32, #tpu.memory_space<vmem>>, vector<200x3xf32>
    %broadcast_in_dim3A = vector.shape_cast %get3A_1 : vector<200x3xf32> to vector<200x1x3xf32>
    %broadcast_in_dim3A_2 = vector.shape_cast %broadcast_in_dim3A : vector<200x1x3xf32> to vector<200x1x3xf32>
    %broadcast_in_dim3A_3 = vector.broadcast %broadcast_in_dim3A_2 : vector<200x1x3xf32> to vector<200x16x3xf32>
    %reshape3A = vector.shape_cast %broadcast_in_dim3A_3 : vector<200x16x3xf32> to vector<3200x3xf32>
    %get3A_4 = arith.constant 0 : index
    %get3A_5 = arith.constant 64 : index
    %get3A_6 = vector.load %arg1[%get3A_4, %get3A_5] : memref<3200x128xf32, #tpu.memory_space<vmem>>, vector<3200x3xf32>
    %sub3A = arith.subf %get3A_6, %reshape3A : vector<3200x3xf32>
    %get3A_7 = arith.constant 0 : index
    %get3A_8 = arith.constant 0 : index
    %get3A_9 = vector.load %arg3[%get3A_7, %get3A_8] : memref<3x32xf32, #tpu.memory_space<vmem>>, vector<3x32xf32>
    %dot_general3A = arith.constant dense<0.000000e+00> : vector<3200x32xf32>
    %dot_general3A_10 = tpu.matmul %sub3A, %get3A_9, %dot_general3A {dimension_numbers = #tpu.dot_dimension_numbers<[1], [0], [0], [1], [0, 0, 1, 1], [], []>, transpose_lhs_hint = false} : vector<3200x3xf32>, vector<3x32xf32>, vector<3200x32xf32> -> vector<3200x32xf32>
    %get3A_11 = arith.constant 0 : index
    %get3A_12 = arith.constant 0 : index
    %get3A_13 = vector.load %arg4[%get3A_11, %get3A_12] : memref<1x32xf32, #tpu.memory_space<vmem>>, vector<1x32xf32>
    %add3A = vector.broadcast %get3A_13 : vector<1x32xf32> to vector<3200x32xf32>
    %add3A_14 = arith.addf %dot_general3A_10, %add3A : vector<3200x32xf32>
    %max3A = arith.constant 0.000000e+00 : f32
    %max3A_15 = vector.broadcast %max3A : f32 to vector<3200x32xf32>
    %max3A_16 = arith.maximumf %add3A_14, %max3A_15 : vector<3200x32xf32>
    %get3A_17 = arith.constant 0 : index
    %get3A_18 = arith.constant 0 : index
    %get3A_19 = vector.load %arg5[%get3A_17, %get3A_18] : memref<32x16xf32, #tpu.memory_space<vmem>>, vector<32x16xf32>
    %dot_general3A_20 = arith.constant dense<0.000000e+00> : vector<3200x16xf32>
    %dot_general3A_21 = tpu.matmul %max3A_16, %get3A_19, %dot_general3A_20 {dimension_numbers = #tpu.dot_dimension_numbers<[1], [0], [0], [1], [0, 0, 1, 1], [], []>, transpose_lhs_hint = false} : vector<3200x32xf32>, vector<32x16xf32>, vector<3200x16xf32> -> vector<3200x16xf32>
    %get3A_22 = arith.constant 0 : index
    %get3A_23 = arith.constant 0 : index
    %get3A_24 = vector.load %arg6[%get3A_22, %get3A_23] : memref<1x16xf32, #tpu.memory_space<vmem>>, vector<1x16xf32>
    %add3A_25 = vector.broadcast %get3A_24 : vector<1x16xf32> to vector<3200x16xf32>
    %add3A_26 = arith.addf %dot_general3A_21, %add3A_25 : vector<3200x16xf32>
    %max3A_27 = arith.constant 0.000000e+00 : f32
    %max3A_28 = vector.broadcast %max3A_27 : f32 to vector<3200x16xf32>
    %max3A_29 = arith.maximumf %add3A_26, %max3A_28 : vector<3200x16xf32>
    %get3A_30 = arith.constant 0 : index
    %get3A_31 = arith.constant 0 : index
    %get3A_32 = vector.load %arg7[%get3A_30, %get3A_31] : memref<16x16xf32, #tpu.memory_space<vmem>>, vector<16x16xf32>
    %dot_general3A_33 = arith.constant dense<0.000000e+00> : vector<3200x16xf32>
    %dot_general3A_34 = tpu.matmul %max3A_29, %get3A_32, %dot_general3A_33 {dimension_numbers = #tpu.dot_dimension_numbers<[1], [0], [0], [1], [0, 0, 1, 1], [], []>, transpose_lhs_hint = false} : vector<3200x16xf32>, vector<16x16xf32>, vector<3200x16xf32> -> vector<3200x16xf32>
    %get3A_35 = arith.constant 0 : index
    %get3A_36 = arith.constant 0 : index
    %get3A_37 = vector.load %arg8[%get3A_35, %get3A_36] : memref<1x16xf32, #tpu.memory_space<vmem>>, vector<1x16xf32>
    %add3A_38 = vector.broadcast %get3A_37 : vector<1x16xf32> to vector<3200x16xf32>
    %add3A_39 = arith.addf %dot_general3A_34, %add3A_38 : vector<3200x16xf32>
    %max3A_40 = arith.constant 0.000000e+00 : f32
    %max3A_41 = vector.broadcast %max3A_40 : f32 to vector<3200x16xf32>
    %max3A_42 = arith.maximumf %add3A_39, %max3A_41 : vector<3200x16xf32>
    %swap3A = arith.constant 0 : index
    %swap3A_43 = arith.constant 0 : index
    %swap3A_44 = vector.load %arg12[%swap3A, %swap3A_43] : memref<3200x16xf32, #tpu.memory_space<vmem>>, vector<3200x16xf32>
    tpu.vector_store %arg12[%swap3A, %swap3A_43], %max3A_42 {strides = array<i32>} : memref<3200x16xf32, #tpu.memory_space<vmem>>, vector<3200x16xf32>,
    %eq3A = arith.constant 0 : i32
    %eq3A_45 = arith.cmpi eq, %arg0, %eq3A : i32
    %convert_element_type3A = arith.extui %eq3A_45 : i1 to i32
    %cond3A = arith.constant 0 : i32
    %cond3A_46 = arith.cmpi ne, %convert_element_type3A, %cond3A : i32
    scf.if %cond3A_46 {
      %broadcast_in_dim3A_2006 = arith.constant 0.000000e+00 : bf16
      %broadcast_in_dim3A_2007 = vector.broadcast %broadcast_in_dim3A_2006 : bf16 to vector<128x128xbf16>
      %swap3A_2008 = arith.constant 0 : index
      %swap3A_2009 = arith.constant 0 : index
      %swap3A_2010 = vector.load %arg14[%swap3A_2008, %swap3A_2009] : memref<128x128xbf16, #tpu.memory_space<vmem>>, vector<128x128xbf16>
      tpu.vector_store %arg14[%swap3A_2008, %swap3A_2009], %broadcast_in_dim3A_2007 {strides = array<i32>} : memref<128x128xbf16, #tpu.memory_space<vmem>>, vector<128x128xbf16>,
    } else {
    }
    %get3A_47 = arith.constant 0 : index
    %get3A_48 = arith.constant 0 : index
    %get3A_49 = vector.load %arg1[%get3A_47, %get3A_48] : memref<3200x128xf32, #tpu.memory_space<vmem>>, vector<3200x64xf32>
    %bitcast3A = tpu.bitcast %get3A_49 : vector<3200x64xf32> -> vector<3200x64xi32>
    %unpack_elementwise3A = tpu.unpack_elementwise %bitcast3A, 0 {source_type = i16} : vector<3200x64xi32> -> vector<3200x64xi32>
    %shift_left3A = arith.constant 16 : i32
    %shift_left3A_50 = vector.broadcast %shift_left3A : i32 to vector<3200x64xi32>
    %shift_left3A_51 = arith.shli %unpack_elementwise3A, %shift_left3A_50 : vector<3200x64xi32>
    %bitcast3A_52 = tpu.bitcast %shift_left3A_51 : vector<3200x64xi32> -> vector<3200x64xf32>
    %convert_element_type3A_53 = arith.truncf %bitcast3A_52 : vector<3200x64xf32> to vector<3200x64xbf16>
    %swap3A_54 = arith.constant 0 : index
    %swap3A_55 = arith.constant 0 : index
    %swap3A_56 = vector.load %arg15[%swap3A_54, %swap3A_55] : memref<3200x128xbf16, #tpu.memory_space<vmem>>, vector<3200x64xbf16>
    tpu.vector_store %arg15[%swap3A_54, %swap3A_55], %convert_element_type3A_53 {strides = array<i32>} : memref<3200x128xbf16, #tpu.memory_space<vmem>>, vector<3200x64xbf16>,
    %unpack_elementwise3A_57 = tpu.unpack_elementwise %bitcast3A, 1 {source_type = i16} : vector<3200x64xi32> -> vector<3200x64xi32>
    %shift_left3A_58 = arith.constant 16 : i32
    %shift_left3A_59 = vector.broadcast %shift_left3A_58 : i32 to vector<3200x64xi32>
    %shift_left3A_60 = arith.shli %unpack_elementwise3A_57, %shift_left3A_59 : vector<3200x64xi32>
    %bitcast3A_61 = tpu.bitcast %shift_left3A_60 : vector<3200x64xi32> -> vector<3200x64xf32>
    %convert_element_type3A_62 = arith.truncf %bitcast3A_61 : vector<3200x64xf32> to vector<3200x64xbf16>
    %swap3A_63 = arith.constant 0 : index
    %swap3A_64 = arith.constant 64 : index
    %swap3A_65 = vector.load %arg15[%swap3A_63, %swap3A_64] : memref<3200x128xbf16, #tpu.memory_space<vmem>>, vector<3200x64xbf16>
    tpu.vector_store %arg15[%swap3A_63, %swap3A_64], %convert_element_type3A_62 {strides = array<i32>} : memref<3200x128xbf16, #tpu.memory_space<vmem>>, vector<3200x64xbf16>,
    %get3A_66 = arith.constant 0 : index
    %get3A_67 = arith.constant 0 : index
    %get3A_68 = vector.load %arg12[%get3A_66, %get3A_67] : memref<3200x16xf32, #tpu.memory_space<vmem>>, vector<16x16xf32>
    %convert_element_type3A_69 = arith.truncf %get3A_68 : vector<16x16xf32> to vector<16x16xbf16>
    %swap3A_70 = arith.constant 0 : index
    %swap3A_71 = arith.constant 0 : index
    %swap3A_72 = vector.load %arg14[%swap3A_70, %swap3A_71] : memref<128x128xbf16, #tpu.memory_space<vmem>>, vector<16x16xbf16>
    tpu.vector_store %arg14[%swap3A_70, %swap3A_71], %convert_element_type3A_69 {strides = array<i32>} : memref<128x128xbf16, #tpu.memory_space<vmem>>, vector<16x16xbf16>,
    %get3A_73 = arith.constant 16 : index
    %get3A_74 = arith.constant 0 : index
    %get3A_75 = vector.load %arg12[%get3A_73, %get3A_74] : memref<3200x16xf32, #tpu.memory_space<vmem>>, vector<16x16xf32>
    %convert_element_type3A_76 = arith.truncf %get3A_75 : vector<16x16xf32> to vector<16x16xbf16>
    %swap3A_77 = arith.constant 16 : index
    %swap3A_78 = arith.constant 16 : index
    %swap3A_79 = vector.load %arg14[%swap3A_77, %swap3A_78] : memref<128x128xbf16, #tpu.memory_space<vmem>>, vector<16x16xbf16>
    tpu.vector_store %arg14[%swap3A_77, %swap3A_78], %convert_element_type3A_76 {strides = array<i32>} : memref<128x128xbf16, #tpu.memory_space<vmem>>, vector<16x16xbf16>,
    %get3A_80 = arith.constant 32 : index
    %get3A_81 = arith.constant 0 : index
    %get3A_82 = vector.load %arg12[%get3A_80, %get3A_81] : memref<3200x16xf32, #tpu.memory_space<vmem>>, vector<16x16xf32>
    %convert_element_type3A_83 = arith.truncf %get3A_82 : vector<16x16xf32> to vector<16x16xbf16>
    %swap3A_84 = arith.constant 32 : index
    %swap3A_85 = arith.constant 32 : index
    %swap3A_86 = vector.load %arg14[%swap3A_84, %swap3A_85] : memref<128x128xbf16, #tpu.memory_space<vmem>>, vector<16x16xbf16>
    tpu.vector_store %arg14[%swap3A_84, %swap3A_85], %convert_element_type3A_83 {strides = array<i32>} : memref<128x128xbf16, #tpu.memory_space<vmem>>, vector<16x16xbf16>,
    %get3A_87 = arith.constant 48 : index
    %get3A_88 = arith.constant 0 : index
    %get3A_89 = vector.load %arg12[%get3A_87, %get3A_88] : memref<3200x16xf32, #tpu.memory_space<vmem>>, vector<16x16xf32>
    %convert_element_type3A_90 = arith.truncf %get3A_89 : vector<16x16xf32> to vector<16x16xbf16>
    %swap3A_91 = arith.constant 48 : index
    %swap3A_92 = arith.constant 48 : index
    %swap3A_93 = vector.load %arg14[%swap3A_91, %swap3A_92] : memref<128x128xbf16, #tpu.memory_space<vmem>>, vector<16x16xbf16>
    tpu.vector_store %arg14[%swap3A_91, %swap3A_92], %convert_element_type3A_90 {strides = array<i32>} : memref<128x128xbf16, #tpu.memory_space<vmem>>, vector<16x16xbf16>,
    %get3A_94 = arith.constant 64 : index
    %get3A_95 = arith.constant 0 : index
    %get3A_96 = vector.load %arg12[%get3A_94, %get3A_95] : memref<3200x16xf32, #tpu.memory_space<vmem>>, vector<16x16xf32>
    %convert_element_type3A_97 = arith.truncf %get3A_96 : vector<16x16xf32> to vector<16x16xbf16>
    %swap3A_98 = arith.constant 64 : index
    %swap3A_99 = arith.constant 64 : index
    %swap3A_100 = vector.load %arg14[%swap3A_98, %swap3A_99] : memref<128x128xbf16, #tpu.memory_space<vmem>>, vector<16x16xbf16>
    tpu.vector_store %arg14[%swap3A_98, %swap3A_99], %convert_element_type3A_97 {strides = array<i32>} : memref<128x128xbf16, #tpu.memory_space<vmem>>, vector<16x16xbf16>,
    %get3A_101 = arith.constant 80 : index
    %get3A_102 = arith.constant 0 : index
    %get3A_103 = vector.load %arg12[%get3A_101, %get3A_102] : memref<3200x16xf32, #tpu.memory_space<vmem>>, vector<16x16xf32>
    %convert_element_type3A_104 = arith.truncf %get3A_103 : vector<16x16xf32> to vector<16x16xbf16>
    %swap3A_105 = arith.constant 80 : index
    %swap3A_106 = arith.constant 80 : index
    %swap3A_107 = vector.load %arg14[%swap3A_105, %swap3A_106] : memref<128x128xbf16, #tpu.memory_space<vmem>>, vector<16x16xbf16>
    tpu.vector_store %arg14[%swap3A_105, %swap3A_106], %convert_element_type3A_104 {strides = array<i32>} : memref<128x128xbf16, #tpu.memory_space<vmem>>, vector<16x16xbf16>,
    %get3A_108 = arith.constant 96 : index
    %get3A_109 = arith.constant 0 : index
    %get3A_110 = vector.load %arg12[%get3A_108, %get3A_109] : memref<3200x16xf32, #tpu.memory_space<vmem>>, vector<16x16xf32>
    %convert_element_type3A_111 = arith.truncf %get3A_110 : vector<16x16xf32> to vector<16x16xbf16>
    %swap3A_112 = arith.constant 96 : index
    %swap3A_113 = arith.constant 96 : index
    %swap3A_114 = vector.load %arg14[%swap3A_112, %swap3A_113] : memref<128x128xbf16, #tpu.memory_space<vmem>>, vector<16x16xbf16>
    tpu.vector_store %arg14[%swap3A_112, %swap3A_113], %convert_element_type3A_111 {strides = array<i32>} : memref<128x128xbf16, #tpu.memory_space<vmem>>, vector<16x16xbf16>,
    %get3A_115 = arith.constant 112 : index
    %get3A_116 = arith.constant 0 : index
    %get3A_117 = vector.load %arg12[%get3A_115, %get3A_116] : memref<3200x16xf32, #tpu.memory_space<vmem>>, vector<16x16xf32>
    %convert_element_type3A_118 = arith.truncf %get3A_117 : vector<16x16xf32> to vector<16x16xbf16>
    %swap3A_119 = arith.constant 112 : index
    %swap3A_120 = arith.constant 112 : index
    %swap3A_121 = vector.load %arg14[%swap3A_119, %swap3A_120] : memref<128x128xbf16, #tpu.memory_space<vmem>>, vector<16x16xbf16>
    tpu.vector_store %arg14[%swap3A_119, %swap3A_120], %convert_element_type3A_118 {strides = array<i32>} : memref<128x128xbf16, #tpu.memory_space<vmem>>, vector<16x16xbf16>,
    %get3A_122 = arith.constant 0 : index
    %get3A_123 = arith.constant 0 : index
    %get3A_124 = vector.load %arg15[%get3A_122, %get3A_123] : memref<3200x128xbf16, #tpu.memory_space<vmem>>, vector<128x128xbf16>
    %get3A_125 = arith.constant 0 : index
    %get3A_126 = arith.constant 0 : index
    %get3A_127 = vector.load %arg14[%get3A_125, %get3A_126] : memref<128x128xbf16, #tpu.memory_space<vmem>>, vector<128x128xbf16>
    %dot_general3A_128 = arith.constant dense<0.000000e+00> : vector<128x128xf32>
    %dot_general3A_129 = tpu.matmul %get3A_127, %get3A_124, %dot_general3A_128 {dimension_numbers = #tpu.dot_dimension_numbers<[0], [0], [1], [1], [0, 1, 1, 1], [], []>, transpose_lhs_hint = false} : vector<128x128xbf16>, vector<128x128xbf16>, vector<128x128xf32> -> vector<128x128xf32>
    %reshape3A_130 = vector.shape_cast %dot_general3A_129 : vector<128x128xf32> to vector<8x16x128xf32>
    %swap3A_131 = arith.constant 0 : index
    %swap3A_132 = arith.constant 0 : index
    %swap3A_133 = arith.constant 0 : index
    %swap3A_134 = vector.load %arg13[%swap3A_131, %swap3A_132, %swap3A_133] : memref<200x16x128xf32, #tpu.memory_space<vmem>>, vector<8x16x128xf32>
    tpu.vector_store %arg13[%swap3A_131, %swap3A_132, %swap3A_133], %reshape3A_130 {strides = array<i32>} : memref<200x16x128xf32, #tpu.memory_space<vmem>>, vector<8x16x128xf32>,
    %get3A_135 = arith.constant 128 : index
    %get3A_136 = arith.constant 0 : index
    %get3A_137 = vector.load %arg12[%get3A_135, %get3A_136] : memref<3200x16xf32, #tpu.memory_space<vmem>>, vector<16x16xf32>
    %convert_element_type3A_138 = arith.truncf %get3A_137 : vector<16x16xf32> to vector<16x16xbf16>
    %swap3A_139 = arith.constant 0 : index
    %swap3A_140 = arith.constant 0 : index
    %swap3A_141 = vector.load %arg14[%swap3A_139, %swap3A_140] : memref<128x128xbf16, #tpu.memory_space<vmem>>, vector<16x16xbf16>
    tpu.vector_store %arg14[%swap3A_139, %swap3A_140], %convert_element_type3A_138 {strides = array<i32>} : memref<128x128xbf16, #tpu.memory_space<vmem>>, vector<16x16xbf16>,
    %get3A_142 = arith.constant 144 : index
    %get3A_143 = arith.constant 0 : index
    %get3A_144 = vector.load %arg12[%get3A_142, %get3A_143] : memref<3200x16xf32, #tpu.memory_space<vmem>>, vector<16x16xf32>
    %convert_element_type3A_145 = arith.truncf %get3A_144 : vector<16x16xf32> to vector<16x16xbf16>
    %swap3A_146 = arith.constant 16 : index
    %swap3A_147 = arith.constant 16 : index
    %swap3A_148 = vector.load %arg14[%swap3A_146, %swap3A_147] : memref<128x128xbf16, #tpu.memory_space<vmem>>, vector<16x16xbf16>
    tpu.vector_store %arg14[%swap3A_146, %swap3A_147], %convert_element_type3A_145 {strides = array<i32>} : memref<128x128xbf16, #tpu.memory_space<vmem>>, vector<16x16xbf16>,
    %get3A_149 = arith.constant 160 : index
    %get3A_150 = arith.constant 0 : index
    %get3A_151 = vector.load %arg12[%get3A_149, %get3A_150] : memref<3200x16xf32, #tpu.memory_space<vmem>>, vector<16x16xf32>
    %convert_element_type3A_152 = arith.truncf %get3A_151 : vector<16x16xf32> to vector<16x16xbf16>
    %swap3A_153 = arith.constant 32 : index
    %swap3A_154 = arith.constant 32 : index
    %swap3A_155 = vector.load %arg14[%swap3A_153, %swap3A_154] : memref<128x128xbf16, #tpu.memory_space<vmem>>, vector<16x16xbf16>
    tpu.vector_store %arg14[%swap3A_153, %swap3A_154], %convert_element_type3A_152 {strides = array<i32>} : memref<128x128xbf16, #tpu.memory_space<vmem>>, vector<16x16xbf16>,
    %get3A_156 = arith.constant 176 : index
    %get3A_157 = arith.constant 0 : index
    %get3A_158 = vector.load %arg12[%get3A_156, %get3A_157] : memref<3200x16xf32, #tpu.memory_space<vmem>>, vector<16x16xf32>
    %convert_element_type3A_159 = arith.truncf %get3A_158 : vector<16x16xf32> to vector<16x16xbf16>
    %swap3A_160 = arith.constant 48 : index
    %swap3A_161 = arith.constant 48 : index
    %swap3A_162 = vector.load %arg14[%swap3A_160, %swap3A_161] : memref<128x128xbf16, #tpu.memory_space<vmem>>, vector<16x16xbf16>
    tpu.vector_store %arg14[%swap3A_160, %swap3A_161], %convert_element_type3A_159 {strides = array<i32>} : memref<128x128xbf16, #tpu.memory_space<vmem>>, vector<16x16xbf16>,
    %get3A_163 = arith.constant 192 : index
    %get3A_164 = arith.constant 0 : index
    %get3A_165 = vector.load %arg12[%get3A_163, %get3A_164] : memref<3200x16xf32, #tpu.memory_space<vmem>>, vector<16x16xf32>
    %convert_element_type3A_166 = arith.truncf %get3A_165 : vector<16x16xf32> to vector<16x16xbf16>
    %swap3A_167 = arith.constant 64 : index
    %swap3A_168 = arith.constant 64 : index
    %swap3A_169 = vector.load %arg14[%swap3A_167, %swap3A_168] : memref<128x128xbf16, #tpu.memory_space<vmem>>, vector<16x16xbf16>
    tpu.vector_store %arg14[%swap3A_167, %swap3A_168], %convert_element_type3A_166 {strides = array<i32>} : memref<128x128xbf16, #tpu.memory_space<vmem>>, vector<16x16xbf16>,
    %get3A_170 = arith.constant 208 : index
    %get3A_171 = arith.constant 0 : index
    %get3A_172 = vector.load %arg12[%get3A_170, %get3A_171] : memref<3200x16xf32, #tpu.memory_space<vmem>>, vector<16x16xf32>
    %convert_element_type3A_173 = arith.truncf %get3A_172 : vector<16x16xf32> to vector<16x16xbf16>
    %swap3A_174 = arith.constant 80 : index
    %swap3A_175 = arith.constant 80 : index
    %swap3A_176 = vector.load %arg14[%swap3A_174, %swap3A_175] : memref<128x128xbf16, #tpu.memory_space<vmem>>, vector<16x16xbf16>
    tpu.vector_store %arg14[%swap3A_174, %swap3A_175], %convert_element_type3A_173 {strides = array<i32>} : memref<128x128xbf16, #tpu.memory_space<vmem>>, vector<16x16xbf16>,
    %get3A_177 = arith.constant 224 : index
    %get3A_178 = arith.constant 0 : index
    %get3A_179 = vector.load %arg12[%get3A_177, %get3A_178] : memref<3200x16xf32, #tpu.memory_space<vmem>>, vector<16x16xf32>
    %convert_element_type3A_180 = arith.truncf %get3A_179 : vector<16x16xf32> to vector<16x16xbf16>
    %swap3A_181 = arith.constant 96 : index
    %swap3A_182 = arith.constant 96 : index
    %swap3A_183 = vector.load %arg14[%swap3A_181, %swap3A_182] : memref<128x128xbf16, #tpu.memory_space<vmem>>, vector<16x16xbf16>
    tpu.vector_store %arg14[%swap3A_181, %swap3A_182], %convert_element_type3A_180 {strides = array<i32>} : memref<128x128xbf16, #tpu.memory_space<vmem>>, vector<16x16xbf16>,
    %get3A_184 = arith.constant 240 : index
    %get3A_185 = arith.constant 0 : index
    %get3A_186 = vector.load %arg12[%get3A_184, %get3A_185] : memref<3200x16xf32, #tpu.memory_space<vmem>>, vector<16x16xf32>
    %convert_element_type3A_187 = arith.truncf %get3A_186 : vector<16x16xf32> to vector<16x16xbf16>
    %swap3A_188 = arith.constant 112 : index
    %swap3A_189 = arith.constant 112 : index
    %swap3A_190 = vector.load %arg14[%swap3A_188, %swap3A_189] : memref<128x128xbf16, #tpu.memory_space<vmem>>, vector<16x16xbf16>
    tpu.vector_store %arg14[%swap3A_188, %swap3A_189], %convert_element_type3A_187 {strides = array<i32>} : memref<128x128xbf16, #tpu.memory_space<vmem>>, vector<16x16xbf16>,
    %get3A_191 = arith.constant 128 : index
    %get3A_192 = arith.constant 0 : index
    %get3A_193 = vector.load %arg15[%get3A_191, %get3A_192] : memref<3200x128xbf16, #tpu.memory_space<vmem>>, vector<128x128xbf16>
    %get3A_194 = arith.constant 0 : index
    %get3A_195 = arith.constant 0 : index
    %get3A_196 = vector.load %arg14[%get3A_194, %get3A_195] : memref<128x128xbf16, #tpu.memory_space<vmem>>, vector<128x128xbf16>
    %dot_general3A_197 = arith.constant dense<0.000000e+00> : vector<128x128xf32>
    %dot_general3A_198 = tpu.matmul %get3A_196, %get3A_193, %dot_general3A_197 {dimension_numbers = #tpu.dot_dimension_numbers<[0], [0], [1], [1], [0, 1, 1, 1], [], []>, transpose_lhs_hint = false} : vector<128x128xbf16>, vector<128x128xbf16>, vector<128x128xf32> -> vector<128x128xf32>
    %reshape3A_199 = vector.shape_cast %dot_general3A_198 : vector<128x128xf32> to vector<8x16x128xf32>
    %swap3A_200 = arith.constant 8 : index
    %swap3A_201 = arith.constant 0 : index
    %swap3A_202 = arith.constant 0 : index
    %swap3A_203 = vector.load %arg13[%swap3A_200, %swap3A_201, %swap3A_202] : memref<200x16x128xf32, #tpu.memory_space<vmem>>, vector<8x16x128xf32>
    tpu.vector_store %arg13[%swap3A_200, %swap3A_201, %swap3A_202], %reshape3A_199 {strides = array<i32>} : memref<200x16x128xf32, #tpu.memory_space<vmem>>, vector<8x16x128xf32>,
    %get3A_204 = arith.constant 256 : index
    %get3A_205 = arith.constant 0 : index
    %get3A_206 = vector.load %arg12[%get3A_204, %get3A_205] : memref<3200x16xf32, #tpu.memory_space<vmem>>, vector<16x16xf32>
    %convert_element_type3A_207 = arith.truncf %get3A_206 : vector<16x16xf32> to vector<16x16xbf16>
    %swap3A_208 = arith.constant 0 : index
    %swap3A_209 = arith.constant 0 : index
    %swap3A_210 = vector.load %arg14[%swap3A_208, %swap3A_209] : memref<128x128xbf16, #tpu.memory_space<vmem>>, vector<16x16xbf16>
    tpu.vector_store %arg14[%swap3A_208, %swap3A_209], %convert_element_type3A_207 {strides = array<i32>} : memref<128x128xbf16, #tpu.memory_space<vmem>>, vector<16x16xbf16>,
    %get3A_211 = arith.constant 272 : index
    %get3A_212 = arith.constant 0 : index
    %get3A_213 = vector.load %arg12[%get3A_211, %get3A_212] : memref<3200x16xf32, #tpu.memory_space<vmem>>, vector<16x16xf32>
    %convert_element_type3A_214 = arith.truncf %get3A_213 : vector<16x16xf32> to vector<16x16xbf16>
    %swap3A_215 = arith.constant 16 : index
    %swap3A_216 = arith.constant 16 : index
    %swap3A_217 = vector.load %arg14[%swap3A_215, %swap3A_216] : memref<128x128xbf16, #tpu.memory_space<vmem>>, vector<16x16xbf16>
    tpu.vector_store %arg14[%swap3A_215, %swap3A_216], %convert_element_type3A_214 {strides = array<i32>} : memref<128x128xbf16, #tpu.memory_space<vmem>>, vector<16x16xbf16>,
    %get3A_218 = arith.constant 288 : index
    %get3A_219 = arith.constant 0 : index
    %get3A_220 = vector.load %arg12[%get3A_218, %get3A_219] : memref<3200x16xf32, #tpu.memory_space<vmem>>, vector<16x16xf32>
    %convert_element_type3A_221 = arith.truncf %get3A_220 : vector<16x16xf32> to vector<16x16xbf16>
    %swap3A_222 = arith.constant 32 : index
    %swap3A_223 = arith.constant 32 : index
    %swap3A_224 = vector.load %arg14[%swap3A_222, %swap3A_223] : memref<128x128xbf16, #tpu.memory_space<vmem>>, vector<16x16xbf16>
    tpu.vector_store %arg14[%swap3A_222, %swap3A_223], %convert_element_type3A_221 {strides = array<i32>} : memref<128x128xbf16, #tpu.memory_space<vmem>>, vector<16x16xbf16>,
    %get3A_225 = arith.constant 304 : index
    %get3A_226 = arith.constant 0 : index
    %get3A_227 = vector.load %arg12[%get3A_225, %get3A_226] : memref<3200x16xf32, #tpu.memory_space<vmem>>, vector<16x16xf32>
    %convert_element_type3A_228 = arith.truncf %get3A_227 : vector<16x16xf32> to vector<16x16xbf16>
    %swap3A_229 = arith.constant 48 : index
    %swap3A_230 = arith.constant 48 : index
    %swap3A_231 = vector.load %arg14[%swap3A_229, %swap3A_230] : memref<128x128xbf16, #tpu.memory_space<vmem>>, vector<16x16xbf16>
    tpu.vector_store %arg14[%swap3A_229, %swap3A_230], %convert_element_type3A_228 {strides = array<i32>} : memref<128x128xbf16, #tpu.memory_space<vmem>>, vector<16x16xbf16>,
    %get3A_232 = arith.constant 320 : index
    %get3A_233 = arith.constant 0 : index
    %get3A_234 = vector.load %arg12[%get3A_232, %get3A_233] : memref<3200x16xf32, #tpu.memory_space<vmem>>, vector<16x16xf32>
    %convert_element_type3A_235 = arith.truncf %get3A_234 : vector<16x16xf32> to vector<16x16xbf16>
    %swap3A_236 = arith.constant 64 : index
    %swap3A_237 = arith.constant 64 : index
    %swap3A_238 = vector.load %arg14[%swap3A_236, %swap3A_237] : memref<128x128xbf16, #tpu.memory_space<vmem>>, vector<16x16xbf16>
    tpu.vector_store %arg14[%swap3A_236, %swap3A_237], %convert_element_type3A_235 {strides = array<i32>} : memref<128x128xbf16, #tpu.memory_space<vmem>>, vector<16x16xbf16>,
    %get3A_239 = arith.constant 336 : index
    %get3A_240 = arith.constant 0 : index
    %get3A_241 = vector.load %arg12[%get3A_239, %get3A_240] : memref<3200x16xf32, #tpu.memory_space<vmem>>, vector<16x16xf32>
    %convert_element_type3A_242 = arith.truncf %get3A_241 : vector<16x16xf32> to vector<16x16xbf16>
    %swap3A_243 = arith.constant 80 : index
    %swap3A_244 = arith.constant 80 : index
    %swap3A_245 = vector.load %arg14[%swap3A_243, %swap3A_244] : memref<128x128xbf16, #tpu.memory_space<vmem>>, vector<16x16xbf16>
    tpu.vector_store %arg14[%swap3A_243, %swap3A_244], %convert_element_type3A_242 {strides = array<i32>} : memref<128x128xbf16, #tpu.memory_space<vmem>>, vector<16x16xbf16>,
    %get3A_246 = arith.constant 352 : index
    %get3A_247 = arith.constant 0 : index
    %get3A_248 = vector.load %arg12[%get3A_246, %get3A_247] : memref<3200x16xf32, #tpu.memory_space<vmem>>, vector<16x16xf32>
    %convert_element_type3A_249 = arith.truncf %get3A_248 : vector<16x16xf32> to vector<16x16xbf16>
    %swap3A_250 = arith.constant 96 : index
    %swap3A_251 = arith.constant 96 : index
    %swap3A_252 = vector.load %arg14[%swap3A_250, %swap3A_251] : memref<128x128xbf16, #tpu.memory_space<vmem>>, vector<16x16xbf16>
    tpu.vector_store %arg14[%swap3A_250, %swap3A_251], %convert_element_type3A_249 {strides = array<i32>} : memref<128x128xbf16, #tpu.memory_space<vmem>>, vector<16x16xbf16>,
    %get3A_253 = arith.constant 368 : index
    %get3A_254 = arith.constant 0 : index
    %get3A_255 = vector.load %arg12[%get3A_253, %get3A_254] : memref<3200x16xf32, #tpu.memory_space<vmem>>, vector<16x16xf32>
    %convert_element_type3A_256 = arith.truncf %get3A_255 : vector<16x16xf32> to vector<16x16xbf16>
    %swap3A_257 = arith.constant 112 : index
    %swap3A_258 = arith.constant 112 : index
    %swap3A_259 = vector.load %arg14[%swap3A_257, %swap3A_258] : memref<128x128xbf16, #tpu.memory_space<vmem>>, vector<16x16xbf16>
    tpu.vector_store %arg14[%swap3A_257, %swap3A_258], %convert_element_type3A_256 {strides = array<i32>} : memref<128x128xbf16, #tpu.memory_space<vmem>>, vector<16x16xbf16>,
    %get3A_260 = arith.constant 256 : index
    %get3A_261 = arith.constant 0 : index
    %get3A_262 = vector.load %arg15[%get3A_260, %get3A_261] : memref<3200x128xbf16, #tpu.memory_space<vmem>>, vector<128x128xbf16>
    %get3A_263 = arith.constant 0 : index
    %get3A_264 = arith.constant 0 : index
    %get3A_265 = vector.load %arg14[%get3A_263, %get3A_264] : memref<128x128xbf16, #tpu.memory_space<vmem>>, vector<128x128xbf16>
    %dot_general3A_266 = arith.constant dense<0.000000e+00> : vector<128x128xf32>
    %dot_general3A_267 = tpu.matmul %get3A_265, %get3A_262, %dot_general3A_266 {dimension_numbers = #tpu.dot_dimension_numbers<[0], [0], [1], [1], [0, 1, 1, 1], [], []>, transpose_lhs_hint = false} : vector<128x128xbf16>, vector<128x128xbf16>, vector<128x128xf32> -> vector<128x128xf32>
    %reshape3A_268 = vector.shape_cast %dot_general3A_267 : vector<128x128xf32> to vector<8x16x128xf32>
    %swap3A_269 = arith.constant 16 : index
    %swap3A_270 = arith.constant 0 : index
    %swap3A_271 = arith.constant 0 : index
    %swap3A_272 = vector.load %arg13[%swap3A_269, %swap3A_270, %swap3A_271] : memref<200x16x128xf32, #tpu.memory_space<vmem>>, vector<8x16x128xf32>
    tpu.vector_store %arg13[%swap3A_269, %swap3A_270, %swap3A_271], %reshape3A_268 {strides = array<i32>} : memref<200x16x128xf32, #tpu.memory_space<vmem>>, vector<8x16x128xf32>,
    %get3A_273 = arith.constant 384 : index
    %get3A_274 = arith.constant 0 : index
    %get3A_275 = vector.load %arg12[%get3A_273, %get3A_274] : memref<3200x16xf32, #tpu.memory_space<vmem>>, vector<16x16xf32>
    %convert_element_type3A_276 = arith.truncf %get3A_275 : vector<16x16xf32> to vector<16x16xbf16>
    %swap3A_277 = arith.constant 0 : index
    %swap3A_278 = arith.constant 0 : index
    %swap3A_279 = vector.load %arg14[%swap3A_277, %swap3A_278] : memref<128x128xbf16, #tpu.memory_space<vmem>>, vector<16x16xbf16>
    tpu.vector_store %arg14[%swap3A_277, %swap3A_278], %convert_element_type3A_276 {strides = array<i32>} : memref<128x128xbf16, #tpu.memory_space<vmem>>, vector<16x16xbf16>,
    %get3A_280 = arith.constant 400 : index
    %get3A_281 = arith.constant 0 : index
    %get3A_282 = vector.load %arg12[%get3A_280, %get3A_281] : memref<3200x16xf32, #tpu.memory_space<vmem>>, vector<16x16xf32>
    %convert_element_type3A_283 = arith.truncf %get3A_282 : vector<16x16xf32> to vector<16x16xbf16>
    %swap3A_284 = arith.constant 16 : index
    %swap3A_285 = arith.constant 16 : index
    %swap3A_286 = vector.load %arg14[%swap3A_284, %swap3A_285] : memref<128x128xbf16, #tpu.memory_space<vmem>>, vector<16x16xbf16>
    tpu.vector_store %arg14[%swap3A_284, %swap3A_285], %convert_element_type3A_283 {strides = array<i32>} : memref<128x128xbf16, #tpu.memory_space<vmem>>, vector<16x16xbf16>,
    %get3A_287 = arith.constant 416 : index
    %get3A_288 = arith.constant 0 : index
    %get3A_289 = vector.load %arg12[%get3A_287, %get3A_288] : memref<3200x16xf32, #tpu.memory_space<vmem>>, vector<16x16xf32>
    %convert_element_type3A_290 = arith.truncf %get3A_289 : vector<16x16xf32> to vector<16x16xbf16>
    %swap3A_291 = arith.constant 32 : index
    %swap3A_292 = arith.constant 32 : index
    %swap3A_293 = vector.load %arg14[%swap3A_291, %swap3A_292] : memref<128x128xbf16, #tpu.memory_space<vmem>>, vector<16x16xbf16>
    tpu.vector_store %arg14[%swap3A_291, %swap3A_292], %convert_element_type3A_290 {strides = array<i32>} : memref<128x128xbf16, #tpu.memory_space<vmem>>, vector<16x16xbf16>,
    %get3A_294 = arith.constant 432 : index
    %get3A_295 = arith.constant 0 : index
    %get3A_296 = vector.load %arg12[%get3A_294, %get3A_295] : memref<3200x16xf32, #tpu.memory_space<vmem>>, vector<16x16xf32>
    %convert_element_type3A_297 = arith.truncf %get3A_296 : vector<16x16xf32> to vector<16x16xbf16>
    %swap3A_298 = arith.constant 48 : index
    %swap3A_299 = arith.constant 48 : index
    %swap3A_300 = vector.load %arg14[%swap3A_298, %swap3A_299] : memref<128x128xbf16, #tpu.memory_space<vmem>>, vector<16x16xbf16>
    tpu.vector_store %arg14[%swap3A_298, %swap3A_299], %convert_element_type3A_297 {strides = array<i32>} : memref<128x128xbf16, #tpu.memory_space<vmem>>, vector<16x16xbf16>,
    %get3A_301 = arith.constant 448 : index
    %get3A_302 = arith.constant 0 : index
    %get3A_303 = vector.load %arg12[%get3A_301, %get3A_302] : memref<3200x16xf32, #tpu.memory_space<vmem>>, vector<16x16xf32>
    %convert_element_type3A_304 = arith.truncf %get3A_303 : vector<16x16xf32> to vector<16x16xbf16>
    %swap3A_305 = arith.constant 64 : index
    %swap3A_306 = arith.constant 64 : index
    %swap3A_307 = vector.load %arg14[%swap3A_305, %swap3A_306] : memref<128x128xbf16, #tpu.memory_space<vmem>>, vector<16x16xbf16>
    tpu.vector_store %arg14[%swap3A_305, %swap3A_306], %convert_element_type3A_304 {strides = array<i32>} : memref<128x128xbf16, #tpu.memory_space<vmem>>, vector<16x16xbf16>,
    %get3A_308 = arith.constant 464 : index
    %get3A_309 = arith.constant 0 : index
    %get3A_310 = vector.load %arg12[%get3A_308, %get3A_309] : memref<3200x16xf32, #tpu.memory_space<vmem>>, vector<16x16xf32>
    %convert_element_type3A_311 = arith.truncf %get3A_310 : vector<16x16xf32> to vector<16x16xbf16>
    %swap3A_312 = arith.constant 80 : index
    %swap3A_313 = arith.constant 80 : index
    %swap3A_314 = vector.load %arg14[%swap3A_312, %swap3A_313] : memref<128x128xbf16, #tpu.memory_space<vmem>>, vector<16x16xbf16>
    tpu.vector_store %arg14[%swap3A_312, %swap3A_313], %convert_element_type3A_311 {strides = array<i32>} : memref<128x128xbf16, #tpu.memory_space<vmem>>, vector<16x16xbf16>,
    %get3A_315 = arith.constant 480 : index
    %get3A_316 = arith.constant 0 : index
    %get3A_317 = vector.load %arg12[%get3A_315, %get3A_316] : memref<3200x16xf32, #tpu.memory_space<vmem>>, vector<16x16xf32>
    %convert_element_type3A_318 = arith.truncf %get3A_317 : vector<16x16xf32> to vector<16x16xbf16>
    %swap3A_319 = arith.constant 96 : index
    %swap3A_320 = arith.constant 96 : index
    %swap3A_321 = vector.load %arg14[%swap3A_319, %swap3A_320] : memref<128x128xbf16, #tpu.memory_space<vmem>>, vector<16x16xbf16>
    tpu.vector_store %arg14[%swap3A_319, %swap3A_320], %convert_element_type3A_318 {strides = array<i32>} : memref<128x128xbf16, #tpu.memory_space<vmem>>, vector<16x16xbf16>,
    %get3A_322 = arith.constant 496 : index
    %get3A_323 = arith.constant 0 : index
    %get3A_324 = vector.load %arg12[%get3A_322, %get3A_323] : memref<3200x16xf32, #tpu.memory_space<vmem>>, vector<16x16xf32>
    %convert_element_type3A_325 = arith.truncf %get3A_324 : vector<16x16xf32> to vector<16x16xbf16>
    %swap3A_326 = arith.constant 112 : index
    %swap3A_327 = arith.constant 112 : index
    %swap3A_328 = vector.load %arg14[%swap3A_326, %swap3A_327] : memref<128x128xbf16, #tpu.memory_space<vmem>>, vector<16x16xbf16>
    tpu.vector_store %arg14[%swap3A_326, %swap3A_327], %convert_element_type3A_325 {strides = array<i32>} : memref<128x128xbf16, #tpu.memory_space<vmem>>, vector<16x16xbf16>,
    %get3A_329 = arith.constant 384 : index
    %get3A_330 = arith.constant 0 : index
    %get3A_331 = vector.load %arg15[%get3A_329, %get3A_330] : memref<3200x128xbf16, #tpu.memory_space<vmem>>, vector<128x128xbf16>
    %get3A_332 = arith.constant 0 : index
    %get3A_333 = arith.constant 0 : index
    %get3A_334 = vector.load %arg14[%get3A_332, %get3A_333] : memref<128x128xbf16, #tpu.memory_space<vmem>>, vector<128x128xbf16>
    %dot_general3A_335 = arith.constant dense<0.000000e+00> : vector<128x128xf32>
    %dot_general3A_336 = tpu.matmul %get3A_334, %get3A_331, %dot_general3A_335 {dimension_numbers = #tpu.dot_dimension_numbers<[0], [0], [1], [1], [0, 1, 1, 1], [], []>, transpose_lhs_hint = false} : vector<128x128xbf16>, vector<128x128xbf16>, vector<128x128xf32> -> vector<128x128xf32>
    %reshape3A_337 = vector.shape_cast %dot_general3A_336 : vector<128x128xf32> to vector<8x16x128xf32>
    %swap3A_338 = arith.constant 24 : index
    %swap3A_339 = arith.constant 0 : index
    %swap3A_340 = arith.constant 0 : index
    %swap3A_341 = vector.load %arg13[%swap3A_338, %swap3A_339, %swap3A_340] : memref<200x16x128xf32, #tpu.memory_space<vmem>>, vector<8x16x128xf32>
    tpu.vector_store %arg13[%swap3A_338, %swap3A_339, %swap3A_340], %reshape3A_337 {strides = array<i32>} : memref<200x16x128xf32, #tpu.memory_space<vmem>>, vector<8x16x128xf32>,
    %get3A_342 = arith.constant 512 : index
    %get3A_343 = arith.constant 0 : index
    %get3A_344 = vector.load %arg12[%get3A_342, %get3A_343] : memref<3200x16xf32, #tpu.memory_space<vmem>>, vector<16x16xf32>
    %convert_element_type3A_345 = arith.truncf %get3A_344 : vector<16x16xf32> to vector<16x16xbf16>
    %swap3A_346 = arith.constant 0 : index
    %swap3A_347 = arith.constant 0 : index
    %swap3A_348 = vector.load %arg14[%swap3A_346, %swap3A_347] : memref<128x128xbf16, #tpu.memory_space<vmem>>, vector<16x16xbf16>
    tpu.vector_store %arg14[%swap3A_346, %swap3A_347], %convert_element_type3A_345 {strides = array<i32>} : memref<128x128xbf16, #tpu.memory_space<vmem>>, vector<16x16xbf16>,
    %get3A_349 = arith.constant 528 : index
    %get3A_350 = arith.constant 0 : index
    %get3A_351 = vector.load %arg12[%get3A_349, %get3A_350] : memref<3200x16xf32, #tpu.memory_space<vmem>>, vector<16x16xf32>
    %convert_element_type3A_352 = arith.truncf %get3A_351 : vector<16x16xf32> to vector<16x16xbf16>
    %swap3A_353 = arith.constant 16 : index
    %swap3A_354 = arith.constant 16 : index
    %swap3A_355 = vector.load %arg14[%swap3A_353, %swap3A_354] : memref<128x128xbf16, #tpu.memory_space<vmem>>, vector<16x16xbf16>
    tpu.vector_store %arg14[%swap3A_353, %swap3A_354], %convert_element_type3A_352 {strides = array<i32>} : memref<128x128xbf16, #tpu.memory_space<vmem>>, vector<16x16xbf16>,
    %get3A_356 = arith.constant 544 : index
    %get3A_357 = arith.constant 0 : index
    %get3A_358 = vector.load %arg12[%get3A_356, %get3A_357] : memref<3200x16xf32, #tpu.memory_space<vmem>>, vector<16x16xf32>
    %convert_element_type3A_359 = arith.truncf %get3A_358 : vector<16x16xf32> to vector<16x16xbf16>
    %swap3A_360 = arith.constant 32 : index
    %swap3A_361 = arith.constant 32 : index
    %swap3A_362 = vector.load %arg14[%swap3A_360, %swap3A_361] : memref<128x128xbf16, #tpu.memory_space<vmem>>, vector<16x16xbf16>
    tpu.vector_store %arg14[%swap3A_360, %swap3A_361], %convert_element_type3A_359 {strides = array<i32>} : memref<128x128xbf16, #tpu.memory_space<vmem>>, vector<16x16xbf16>,
    %get3A_363 = arith.constant 560 : index
    %get3A_364 = arith.constant 0 : index
    %get3A_365 = vector.load %arg12[%get3A_363, %get3A_364] : memref<3200x16xf32, #tpu.memory_space<vmem>>, vector<16x16xf32>
    %convert_element_type3A_366 = arith.truncf %get3A_365 : vector<16x16xf32> to vector<16x16xbf16>
    %swap3A_367 = arith.constant 48 : index
    %swap3A_368 = arith.constant 48 : index
    %swap3A_369 = vector.load %arg14[%swap3A_367, %swap3A_368] : memref<128x128xbf16, #tpu.memory_space<vmem>>, vector<16x16xbf16>
    tpu.vector_store %arg14[%swap3A_367, %swap3A_368], %convert_element_type3A_366 {strides = array<i32>} : memref<128x128xbf16, #tpu.memory_space<vmem>>, vector<16x16xbf16>,
    %get3A_370 = arith.constant 576 : index
    %get3A_371 = arith.constant 0 : index
    %get3A_372 = vector.load %arg12[%get3A_370, %get3A_371] : memref<3200x16xf32, #tpu.memory_space<vmem>>, vector<16x16xf32>
    %convert_element_type3A_373 = arith.truncf %get3A_372 : vector<16x16xf32> to vector<16x16xbf16>
    %swap3A_374 = arith.constant 64 : index
    %swap3A_375 = arith.constant 64 : index
    %swap3A_376 = vector.load %arg14[%swap3A_374, %swap3A_375] : memref<128x128xbf16, #tpu.memory_space<vmem>>, vector<16x16xbf16>
    tpu.vector_store %arg14[%swap3A_374, %swap3A_375], %convert_element_type3A_373 {strides = array<i32>} : memref<128x128xbf16, #tpu.memory_space<vmem>>, vector<16x16xbf16>,
    %get3A_377 = arith.constant 592 : index
    %get3A_378 = arith.constant 0 : index
    %get3A_379 = vector.load %arg12[%get3A_377, %get3A_378] : memref<3200x16xf32, #tpu.memory_space<vmem>>, vector<16x16xf32>
    %convert_element_type3A_380 = arith.truncf %get3A_379 : vector<16x16xf32> to vector<16x16xbf16>
    %swap3A_381 = arith.constant 80 : index
    %swap3A_382 = arith.constant 80 : index
    %swap3A_383 = vector.load %arg14[%swap3A_381, %swap3A_382] : memref<128x128xbf16, #tpu.memory_space<vmem>>, vector<16x16xbf16>
    tpu.vector_store %arg14[%swap3A_381, %swap3A_382], %convert_element_type3A_380 {strides = array<i32>} : memref<128x128xbf16, #tpu.memory_space<vmem>>, vector<16x16xbf16>,
    %get3A_384 = arith.constant 608 : index
    %get3A_385 = arith.constant 0 : index
    %get3A_386 = vector.load %arg12[%get3A_384, %get3A_385] : memref<3200x16xf32, #tpu.memory_space<vmem>>, vector<16x16xf32>
    %convert_element_type3A_387 = arith.truncf %get3A_386 : vector<16x16xf32> to vector<16x16xbf16>
    %swap3A_388 = arith.constant 96 : index
    %swap3A_389 = arith.constant 96 : index
    %swap3A_390 = vector.load %arg14[%swap3A_388, %swap3A_389] : memref<128x128xbf16, #tpu.memory_space<vmem>>, vector<16x16xbf16>
    tpu.vector_store %arg14[%swap3A_388, %swap3A_389], %convert_element_type3A_387 {strides = array<i32>} : memref<128x128xbf16, #tpu.memory_space<vmem>>, vector<16x16xbf16>,
    %get3A_391 = arith.constant 624 : index
    %get3A_392 = arith.constant 0 : index
    %get3A_393 = vector.load %arg12[%get3A_391, %get3A_392] : memref<3200x16xf32, #tpu.memory_space<vmem>>, vector<16x16xf32>
    %convert_element_type3A_394 = arith.truncf %get3A_393 : vector<16x16xf32> to vector<16x16xbf16>
    %swap3A_395 = arith.constant 112 : index
    %swap3A_396 = arith.constant 112 : index
    %swap3A_397 = vector.load %arg14[%swap3A_395, %swap3A_396] : memref<128x128xbf16, #tpu.memory_space<vmem>>, vector<16x16xbf16>
    tpu.vector_store %arg14[%swap3A_395, %swap3A_396], %convert_element_type3A_394 {strides = array<i32>} : memref<128x128xbf16, #tpu.memory_space<vmem>>, vector<16x16xbf16>,
    %get3A_398 = arith.constant 512 : index
    %get3A_399 = arith.constant 0 : index
    %get3A_400 = vector.load %arg15[%get3A_398, %get3A_399] : memref<3200x128xbf16, #tpu.memory_space<vmem>>, vector<128x128xbf16>
    %get3A_401 = arith.constant 0 : index
    %get3A_402 = arith.constant 0 : index
    %get3A_403 = vector.load %arg14[%get3A_401, %get3A_402] : memref<128x128xbf16, #tpu.memory_space<vmem>>, vector<128x128xbf16>
    %dot_general3A_404 = arith.constant dense<0.000000e+00> : vector<128x128xf32>
    %dot_general3A_405 = tpu.matmul %get3A_403, %get3A_400, %dot_general3A_404 {dimension_numbers = #tpu.dot_dimension_numbers<[0], [0], [1], [1], [0, 1, 1, 1], [], []>, transpose_lhs_hint = false} : vector<128x128xbf16>, vector<128x128xbf16>, vector<128x128xf32> -> vector<128x128xf32>
    %reshape3A_406 = vector.shape_cast %dot_general3A_405 : vector<128x128xf32> to vector<8x16x128xf32>
    %swap3A_407 = arith.constant 32 : index
    %swap3A_408 = arith.constant 0 : index
    %swap3A_409 = arith.constant 0 : index
    %swap3A_410 = vector.load %arg13[%swap3A_407, %swap3A_408, %swap3A_409] : memref<200x16x128xf32, #tpu.memory_space<vmem>>, vector<8x16x128xf32>
    tpu.vector_store %arg13[%swap3A_407, %swap3A_408, %swap3A_409], %reshape3A_406 {strides = array<i32>} : memref<200x16x128xf32, #tpu.memory_space<vmem>>, vector<8x16x128xf32>,
    %get3A_411 = arith.constant 640 : index
    %get3A_412 = arith.constant 0 : index
    %get3A_413 = vector.load %arg12[%get3A_411, %get3A_412] : memref<3200x16xf32, #tpu.memory_space<vmem>>, vector<16x16xf32>
    %convert_element_type3A_414 = arith.truncf %get3A_413 : vector<16x16xf32> to vector<16x16xbf16>
    %swap3A_415 = arith.constant 0 : index
    %swap3A_416 = arith.constant 0 : index
    %swap3A_417 = vector.load %arg14[%swap3A_415, %swap3A_416] : memref<128x128xbf16, #tpu.memory_space<vmem>>, vector<16x16xbf16>
    tpu.vector_store %arg14[%swap3A_415, %swap3A_416], %convert_element_type3A_414 {strides = array<i32>} : memref<128x128xbf16, #tpu.memory_space<vmem>>, vector<16x16xbf16>,
    %get3A_418 = arith.constant 656 : index
    %get3A_419 = arith.constant 0 : index
    %get3A_420 = vector.load %arg12[%get3A_418, %get3A_419] : memref<3200x16xf32, #tpu.memory_space<vmem>>, vector<16x16xf32>
    %convert_element_type3A_421 = arith.truncf %get3A_420 : vector<16x16xf32> to vector<16x16xbf16>
    %swap3A_422 = arith.constant 16 : index
    %swap3A_423 = arith.constant 16 : index
    %swap3A_424 = vector.load %arg14[%swap3A_422, %swap3A_423] : memref<128x128xbf16, #tpu.memory_space<vmem>>, vector<16x16xbf16>
    tpu.vector_store %arg14[%swap3A_422, %swap3A_423], %convert_element_type3A_421 {strides = array<i32>} : memref<128x128xbf16, #tpu.memory_space<vmem>>, vector<16x16xbf16>,
    %get3A_425 = arith.constant 672 : index
    %get3A_426 = arith.constant 0 : index
    %get3A_427 = vector.load %arg12[%get3A_425, %get3A_426] : memref<3200x16xf32, #tpu.memory_space<vmem>>, vector<16x16xf32>
    %convert_element_type3A_428 = arith.truncf %get3A_427 : vector<16x16xf32> to vector<16x16xbf16>
    %swap3A_429 = arith.constant 32 : index
    %swap3A_430 = arith.constant 32 : index
    %swap3A_431 = vector.load %arg14[%swap3A_429, %swap3A_430] : memref<128x128xbf16, #tpu.memory_space<vmem>>, vector<16x16xbf16>
    tpu.vector_store %arg14[%swap3A_429, %swap3A_430], %convert_element_type3A_428 {strides = array<i32>} : memref<128x128xbf16, #tpu.memory_space<vmem>>, vector<16x16xbf16>,
    %get3A_432 = arith.constant 688 : index
    %get3A_433 = arith.constant 0 : index
    %get3A_434 = vector.load %arg12[%get3A_432, %get3A_433] : memref<3200x16xf32, #tpu.memory_space<vmem>>, vector<16x16xf32>
    %convert_element_type3A_435 = arith.truncf %get3A_434 : vector<16x16xf32> to vector<16x16xbf16>
    %swap3A_436 = arith.constant 48 : index
    %swap3A_437 = arith.constant 48 : index
    %swap3A_438 = vector.load %arg14[%swap3A_436, %swap3A_437] : memref<128x128xbf16, #tpu.memory_space<vmem>>, vector<16x16xbf16>
    tpu.vector_store %arg14[%swap3A_436, %swap3A_437], %convert_element_type3A_435 {strides = array<i32>} : memref<128x128xbf16, #tpu.memory_space<vmem>>, vector<16x16xbf16>,
    %get3A_439 = arith.constant 704 : index
    %get3A_440 = arith.constant 0 : index
    %get3A_441 = vector.load %arg12[%get3A_439, %get3A_440] : memref<3200x16xf32, #tpu.memory_space<vmem>>, vector<16x16xf32>
    %convert_element_type3A_442 = arith.truncf %get3A_441 : vector<16x16xf32> to vector<16x16xbf16>
    %swap3A_443 = arith.constant 64 : index
    %swap3A_444 = arith.constant 64 : index
    %swap3A_445 = vector.load %arg14[%swap3A_443, %swap3A_444] : memref<128x128xbf16, #tpu.memory_space<vmem>>, vector<16x16xbf16>
    tpu.vector_store %arg14[%swap3A_443, %swap3A_444], %convert_element_type3A_442 {strides = array<i32>} : memref<128x128xbf16, #tpu.memory_space<vmem>>, vector<16x16xbf16>,
    %get3A_446 = arith.constant 720 : index
    %get3A_447 = arith.constant 0 : index
    %get3A_448 = vector.load %arg12[%get3A_446, %get3A_447] : memref<3200x16xf32, #tpu.memory_space<vmem>>, vector<16x16xf32>
    %convert_element_type3A_449 = arith.truncf %get3A_448 : vector<16x16xf32> to vector<16x16xbf16>
    %swap3A_450 = arith.constant 80 : index
    %swap3A_451 = arith.constant 80 : index
    %swap3A_452 = vector.load %arg14[%swap3A_450, %swap3A_451] : memref<128x128xbf16, #tpu.memory_space<vmem>>, vector<16x16xbf16>
    tpu.vector_store %arg14[%swap3A_450, %swap3A_451], %convert_element_type3A_449 {strides = array<i32>} : memref<128x128xbf16, #tpu.memory_space<vmem>>, vector<16x16xbf16>,
    %get3A_453 = arith.constant 736 : index
    %get3A_454 = arith.constant 0 : index
    %get3A_455 = vector.load %arg12[%get3A_453, %get3A_454] : memref<3200x16xf32, #tpu.memory_space<vmem>>, vector<16x16xf32>
    %convert_element_type3A_456 = arith.truncf %get3A_455 : vector<16x16xf32> to vector<16x16xbf16>
    %swap3A_457 = arith.constant 96 : index
    %swap3A_458 = arith.constant 96 : index
    %swap3A_459 = vector.load %arg14[%swap3A_457, %swap3A_458] : memref<128x128xbf16, #tpu.memory_space<vmem>>, vector<16x16xbf16>
    tpu.vector_store %arg14[%swap3A_457, %swap3A_458], %convert_element_type3A_456 {strides = array<i32>} : memref<128x128xbf16, #tpu.memory_space<vmem>>, vector<16x16xbf16>,
    %get3A_460 = arith.constant 752 : index
    %get3A_461 = arith.constant 0 : index
    %get3A_462 = vector.load %arg12[%get3A_460, %get3A_461] : memref<3200x16xf32, #tpu.memory_space<vmem>>, vector<16x16xf32>
    %convert_element_type3A_463 = arith.truncf %get3A_462 : vector<16x16xf32> to vector<16x16xbf16>
    %swap3A_464 = arith.constant 112 : index
    %swap3A_465 = arith.constant 112 : index
    %swap3A_466 = vector.load %arg14[%swap3A_464, %swap3A_465] : memref<128x128xbf16, #tpu.memory_space<vmem>>, vector<16x16xbf16>
    tpu.vector_store %arg14[%swap3A_464, %swap3A_465], %convert_element_type3A_463 {strides = array<i32>} : memref<128x128xbf16, #tpu.memory_space<vmem>>, vector<16x16xbf16>,
    %get3A_467 = arith.constant 640 : index
    %get3A_468 = arith.constant 0 : index
    %get3A_469 = vector.load %arg15[%get3A_467, %get3A_468] : memref<3200x128xbf16, #tpu.memory_space<vmem>>, vector<128x128xbf16>
    %get3A_470 = arith.constant 0 : index
    %get3A_471 = arith.constant 0 : index
    %get3A_472 = vector.load %arg14[%get3A_470, %get3A_471] : memref<128x128xbf16, #tpu.memory_space<vmem>>, vector<128x128xbf16>
    %dot_general3A_473 = arith.constant dense<0.000000e+00> : vector<128x128xf32>
    %dot_general3A_474 = tpu.matmul %get3A_472, %get3A_469, %dot_general3A_473 {dimension_numbers = #tpu.dot_dimension_numbers<[0], [0], [1], [1], [0, 1, 1, 1], [], []>, transpose_lhs_hint = false} : vector<128x128xbf16>, vector<128x128xbf16>, vector<128x128xf32> -> vector<128x128xf32>
    %reshape3A_475 = vector.shape_cast %dot_general3A_474 : vector<128x128xf32> to vector<8x16x128xf32>
    %swap3A_476 = arith.constant 40 : index
    %swap3A_477 = arith.constant 0 : index
    %swap3A_478 = arith.constant 0 : index
    %swap3A_479 = vector.load %arg13[%swap3A_476, %swap3A_477, %swap3A_478] : memref<200x16x128xf32, #tpu.memory_space<vmem>>, vector<8x16x128xf32>
    tpu.vector_store %arg13[%swap3A_476, %swap3A_477, %swap3A_478], %reshape3A_475 {strides = array<i32>} : memref<200x16x128xf32, #tpu.memory_space<vmem>>, vector<8x16x128xf32>,
    %get3A_480 = arith.constant 768 : index
    %get3A_481 = arith.constant 0 : index
    %get3A_482 = vector.load %arg12[%get3A_480, %get3A_481] : memref<3200x16xf32, #tpu.memory_space<vmem>>, vector<16x16xf32>
    %convert_element_type3A_483 = arith.truncf %get3A_482 : vector<16x16xf32> to vector<16x16xbf16>
    %swap3A_484 = arith.constant 0 : index
    %swap3A_485 = arith.constant 0 : index
    %swap3A_486 = vector.load %arg14[%swap3A_484, %swap3A_485] : memref<128x128xbf16, #tpu.memory_space<vmem>>, vector<16x16xbf16>
    tpu.vector_store %arg14[%swap3A_484, %swap3A_485], %convert_element_type3A_483 {strides = array<i32>} : memref<128x128xbf16, #tpu.memory_space<vmem>>, vector<16x16xbf16>,
    %get3A_487 = arith.constant 784 : index
    %get3A_488 = arith.constant 0 : index
    %get3A_489 = vector.load %arg12[%get3A_487, %get3A_488] : memref<3200x16xf32, #tpu.memory_space<vmem>>, vector<16x16xf32>
    %convert_element_type3A_490 = arith.truncf %get3A_489 : vector<16x16xf32> to vector<16x16xbf16>
    %swap3A_491 = arith.constant 16 : index
    %swap3A_492 = arith.constant 16 : index
    %swap3A_493 = vector.load %arg14[%swap3A_491, %swap3A_492] : memref<128x128xbf16, #tpu.memory_space<vmem>>, vector<16x16xbf16>
    tpu.vector_store %arg14[%swap3A_491, %swap3A_492], %convert_element_type3A_490 {strides = array<i32>} : memref<128x128xbf16, #tpu.memory_space<vmem>>, vector<16x16xbf16>,
    %get3A_494 = arith.constant 800 : index
    %get3A_495 = arith.constant 0 : index
    %get3A_496 = vector.load %arg12[%get3A_494, %get3A_495] : memref<3200x16xf32, #tpu.memory_space<vmem>>, vector<16x16xf32>
    %convert_element_type3A_497 = arith.truncf %get3A_496 : vector<16x16xf32> to vector<16x16xbf16>
    %swap3A_498 = arith.constant 32 : index
    %swap3A_499 = arith.constant 32 : index
    %swap3A_500 = vector.load %arg14[%swap3A_498, %swap3A_499] : memref<128x128xbf16, #tpu.memory_space<vmem>>, vector<16x16xbf16>
    tpu.vector_store %arg14[%swap3A_498, %swap3A_499], %convert_element_type3A_497 {strides = array<i32>} : memref<128x128xbf16, #tpu.memory_space<vmem>>, vector<16x16xbf16>,
    %get3A_501 = arith.constant 816 : index
    %get3A_502 = arith.constant 0 : index
    %get3A_503 = vector.load %arg12[%get3A_501, %get3A_502] : memref<3200x16xf32, #tpu.memory_space<vmem>>, vector<16x16xf32>
    %convert_element_type3A_504 = arith.truncf %get3A_503 : vector<16x16xf32> to vector<16x16xbf16>
    %swap3A_505 = arith.constant 48 : index
    %swap3A_506 = arith.constant 48 : index
    %swap3A_507 = vector.load %arg14[%swap3A_505, %swap3A_506] : memref<128x128xbf16, #tpu.memory_space<vmem>>, vector<16x16xbf16>
    tpu.vector_store %arg14[%swap3A_505, %swap3A_506], %convert_element_type3A_504 {strides = array<i32>} : memref<128x128xbf16, #tpu.memory_space<vmem>>, vector<16x16xbf16>,
    %get3A_508 = arith.constant 832 : index
    %get3A_509 = arith.constant 0 : index
    %get3A_510 = vector.load %arg12[%get3A_508, %get3A_509] : memref<3200x16xf32, #tpu.memory_space<vmem>>, vector<16x16xf32>
    %convert_element_type3A_511 = arith.truncf %get3A_510 : vector<16x16xf32> to vector<16x16xbf16>
    %swap3A_512 = arith.constant 64 : index
    %swap3A_513 = arith.constant 64 : index
    %swap3A_514 = vector.load %arg14[%swap3A_512, %swap3A_513] : memref<128x128xbf16, #tpu.memory_space<vmem>>, vector<16x16xbf16>
    tpu.vector_store %arg14[%swap3A_512, %swap3A_513], %convert_element_type3A_511 {strides = array<i32>} : memref<128x128xbf16, #tpu.memory_space<vmem>>, vector<16x16xbf16>,
    %get3A_515 = arith.constant 848 : index
    %get3A_516 = arith.constant 0 : index
    %get3A_517 = vector.load %arg12[%get3A_515, %get3A_516] : memref<3200x16xf32, #tpu.memory_space<vmem>>, vector<16x16xf32>
    %convert_element_type3A_518 = arith.truncf %get3A_517 : vector<16x16xf32> to vector<16x16xbf16>
    %swap3A_519 = arith.constant 80 : index
    %swap3A_520 = arith.constant 80 : index
    %swap3A_521 = vector.load %arg14[%swap3A_519, %swap3A_520] : memref<128x128xbf16, #tpu.memory_space<vmem>>, vector<16x16xbf16>
    tpu.vector_store %arg14[%swap3A_519, %swap3A_520], %convert_element_type3A_518 {strides = array<i32>} : memref<128x128xbf16, #tpu.memory_space<vmem>>, vector<16x16xbf16>,
    %get3A_522 = arith.constant 864 : index
    %get3A_523 = arith.constant 0 : index
    %get3A_524 = vector.load %arg12[%get3A_522, %get3A_523] : memref<3200x16xf32, #tpu.memory_space<vmem>>, vector<16x16xf32>
    %convert_element_type3A_525 = arith.truncf %get3A_524 : vector<16x16xf32> to vector<16x16xbf16>
    %swap3A_526 = arith.constant 96 : index
    %swap3A_527 = arith.constant 96 : index
    %swap3A_528 = vector.load %arg14[%swap3A_526, %swap3A_527] : memref<128x128xbf16, #tpu.memory_space<vmem>>, vector<16x16xbf16>
    tpu.vector_store %arg14[%swap3A_526, %swap3A_527], %convert_element_type3A_525 {strides = array<i32>} : memref<128x128xbf16, #tpu.memory_space<vmem>>, vector<16x16xbf16>,
    %get3A_529 = arith.constant 880 : index
    %get3A_530 = arith.constant 0 : index
    %get3A_531 = vector.load %arg12[%get3A_529, %get3A_530] : memref<3200x16xf32, #tpu.memory_space<vmem>>, vector<16x16xf32>
    %convert_element_type3A_532 = arith.truncf %get3A_531 : vector<16x16xf32> to vector<16x16xbf16>
    %swap3A_533 = arith.constant 112 : index
    %swap3A_534 = arith.constant 112 : index
    %swap3A_535 = vector.load %arg14[%swap3A_533, %swap3A_534] : memref<128x128xbf16, #tpu.memory_space<vmem>>, vector<16x16xbf16>
    tpu.vector_store %arg14[%swap3A_533, %swap3A_534], %convert_element_type3A_532 {strides = array<i32>} : memref<128x128xbf16, #tpu.memory_space<vmem>>, vector<16x16xbf16>,
    %get3A_536 = arith.constant 768 : index
    %get3A_537 = arith.constant 0 : index
    %get3A_538 = vector.load %arg15[%get3A_536, %get3A_537] : memref<3200x128xbf16, #tpu.memory_space<vmem>>, vector<128x128xbf16>
    %get3A_539 = arith.constant 0 : index
    %get3A_540 = arith.constant 0 : index
    %get3A_541 = vector.load %arg14[%get3A_539, %get3A_540] : memref<128x128xbf16, #tpu.memory_space<vmem>>, vector<128x128xbf16>
    %dot_general3A_542 = arith.constant dense<0.000000e+00> : vector<128x128xf32>
    %dot_general3A_543 = tpu.matmul %get3A_541, %get3A_538, %dot_general3A_542 {dimension_numbers = #tpu.dot_dimension_numbers<[0], [0], [1], [1], [0, 1, 1, 1], [], []>, transpose_lhs_hint = false} : vector<128x128xbf16>, vector<128x128xbf16>, vector<128x128xf32> -> vector<128x128xf32>
    %reshape3A_544 = vector.shape_cast %dot_general3A_543 : vector<128x128xf32> to vector<8x16x128xf32>
    %swap3A_545 = arith.constant 48 : index
    %swap3A_546 = arith.constant 0 : index
    %swap3A_547 = arith.constant 0 : index
    %swap3A_548 = vector.load %arg13[%swap3A_545, %swap3A_546, %swap3A_547] : memref<200x16x128xf32, #tpu.memory_space<vmem>>, vector<8x16x128xf32>
    tpu.vector_store %arg13[%swap3A_545, %swap3A_546, %swap3A_547], %reshape3A_544 {strides = array<i32>} : memref<200x16x128xf32, #tpu.memory_space<vmem>>, vector<8x16x128xf32>,
    %get3A_549 = arith.constant 896 : index
    %get3A_550 = arith.constant 0 : index
    %get3A_551 = vector.load %arg12[%get3A_549, %get3A_550] : memref<3200x16xf32, #tpu.memory_space<vmem>>, vector<16x16xf32>
    %convert_element_type3A_552 = arith.truncf %get3A_551 : vector<16x16xf32> to vector<16x16xbf16>
    %swap3A_553 = arith.constant 0 : index
    %swap3A_554 = arith.constant 0 : index
    %swap3A_555 = vector.load %arg14[%swap3A_553, %swap3A_554] : memref<128x128xbf16, #tpu.memory_space<vmem>>, vector<16x16xbf16>
    tpu.vector_store %arg14[%swap3A_553, %swap3A_554], %convert_element_type3A_552 {strides = array<i32>} : memref<128x128xbf16, #tpu.memory_space<vmem>>, vector<16x16xbf16>,
    %get3A_556 = arith.constant 912 : index
    %get3A_557 = arith.constant 0 : index
    %get3A_558 = vector.load %arg12[%get3A_556, %get3A_557] : memref<3200x16xf32, #tpu.memory_space<vmem>>, vector<16x16xf32>
    %convert_element_type3A_559 = arith.truncf %get3A_558 : vector<16x16xf32> to vector<16x16xbf16>
    %swap3A_560 = arith.constant 16 : index
    %swap3A_561 = arith.constant 16 : index
    %swap3A_562 = vector.load %arg14[%swap3A_560, %swap3A_561] : memref<128x128xbf16, #tpu.memory_space<vmem>>, vector<16x16xbf16>
    tpu.vector_store %arg14[%swap3A_560, %swap3A_561], %convert_element_type3A_559 {strides = array<i32>} : memref<128x128xbf16, #tpu.memory_space<vmem>>, vector<16x16xbf16>,
    %get3A_563 = arith.constant 928 : index
    %get3A_564 = arith.constant 0 : index
    %get3A_565 = vector.load %arg12[%get3A_563, %get3A_564] : memref<3200x16xf32, #tpu.memory_space<vmem>>, vector<16x16xf32>
    %convert_element_type3A_566 = arith.truncf %get3A_565 : vector<16x16xf32> to vector<16x16xbf16>
    %swap3A_567 = arith.constant 32 : index
    %swap3A_568 = arith.constant 32 : index
    %swap3A_569 = vector.load %arg14[%swap3A_567, %swap3A_568] : memref<128x128xbf16, #tpu.memory_space<vmem>>, vector<16x16xbf16>
    tpu.vector_store %arg14[%swap3A_567, %swap3A_568], %convert_element_type3A_566 {strides = array<i32>} : memref<128x128xbf16, #tpu.memory_space<vmem>>, vector<16x16xbf16>,
    %get3A_570 = arith.constant 944 : index
    %get3A_571 = arith.constant 0 : index
    %get3A_572 = vector.load %arg12[%get3A_570, %get3A_571] : memref<3200x16xf32, #tpu.memory_space<vmem>>, vector<16x16xf32>
    %convert_element_type3A_573 = arith.truncf %get3A_572 : vector<16x16xf32> to vector<16x16xbf16>
    %swap3A_574 = arith.constant 48 : index
    %swap3A_575 = arith.constant 48 : index
    %swap3A_576 = vector.load %arg14[%swap3A_574, %swap3A_575] : memref<128x128xbf16, #tpu.memory_space<vmem>>, vector<16x16xbf16>
    tpu.vector_store %arg14[%swap3A_574, %swap3A_575], %convert_element_type3A_573 {strides = array<i32>} : memref<128x128xbf16, #tpu.memory_space<vmem>>, vector<16x16xbf16>,
    %get3A_577 = arith.constant 960 : index
    %get3A_578 = arith.constant 0 : index
    %get3A_579 = vector.load %arg12[%get3A_577, %get3A_578] : memref<3200x16xf32, #tpu.memory_space<vmem>>, vector<16x16xf32>
    %convert_element_type3A_580 = arith.truncf %get3A_579 : vector<16x16xf32> to vector<16x16xbf16>
    %swap3A_581 = arith.constant 64 : index
    %swap3A_582 = arith.constant 64 : index
    %swap3A_583 = vector.load %arg14[%swap3A_581, %swap3A_582] : memref<128x128xbf16, #tpu.memory_space<vmem>>, vector<16x16xbf16>
    tpu.vector_store %arg14[%swap3A_581, %swap3A_582], %convert_element_type3A_580 {strides = array<i32>} : memref<128x128xbf16, #tpu.memory_space<vmem>>, vector<16x16xbf16>,
    %get3A_584 = arith.constant 976 : index
    %get3A_585 = arith.constant 0 : index
    %get3A_586 = vector.load %arg12[%get3A_584, %get3A_585] : memref<3200x16xf32, #tpu.memory_space<vmem>>, vector<16x16xf32>
    %convert_element_type3A_587 = arith.truncf %get3A_586 : vector<16x16xf32> to vector<16x16xbf16>
    %swap3A_588 = arith.constant 80 : index
    %swap3A_589 = arith.constant 80 : index
    %swap3A_590 = vector.load %arg14[%swap3A_588, %swap3A_589] : memref<128x128xbf16, #tpu.memory_space<vmem>>, vector<16x16xbf16>
    tpu.vector_store %arg14[%swap3A_588, %swap3A_589], %convert_element_type3A_587 {strides = array<i32>} : memref<128x128xbf16, #tpu.memory_space<vmem>>, vector<16x16xbf16>,
    %get3A_591 = arith.constant 992 : index
    %get3A_592 = arith.constant 0 : index
    %get3A_593 = vector.load %arg12[%get3A_591, %get3A_592] : memref<3200x16xf32, #tpu.memory_space<vmem>>, vector<16x16xf32>
    %convert_element_type3A_594 = arith.truncf %get3A_593 : vector<16x16xf32> to vector<16x16xbf16>
    %swap3A_595 = arith.constant 96 : index
    %swap3A_596 = arith.constant 96 : index
    %swap3A_597 = vector.load %arg14[%swap3A_595, %swap3A_596] : memref<128x128xbf16, #tpu.memory_space<vmem>>, vector<16x16xbf16>
    tpu.vector_store %arg14[%swap3A_595, %swap3A_596], %convert_element_type3A_594 {strides = array<i32>} : memref<128x128xbf16, #tpu.memory_space<vmem>>, vector<16x16xbf16>,
    %get3A_598 = arith.constant 1008 : index
    %get3A_599 = arith.constant 0 : index
    %get3A_600 = vector.load %arg12[%get3A_598, %get3A_599] : memref<3200x16xf32, #tpu.memory_space<vmem>>, vector<16x16xf32>
    %convert_element_type3A_601 = arith.truncf %get3A_600 : vector<16x16xf32> to vector<16x16xbf16>
    %swap3A_602 = arith.constant 112 : index
    %swap3A_603 = arith.constant 112 : index
    %swap3A_604 = vector.load %arg14[%swap3A_602, %swap3A_603] : memref<128x128xbf16, #tpu.memory_space<vmem>>, vector<16x16xbf16>
    tpu.vector_store %arg14[%swap3A_602, %swap3A_603], %convert_element_type3A_601 {strides = array<i32>} : memref<128x128xbf16, #tpu.memory_space<vmem>>, vector<16x16xbf16>,
    %get3A_605 = arith.constant 896 : index
    %get3A_606 = arith.constant 0 : index
    %get3A_607 = vector.load %arg15[%get3A_605, %get3A_606] : memref<3200x128xbf16, #tpu.memory_space<vmem>>, vector<128x128xbf16>
    %get3A_608 = arith.constant 0 : index
    %get3A_609 = arith.constant 0 : index
    %get3A_610 = vector.load %arg14[%get3A_608, %get3A_609] : memref<128x128xbf16, #tpu.memory_space<vmem>>, vector<128x128xbf16>
    %dot_general3A_611 = arith.constant dense<0.000000e+00> : vector<128x128xf32>
    %dot_general3A_612 = tpu.matmul %get3A_610, %get3A_607, %dot_general3A_611 {dimension_numbers = #tpu.dot_dimension_numbers<[0], [0], [1], [1], [0, 1, 1, 1], [], []>, transpose_lhs_hint = false} : vector<128x128xbf16>, vector<128x128xbf16>, vector<128x128xf32> -> vector<128x128xf32>
    %reshape3A_613 = vector.shape_cast %dot_general3A_612 : vector<128x128xf32> to vector<8x16x128xf32>
    %swap3A_614 = arith.constant 56 : index
    %swap3A_615 = arith.constant 0 : index
    %swap3A_616 = arith.constant 0 : index
    %swap3A_617 = vector.load %arg13[%swap3A_614, %swap3A_615, %swap3A_616] : memref<200x16x128xf32, #tpu.memory_space<vmem>>, vector<8x16x128xf32>
    tpu.vector_store %arg13[%swap3A_614, %swap3A_615, %swap3A_616], %reshape3A_613 {strides = array<i32>} : memref<200x16x128xf32, #tpu.memory_space<vmem>>, vector<8x16x128xf32>,
    %get3A_618 = arith.constant 1024 : index
    %get3A_619 = arith.constant 0 : index
    %get3A_620 = vector.load %arg12[%get3A_618, %get3A_619] : memref<3200x16xf32, #tpu.memory_space<vmem>>, vector<16x16xf32>
    %convert_element_type3A_621 = arith.truncf %get3A_620 : vector<16x16xf32> to vector<16x16xbf16>
    %swap3A_622 = arith.constant 0 : index
    %swap3A_623 = arith.constant 0 : index
    %swap3A_624 = vector.load %arg14[%swap3A_622, %swap3A_623] : memref<128x128xbf16, #tpu.memory_space<vmem>>, vector<16x16xbf16>
    tpu.vector_store %arg14[%swap3A_622, %swap3A_623], %convert_element_type3A_621 {strides = array<i32>} : memref<128x128xbf16, #tpu.memory_space<vmem>>, vector<16x16xbf16>,
    %get3A_625 = arith.constant 1040 : index
    %get3A_626 = arith.constant 0 : index
    %get3A_627 = vector.load %arg12[%get3A_625, %get3A_626] : memref<3200x16xf32, #tpu.memory_space<vmem>>, vector<16x16xf32>
    %convert_element_type3A_628 = arith.truncf %get3A_627 : vector<16x16xf32> to vector<16x16xbf16>
    %swap3A_629 = arith.constant 16 : index
    %swap3A_630 = arith.constant 16 : index
    %swap3A_631 = vector.load %arg14[%swap3A_629, %swap3A_630] : memref<128x128xbf16, #tpu.memory_space<vmem>>, vector<16x16xbf16>
    tpu.vector_store %arg14[%swap3A_629, %swap3A_630], %convert_element_type3A_628 {strides = array<i32>} : memref<128x128xbf16, #tpu.memory_space<vmem>>, vector<16x16xbf16>,
    %get3A_632 = arith.constant 1056 : index
    %get3A_633 = arith.constant 0 : index
    %get3A_634 = vector.load %arg12[%get3A_632, %get3A_633] : memref<3200x16xf32, #tpu.memory_space<vmem>>, vector<16x16xf32>
    %convert_element_type3A_635 = arith.truncf %get3A_634 : vector<16x16xf32> to vector<16x16xbf16>
    %swap3A_636 = arith.constant 32 : index
    %swap3A_637 = arith.constant 32 : index
    %swap3A_638 = vector.load %arg14[%swap3A_636, %swap3A_637] : memref<128x128xbf16, #tpu.memory_space<vmem>>, vector<16x16xbf16>
    tpu.vector_store %arg14[%swap3A_636, %swap3A_637], %convert_element_type3A_635 {strides = array<i32>} : memref<128x128xbf16, #tpu.memory_space<vmem>>, vector<16x16xbf16>,
    %get3A_639 = arith.constant 1072 : index
    %get3A_640 = arith.constant 0 : index
    %get3A_641 = vector.load %arg12[%get3A_639, %get3A_640] : memref<3200x16xf32, #tpu.memory_space<vmem>>, vector<16x16xf32>
    %convert_element_type3A_642 = arith.truncf %get3A_641 : vector<16x16xf32> to vector<16x16xbf16>
    %swap3A_643 = arith.constant 48 : index
    %swap3A_644 = arith.constant 48 : index
    %swap3A_645 = vector.load %arg14[%swap3A_643, %swap3A_644] : memref<128x128xbf16, #tpu.memory_space<vmem>>, vector<16x16xbf16>
    tpu.vector_store %arg14[%swap3A_643, %swap3A_644], %convert_element_type3A_642 {strides = array<i32>} : memref<128x128xbf16, #tpu.memory_space<vmem>>, vector<16x16xbf16>,
    %get3A_646 = arith.constant 1088 : index
    %get3A_647 = arith.constant 0 : index
    %get3A_648 = vector.load %arg12[%get3A_646, %get3A_647] : memref<3200x16xf32, #tpu.memory_space<vmem>>, vector<16x16xf32>
    %convert_element_type3A_649 = arith.truncf %get3A_648 : vector<16x16xf32> to vector<16x16xbf16>
    %swap3A_650 = arith.constant 64 : index
    %swap3A_651 = arith.constant 64 : index
    %swap3A_652 = vector.load %arg14[%swap3A_650, %swap3A_651] : memref<128x128xbf16, #tpu.memory_space<vmem>>, vector<16x16xbf16>
    tpu.vector_store %arg14[%swap3A_650, %swap3A_651], %convert_element_type3A_649 {strides = array<i32>} : memref<128x128xbf16, #tpu.memory_space<vmem>>, vector<16x16xbf16>,
    %get3A_653 = arith.constant 1104 : index
    %get3A_654 = arith.constant 0 : index
    %get3A_655 = vector.load %arg12[%get3A_653, %get3A_654] : memref<3200x16xf32, #tpu.memory_space<vmem>>, vector<16x16xf32>
    %convert_element_type3A_656 = arith.truncf %get3A_655 : vector<16x16xf32> to vector<16x16xbf16>
    %swap3A_657 = arith.constant 80 : index
    %swap3A_658 = arith.constant 80 : index
    %swap3A_659 = vector.load %arg14[%swap3A_657, %swap3A_658] : memref<128x128xbf16, #tpu.memory_space<vmem>>, vector<16x16xbf16>
    tpu.vector_store %arg14[%swap3A_657, %swap3A_658], %convert_element_type3A_656 {strides = array<i32>} : memref<128x128xbf16, #tpu.memory_space<vmem>>, vector<16x16xbf16>,
    %get3A_660 = arith.constant 1120 : index
    %get3A_661 = arith.constant 0 : index
    %get3A_662 = vector.load %arg12[%get3A_660, %get3A_661] : memref<3200x16xf32, #tpu.memory_space<vmem>>, vector<16x16xf32>
    %convert_element_type3A_663 = arith.truncf %get3A_662 : vector<16x16xf32> to vector<16x16xbf16>
    %swap3A_664 = arith.constant 96 : index
    %swap3A_665 = arith.constant 96 : index
    %swap3A_666 = vector.load %arg14[%swap3A_664, %swap3A_665] : memref<128x128xbf16, #tpu.memory_space<vmem>>, vector<16x16xbf16>
    tpu.vector_store %arg14[%swap3A_664, %swap3A_665], %convert_element_type3A_663 {strides = array<i32>} : memref<128x128xbf16, #tpu.memory_space<vmem>>, vector<16x16xbf16>,
    %get3A_667 = arith.constant 1136 : index
    %get3A_668 = arith.constant 0 : index
    %get3A_669 = vector.load %arg12[%get3A_667, %get3A_668] : memref<3200x16xf32, #tpu.memory_space<vmem>>, vector<16x16xf32>
    %convert_element_type3A_670 = arith.truncf %get3A_669 : vector<16x16xf32> to vector<16x16xbf16>
    %swap3A_671 = arith.constant 112 : index
    %swap3A_672 = arith.constant 112 : index
    %swap3A_673 = vector.load %arg14[%swap3A_671, %swap3A_672] : memref<128x128xbf16, #tpu.memory_space<vmem>>, vector<16x16xbf16>
    tpu.vector_store %arg14[%swap3A_671, %swap3A_672], %convert_element_type3A_670 {strides = array<i32>} : memref<128x128xbf16, #tpu.memory_space<vmem>>, vector<16x16xbf16>,
    %get3A_674 = arith.constant 1024 : index
    %get3A_675 = arith.constant 0 : index
    %get3A_676 = vector.load %arg15[%get3A_674, %get3A_675] : memref<3200x128xbf16, #tpu.memory_space<vmem>>, vector<128x128xbf16>
    %get3A_677 = arith.constant 0 : index
    %get3A_678 = arith.constant 0 : index
    %get3A_679 = vector.load %arg14[%get3A_677, %get3A_678] : memref<128x128xbf16, #tpu.memory_space<vmem>>, vector<128x128xbf16>
    %dot_general3A_680 = arith.constant dense<0.000000e+00> : vector<128x128xf32>
    %dot_general3A_681 = tpu.matmul %get3A_679, %get3A_676, %dot_general3A_680 {dimension_numbers = #tpu.dot_dimension_numbers<[0], [0], [1], [1], [0, 1, 1, 1], [], []>, transpose_lhs_hint = false} : vector<128x128xbf16>, vector<128x128xbf16>, vector<128x128xf32> -> vector<128x128xf32>
    %reshape3A_682 = vector.shape_cast %dot_general3A_681 : vector<128x128xf32> to vector<8x16x128xf32>
    %swap3A_683 = arith.constant 64 : index
    %swap3A_684 = arith.constant 0 : index
    %swap3A_685 = arith.constant 0 : index
    %swap3A_686 = vector.load %arg13[%swap3A_683, %swap3A_684, %swap3A_685] : memref<200x16x128xf32, #tpu.memory_space<vmem>>, vector<8x16x128xf32>
    tpu.vector_store %arg13[%swap3A_683, %swap3A_684, %swap3A_685], %reshape3A_682 {strides = array<i32>} : memref<200x16x128xf32, #tpu.memory_space<vmem>>, vector<8x16x128xf32>,
    %get3A_687 = arith.constant 1152 : index
    %get3A_688 = arith.constant 0 : index
    %get3A_689 = vector.load %arg12[%get3A_687, %get3A_688] : memref<3200x16xf32, #tpu.memory_space<vmem>>, vector<16x16xf32>
    %convert_element_type3A_690 = arith.truncf %get3A_689 : vector<16x16xf32> to vector<16x16xbf16>
    %swap3A_691 = arith.constant 0 : index
    %swap3A_692 = arith.constant 0 : index
    %swap3A_693 = vector.load %arg14[%swap3A_691, %swap3A_692] : memref<128x128xbf16, #tpu.memory_space<vmem>>, vector<16x16xbf16>
    tpu.vector_store %arg14[%swap3A_691, %swap3A_692], %convert_element_type3A_690 {strides = array<i32>} : memref<128x128xbf16, #tpu.memory_space<vmem>>, vector<16x16xbf16>,
    %get3A_694 = arith.constant 1168 : index
    %get3A_695 = arith.constant 0 : index
    %get3A_696 = vector.load %arg12[%get3A_694, %get3A_695] : memref<3200x16xf32, #tpu.memory_space<vmem>>, vector<16x16xf32>
    %convert_element_type3A_697 = arith.truncf %get3A_696 : vector<16x16xf32> to vector<16x16xbf16>
    %swap3A_698 = arith.constant 16 : index
    %swap3A_699 = arith.constant 16 : index
    %swap3A_700 = vector.load %arg14[%swap3A_698, %swap3A_699] : memref<128x128xbf16, #tpu.memory_space<vmem>>, vector<16x16xbf16>
    tpu.vector_store %arg14[%swap3A_698, %swap3A_699], %convert_element_type3A_697 {strides = array<i32>} : memref<128x128xbf16, #tpu.memory_space<vmem>>, vector<16x16xbf16>,
    %get3A_701 = arith.constant 1184 : index
    %get3A_702 = arith.constant 0 : index
    %get3A_703 = vector.load %arg12[%get3A_701, %get3A_702] : memref<3200x16xf32, #tpu.memory_space<vmem>>, vector<16x16xf32>
    %convert_element_type3A_704 = arith.truncf %get3A_703 : vector<16x16xf32> to vector<16x16xbf16>
    %swap3A_705 = arith.constant 32 : index
    %swap3A_706 = arith.constant 32 : index
    %swap3A_707 = vector.load %arg14[%swap3A_705, %swap3A_706] : memref<128x128xbf16, #tpu.memory_space<vmem>>, vector<16x16xbf16>
    tpu.vector_store %arg14[%swap3A_705, %swap3A_706], %convert_element_type3A_704 {strides = array<i32>} : memref<128x128xbf16, #tpu.memory_space<vmem>>, vector<16x16xbf16>,
    %get3A_708 = arith.constant 1200 : index
    %get3A_709 = arith.constant 0 : index
    %get3A_710 = vector.load %arg12[%get3A_708, %get3A_709] : memref<3200x16xf32, #tpu.memory_space<vmem>>, vector<16x16xf32>
    %convert_element_type3A_711 = arith.truncf %get3A_710 : vector<16x16xf32> to vector<16x16xbf16>
    %swap3A_712 = arith.constant 48 : index
    %swap3A_713 = arith.constant 48 : index
    %swap3A_714 = vector.load %arg14[%swap3A_712, %swap3A_713] : memref<128x128xbf16, #tpu.memory_space<vmem>>, vector<16x16xbf16>
    tpu.vector_store %arg14[%swap3A_712, %swap3A_713], %convert_element_type3A_711 {strides = array<i32>} : memref<128x128xbf16, #tpu.memory_space<vmem>>, vector<16x16xbf16>,
    %get3A_715 = arith.constant 1216 : index
    %get3A_716 = arith.constant 0 : index
    %get3A_717 = vector.load %arg12[%get3A_715, %get3A_716] : memref<3200x16xf32, #tpu.memory_space<vmem>>, vector<16x16xf32>
    %convert_element_type3A_718 = arith.truncf %get3A_717 : vector<16x16xf32> to vector<16x16xbf16>
    %swap3A_719 = arith.constant 64 : index
    %swap3A_720 = arith.constant 64 : index
    %swap3A_721 = vector.load %arg14[%swap3A_719, %swap3A_720] : memref<128x128xbf16, #tpu.memory_space<vmem>>, vector<16x16xbf16>
    tpu.vector_store %arg14[%swap3A_719, %swap3A_720], %convert_element_type3A_718 {strides = array<i32>} : memref<128x128xbf16, #tpu.memory_space<vmem>>, vector<16x16xbf16>,
    %get3A_722 = arith.constant 1232 : index
    %get3A_723 = arith.constant 0 : index
    %get3A_724 = vector.load %arg12[%get3A_722, %get3A_723] : memref<3200x16xf32, #tpu.memory_space<vmem>>, vector<16x16xf32>
    %convert_element_type3A_725 = arith.truncf %get3A_724 : vector<16x16xf32> to vector<16x16xbf16>
    %swap3A_726 = arith.constant 80 : index
    %swap3A_727 = arith.constant 80 : index
    %swap3A_728 = vector.load %arg14[%swap3A_726, %swap3A_727] : memref<128x128xbf16, #tpu.memory_space<vmem>>, vector<16x16xbf16>
    tpu.vector_store %arg14[%swap3A_726, %swap3A_727], %convert_element_type3A_725 {strides = array<i32>} : memref<128x128xbf16, #tpu.memory_space<vmem>>, vector<16x16xbf16>,
    %get3A_729 = arith.constant 1248 : index
    %get3A_730 = arith.constant 0 : index
    %get3A_731 = vector.load %arg12[%get3A_729, %get3A_730] : memref<3200x16xf32, #tpu.memory_space<vmem>>, vector<16x16xf32>
    %convert_element_type3A_732 = arith.truncf %get3A_731 : vector<16x16xf32> to vector<16x16xbf16>
    %swap3A_733 = arith.constant 96 : index
    %swap3A_734 = arith.constant 96 : index
    %swap3A_735 = vector.load %arg14[%swap3A_733, %swap3A_734] : memref<128x128xbf16, #tpu.memory_space<vmem>>, vector<16x16xbf16>
    tpu.vector_store %arg14[%swap3A_733, %swap3A_734], %convert_element_type3A_732 {strides = array<i32>} : memref<128x128xbf16, #tpu.memory_space<vmem>>, vector<16x16xbf16>,
    %get3A_736 = arith.constant 1264 : index
    %get3A_737 = arith.constant 0 : index
    %get3A_738 = vector.load %arg12[%get3A_736, %get3A_737] : memref<3200x16xf32, #tpu.memory_space<vmem>>, vector<16x16xf32>
    %convert_element_type3A_739 = arith.truncf %get3A_738 : vector<16x16xf32> to vector<16x16xbf16>
    %swap3A_740 = arith.constant 112 : index
    %swap3A_741 = arith.constant 112 : index
    %swap3A_742 = vector.load %arg14[%swap3A_740, %swap3A_741] : memref<128x128xbf16, #tpu.memory_space<vmem>>, vector<16x16xbf16>
    tpu.vector_store %arg14[%swap3A_740, %swap3A_741], %convert_element_type3A_739 {strides = array<i32>} : memref<128x128xbf16, #tpu.memory_space<vmem>>, vector<16x16xbf16>,
    %get3A_743 = arith.constant 1152 : index
    %get3A_744 = arith.constant 0 : index
    %get3A_745 = vector.load %arg15[%get3A_743, %get3A_744] : memref<3200x128xbf16, #tpu.memory_space<vmem>>, vector<128x128xbf16>
    %get3A_746 = arith.constant 0 : index
    %get3A_747 = arith.constant 0 : index
    %get3A_748 = vector.load %arg14[%get3A_746, %get3A_747] : memref<128x128xbf16, #tpu.memory_space<vmem>>, vector<128x128xbf16>
    %dot_general3A_749 = arith.constant dense<0.000000e+00> : vector<128x128xf32>
    %dot_general3A_750 = tpu.matmul %get3A_748, %get3A_745, %dot_general3A_749 {dimension_numbers = #tpu.dot_dimension_numbers<[0], [0], [1], [1], [0, 1, 1, 1], [], []>, transpose_lhs_hint = false} : vector<128x128xbf16>, vector<128x128xbf16>, vector<128x128xf32> -> vector<128x128xf32>
    %reshape3A_751 = vector.shape_cast %dot_general3A_750 : vector<128x128xf32> to vector<8x16x128xf32>
    %swap3A_752 = arith.constant 72 : index
    %swap3A_753 = arith.constant 0 : index
    %swap3A_754 = arith.constant 0 : index
    %swap3A_755 = vector.load %arg13[%swap3A_752, %swap3A_753, %swap3A_754] : memref<200x16x128xf32, #tpu.memory_space<vmem>>, vector<8x16x128xf32>
    tpu.vector_store %arg13[%swap3A_752, %swap3A_753, %swap3A_754], %reshape3A_751 {strides = array<i32>} : memref<200x16x128xf32, #tpu.memory_space<vmem>>, vector<8x16x128xf32>,
    %get3A_756 = arith.constant 1280 : index
    %get3A_757 = arith.constant 0 : index
    %get3A_758 = vector.load %arg12[%get3A_756, %get3A_757] : memref<3200x16xf32, #tpu.memory_space<vmem>>, vector<16x16xf32>
    %convert_element_type3A_759 = arith.truncf %get3A_758 : vector<16x16xf32> to vector<16x16xbf16>
    %swap3A_760 = arith.constant 0 : index
    %swap3A_761 = arith.constant 0 : index
    %swap3A_762 = vector.load %arg14[%swap3A_760, %swap3A_761] : memref<128x128xbf16, #tpu.memory_space<vmem>>, vector<16x16xbf16>
    tpu.vector_store %arg14[%swap3A_760, %swap3A_761], %convert_element_type3A_759 {strides = array<i32>} : memref<128x128xbf16, #tpu.memory_space<vmem>>, vector<16x16xbf16>,
    %get3A_763 = arith.constant 1296 : index
    %get3A_764 = arith.constant 0 : index
    %get3A_765 = vector.load %arg12[%get3A_763, %get3A_764] : memref<3200x16xf32, #tpu.memory_space<vmem>>, vector<16x16xf32>
    %convert_element_type3A_766 = arith.truncf %get3A_765 : vector<16x16xf32> to vector<16x16xbf16>
    %swap3A_767 = arith.constant 16 : index
    %swap3A_768 = arith.constant 16 : index
    %swap3A_769 = vector.load %arg14[%swap3A_767, %swap3A_768] : memref<128x128xbf16, #tpu.memory_space<vmem>>, vector<16x16xbf16>
    tpu.vector_store %arg14[%swap3A_767, %swap3A_768], %convert_element_type3A_766 {strides = array<i32>} : memref<128x128xbf16, #tpu.memory_space<vmem>>, vector<16x16xbf16>,
    %get3A_770 = arith.constant 1312 : index
    %get3A_771 = arith.constant 0 : index
    %get3A_772 = vector.load %arg12[%get3A_770, %get3A_771] : memref<3200x16xf32, #tpu.memory_space<vmem>>, vector<16x16xf32>
    %convert_element_type3A_773 = arith.truncf %get3A_772 : vector<16x16xf32> to vector<16x16xbf16>
    %swap3A_774 = arith.constant 32 : index
    %swap3A_775 = arith.constant 32 : index
    %swap3A_776 = vector.load %arg14[%swap3A_774, %swap3A_775] : memref<128x128xbf16, #tpu.memory_space<vmem>>, vector<16x16xbf16>
    tpu.vector_store %arg14[%swap3A_774, %swap3A_775], %convert_element_type3A_773 {strides = array<i32>} : memref<128x128xbf16, #tpu.memory_space<vmem>>, vector<16x16xbf16>,
    %get3A_777 = arith.constant 1328 : index
    %get3A_778 = arith.constant 0 : index
    %get3A_779 = vector.load %arg12[%get3A_777, %get3A_778] : memref<3200x16xf32, #tpu.memory_space<vmem>>, vector<16x16xf32>
    %convert_element_type3A_780 = arith.truncf %get3A_779 : vector<16x16xf32> to vector<16x16xbf16>
    %swap3A_781 = arith.constant 48 : index
    %swap3A_782 = arith.constant 48 : index
    %swap3A_783 = vector.load %arg14[%swap3A_781, %swap3A_782] : memref<128x128xbf16, #tpu.memory_space<vmem>>, vector<16x16xbf16>
    tpu.vector_store %arg14[%swap3A_781, %swap3A_782], %convert_element_type3A_780 {strides = array<i32>} : memref<128x128xbf16, #tpu.memory_space<vmem>>, vector<16x16xbf16>,
    %get3A_784 = arith.constant 1344 : index
    %get3A_785 = arith.constant 0 : index
    %get3A_786 = vector.load %arg12[%get3A_784, %get3A_785] : memref<3200x16xf32, #tpu.memory_space<vmem>>, vector<16x16xf32>
    %convert_element_type3A_787 = arith.truncf %get3A_786 : vector<16x16xf32> to vector<16x16xbf16>
    %swap3A_788 = arith.constant 64 : index
    %swap3A_789 = arith.constant 64 : index
    %swap3A_790 = vector.load %arg14[%swap3A_788, %swap3A_789] : memref<128x128xbf16, #tpu.memory_space<vmem>>, vector<16x16xbf16>
    tpu.vector_store %arg14[%swap3A_788, %swap3A_789], %convert_element_type3A_787 {strides = array<i32>} : memref<128x128xbf16, #tpu.memory_space<vmem>>, vector<16x16xbf16>,
    %get3A_791 = arith.constant 1360 : index
    %get3A_792 = arith.constant 0 : index
    %get3A_793 = vector.load %arg12[%get3A_791, %get3A_792] : memref<3200x16xf32, #tpu.memory_space<vmem>>, vector<16x16xf32>
    %convert_element_type3A_794 = arith.truncf %get3A_793 : vector<16x16xf32> to vector<16x16xbf16>
    %swap3A_795 = arith.constant 80 : index
    %swap3A_796 = arith.constant 80 : index
    %swap3A_797 = vector.load %arg14[%swap3A_795, %swap3A_796] : memref<128x128xbf16, #tpu.memory_space<vmem>>, vector<16x16xbf16>
    tpu.vector_store %arg14[%swap3A_795, %swap3A_796], %convert_element_type3A_794 {strides = array<i32>} : memref<128x128xbf16, #tpu.memory_space<vmem>>, vector<16x16xbf16>,
    %get3A_798 = arith.constant 1376 : index
    %get3A_799 = arith.constant 0 : index
    %get3A_800 = vector.load %arg12[%get3A_798, %get3A_799] : memref<3200x16xf32, #tpu.memory_space<vmem>>, vector<16x16xf32>
    %convert_element_type3A_801 = arith.truncf %get3A_800 : vector<16x16xf32> to vector<16x16xbf16>
    %swap3A_802 = arith.constant 96 : index
    %swap3A_803 = arith.constant 96 : index
    %swap3A_804 = vector.load %arg14[%swap3A_802, %swap3A_803] : memref<128x128xbf16, #tpu.memory_space<vmem>>, vector<16x16xbf16>
    tpu.vector_store %arg14[%swap3A_802, %swap3A_803], %convert_element_type3A_801 {strides = array<i32>} : memref<128x128xbf16, #tpu.memory_space<vmem>>, vector<16x16xbf16>,
    %get3A_805 = arith.constant 1392 : index
    %get3A_806 = arith.constant 0 : index
    %get3A_807 = vector.load %arg12[%get3A_805, %get3A_806] : memref<3200x16xf32, #tpu.memory_space<vmem>>, vector<16x16xf32>
    %convert_element_type3A_808 = arith.truncf %get3A_807 : vector<16x16xf32> to vector<16x16xbf16>
    %swap3A_809 = arith.constant 112 : index
    %swap3A_810 = arith.constant 112 : index
    %swap3A_811 = vector.load %arg14[%swap3A_809, %swap3A_810] : memref<128x128xbf16, #tpu.memory_space<vmem>>, vector<16x16xbf16>
    tpu.vector_store %arg14[%swap3A_809, %swap3A_810], %convert_element_type3A_808 {strides = array<i32>} : memref<128x128xbf16, #tpu.memory_space<vmem>>, vector<16x16xbf16>,
    %get3A_812 = arith.constant 1280 : index
    %get3A_813 = arith.constant 0 : index
    %get3A_814 = vector.load %arg15[%get3A_812, %get3A_813] : memref<3200x128xbf16, #tpu.memory_space<vmem>>, vector<128x128xbf16>
    %get3A_815 = arith.constant 0 : index
    %get3A_816 = arith.constant 0 : index
    %get3A_817 = vector.load %arg14[%get3A_815, %get3A_816] : memref<128x128xbf16, #tpu.memory_space<vmem>>, vector<128x128xbf16>
    %dot_general3A_818 = arith.constant dense<0.000000e+00> : vector<128x128xf32>
    %dot_general3A_819 = tpu.matmul %get3A_817, %get3A_814, %dot_general3A_818 {dimension_numbers = #tpu.dot_dimension_numbers<[0], [0], [1], [1], [0, 1, 1, 1], [], []>, transpose_lhs_hint = false} : vector<128x128xbf16>, vector<128x128xbf16>, vector<128x128xf32> -> vector<128x128xf32>
    %reshape3A_820 = vector.shape_cast %dot_general3A_819 : vector<128x128xf32> to vector<8x16x128xf32>
    %swap3A_821 = arith.constant 80 : index
    %swap3A_822 = arith.constant 0 : index
    %swap3A_823 = arith.constant 0 : index
    %swap3A_824 = vector.load %arg13[%swap3A_821, %swap3A_822, %swap3A_823] : memref<200x16x128xf32, #tpu.memory_space<vmem>>, vector<8x16x128xf32>
    tpu.vector_store %arg13[%swap3A_821, %swap3A_822, %swap3A_823], %reshape3A_820 {strides = array<i32>} : memref<200x16x128xf32, #tpu.memory_space<vmem>>, vector<8x16x128xf32>,
    %get3A_825 = arith.constant 1408 : index
    %get3A_826 = arith.constant 0 : index
    %get3A_827 = vector.load %arg12[%get3A_825, %get3A_826] : memref<3200x16xf32, #tpu.memory_space<vmem>>, vector<16x16xf32>
    %convert_element_type3A_828 = arith.truncf %get3A_827 : vector<16x16xf32> to vector<16x16xbf16>
    %swap3A_829 = arith.constant 0 : index
    %swap3A_830 = arith.constant 0 : index
    %swap3A_831 = vector.load %arg14[%swap3A_829, %swap3A_830] : memref<128x128xbf16, #tpu.memory_space<vmem>>, vector<16x16xbf16>
    tpu.vector_store %arg14[%swap3A_829, %swap3A_830], %convert_element_type3A_828 {strides = array<i32>} : memref<128x128xbf16, #tpu.memory_space<vmem>>, vector<16x16xbf16>,
    %get3A_832 = arith.constant 1424 : index
    %get3A_833 = arith.constant 0 : index
    %get3A_834 = vector.load %arg12[%get3A_832, %get3A_833] : memref<3200x16xf32, #tpu.memory_space<vmem>>, vector<16x16xf32>
    %convert_element_type3A_835 = arith.truncf %get3A_834 : vector<16x16xf32> to vector<16x16xbf16>
    %swap3A_836 = arith.constant 16 : index
    %swap3A_837 = arith.constant 16 : index
    %swap3A_838 = vector.load %arg14[%swap3A_836, %swap3A_837] : memref<128x128xbf16, #tpu.memory_space<vmem>>, vector<16x16xbf16>
    tpu.vector_store %arg14[%swap3A_836, %swap3A_837], %convert_element_type3A_835 {strides = array<i32>} : memref<128x128xbf16, #tpu.memory_space<vmem>>, vector<16x16xbf16>,
    %get3A_839 = arith.constant 1440 : index
    %get3A_840 = arith.constant 0 : index
    %get3A_841 = vector.load %arg12[%get3A_839, %get3A_840] : memref<3200x16xf32, #tpu.memory_space<vmem>>, vector<16x16xf32>
    %convert_element_type3A_842 = arith.truncf %get3A_841 : vector<16x16xf32> to vector<16x16xbf16>
    %swap3A_843 = arith.constant 32 : index
    %swap3A_844 = arith.constant 32 : index
    %swap3A_845 = vector.load %arg14[%swap3A_843, %swap3A_844] : memref<128x128xbf16, #tpu.memory_space<vmem>>, vector<16x16xbf16>
    tpu.vector_store %arg14[%swap3A_843, %swap3A_844], %convert_element_type3A_842 {strides = array<i32>} : memref<128x128xbf16, #tpu.memory_space<vmem>>, vector<16x16xbf16>,
    %get3A_846 = arith.constant 1456 : index
    %get3A_847 = arith.constant 0 : index
    %get3A_848 = vector.load %arg12[%get3A_846, %get3A_847] : memref<3200x16xf32, #tpu.memory_space<vmem>>, vector<16x16xf32>
    %convert_element_type3A_849 = arith.truncf %get3A_848 : vector<16x16xf32> to vector<16x16xbf16>
    %swap3A_850 = arith.constant 48 : index
    %swap3A_851 = arith.constant 48 : index
    %swap3A_852 = vector.load %arg14[%swap3A_850, %swap3A_851] : memref<128x128xbf16, #tpu.memory_space<vmem>>, vector<16x16xbf16>
    tpu.vector_store %arg14[%swap3A_850, %swap3A_851], %convert_element_type3A_849 {strides = array<i32>} : memref<128x128xbf16, #tpu.memory_space<vmem>>, vector<16x16xbf16>,
    %get3A_853 = arith.constant 1472 : index
    %get3A_854 = arith.constant 0 : index
    %get3A_855 = vector.load %arg12[%get3A_853, %get3A_854] : memref<3200x16xf32, #tpu.memory_space<vmem>>, vector<16x16xf32>
    %convert_element_type3A_856 = arith.truncf %get3A_855 : vector<16x16xf32> to vector<16x16xbf16>
    %swap3A_857 = arith.constant 64 : index
    %swap3A_858 = arith.constant 64 : index
    %swap3A_859 = vector.load %arg14[%swap3A_857, %swap3A_858] : memref<128x128xbf16, #tpu.memory_space<vmem>>, vector<16x16xbf16>
    tpu.vector_store %arg14[%swap3A_857, %swap3A_858], %convert_element_type3A_856 {strides = array<i32>} : memref<128x128xbf16, #tpu.memory_space<vmem>>, vector<16x16xbf16>,
    %get3A_860 = arith.constant 1488 : index
    %get3A_861 = arith.constant 0 : index
    %get3A_862 = vector.load %arg12[%get3A_860, %get3A_861] : memref<3200x16xf32, #tpu.memory_space<vmem>>, vector<16x16xf32>
    %convert_element_type3A_863 = arith.truncf %get3A_862 : vector<16x16xf32> to vector<16x16xbf16>
    %swap3A_864 = arith.constant 80 : index
    %swap3A_865 = arith.constant 80 : index
    %swap3A_866 = vector.load %arg14[%swap3A_864, %swap3A_865] : memref<128x128xbf16, #tpu.memory_space<vmem>>, vector<16x16xbf16>
    tpu.vector_store %arg14[%swap3A_864, %swap3A_865], %convert_element_type3A_863 {strides = array<i32>} : memref<128x128xbf16, #tpu.memory_space<vmem>>, vector<16x16xbf16>,
    %get3A_867 = arith.constant 1504 : index
    %get3A_868 = arith.constant 0 : index
    %get3A_869 = vector.load %arg12[%get3A_867, %get3A_868] : memref<3200x16xf32, #tpu.memory_space<vmem>>, vector<16x16xf32>
    %convert_element_type3A_870 = arith.truncf %get3A_869 : vector<16x16xf32> to vector<16x16xbf16>
    %swap3A_871 = arith.constant 96 : index
    %swap3A_872 = arith.constant 96 : index
    %swap3A_873 = vector.load %arg14[%swap3A_871, %swap3A_872] : memref<128x128xbf16, #tpu.memory_space<vmem>>, vector<16x16xbf16>
    tpu.vector_store %arg14[%swap3A_871, %swap3A_872], %convert_element_type3A_870 {strides = array<i32>} : memref<128x128xbf16, #tpu.memory_space<vmem>>, vector<16x16xbf16>,
    %get3A_874 = arith.constant 1520 : index
    %get3A_875 = arith.constant 0 : index
    %get3A_876 = vector.load %arg12[%get3A_874, %get3A_875] : memref<3200x16xf32, #tpu.memory_space<vmem>>, vector<16x16xf32>
    %convert_element_type3A_877 = arith.truncf %get3A_876 : vector<16x16xf32> to vector<16x16xbf16>
    %swap3A_878 = arith.constant 112 : index
    %swap3A_879 = arith.constant 112 : index
    %swap3A_880 = vector.load %arg14[%swap3A_878, %swap3A_879] : memref<128x128xbf16, #tpu.memory_space<vmem>>, vector<16x16xbf16>
    tpu.vector_store %arg14[%swap3A_878, %swap3A_879], %convert_element_type3A_877 {strides = array<i32>} : memref<128x128xbf16, #tpu.memory_space<vmem>>, vector<16x16xbf16>,
    %get3A_881 = arith.constant 1408 : index
    %get3A_882 = arith.constant 0 : index
    %get3A_883 = vector.load %arg15[%get3A_881, %get3A_882] : memref<3200x128xbf16, #tpu.memory_space<vmem>>, vector<128x128xbf16>
    %get3A_884 = arith.constant 0 : index
    %get3A_885 = arith.constant 0 : index
    %get3A_886 = vector.load %arg14[%get3A_884, %get3A_885] : memref<128x128xbf16, #tpu.memory_space<vmem>>, vector<128x128xbf16>
    %dot_general3A_887 = arith.constant dense<0.000000e+00> : vector<128x128xf32>
    %dot_general3A_888 = tpu.matmul %get3A_886, %get3A_883, %dot_general3A_887 {dimension_numbers = #tpu.dot_dimension_numbers<[0], [0], [1], [1], [0, 1, 1, 1], [], []>, transpose_lhs_hint = false} : vector<128x128xbf16>, vector<128x128xbf16>, vector<128x128xf32> -> vector<128x128xf32>
    %reshape3A_889 = vector.shape_cast %dot_general3A_888 : vector<128x128xf32> to vector<8x16x128xf32>
    %swap3A_890 = arith.constant 88 : index
    %swap3A_891 = arith.constant 0 : index
    %swap3A_892 = arith.constant 0 : index
    %swap3A_893 = vector.load %arg13[%swap3A_890, %swap3A_891, %swap3A_892] : memref<200x16x128xf32, #tpu.memory_space<vmem>>, vector<8x16x128xf32>
    tpu.vector_store %arg13[%swap3A_890, %swap3A_891, %swap3A_892], %reshape3A_889 {strides = array<i32>} : memref<200x16x128xf32, #tpu.memory_space<vmem>>, vector<8x16x128xf32>,
    %get3A_894 = arith.constant 1536 : index
    %get3A_895 = arith.constant 0 : index
    %get3A_896 = vector.load %arg12[%get3A_894, %get3A_895] : memref<3200x16xf32, #tpu.memory_space<vmem>>, vector<16x16xf32>
    %convert_element_type3A_897 = arith.truncf %get3A_896 : vector<16x16xf32> to vector<16x16xbf16>
    %swap3A_898 = arith.constant 0 : index
    %swap3A_899 = arith.constant 0 : index
    %swap3A_900 = vector.load %arg14[%swap3A_898, %swap3A_899] : memref<128x128xbf16, #tpu.memory_space<vmem>>, vector<16x16xbf16>
    tpu.vector_store %arg14[%swap3A_898, %swap3A_899], %convert_element_type3A_897 {strides = array<i32>} : memref<128x128xbf16, #tpu.memory_space<vmem>>, vector<16x16xbf16>,
    %get3A_901 = arith.constant 1552 : index
    %get3A_902 = arith.constant 0 : index
    %get3A_903 = vector.load %arg12[%get3A_901, %get3A_902] : memref<3200x16xf32, #tpu.memory_space<vmem>>, vector<16x16xf32>
    %convert_element_type3A_904 = arith.truncf %get3A_903 : vector<16x16xf32> to vector<16x16xbf16>
    %swap3A_905 = arith.constant 16 : index
    %swap3A_906 = arith.constant 16 : index
    %swap3A_907 = vector.load %arg14[%swap3A_905, %swap3A_906] : memref<128x128xbf16, #tpu.memory_space<vmem>>, vector<16x16xbf16>
    tpu.vector_store %arg14[%swap3A_905, %swap3A_906], %convert_element_type3A_904 {strides = array<i32>} : memref<128x128xbf16, #tpu.memory_space<vmem>>, vector<16x16xbf16>,
    %get3A_908 = arith.constant 1568 : index
    %get3A_909 = arith.constant 0 : index
    %get3A_910 = vector.load %arg12[%get3A_908, %get3A_909] : memref<3200x16xf32, #tpu.memory_space<vmem>>, vector<16x16xf32>
    %convert_element_type3A_911 = arith.truncf %get3A_910 : vector<16x16xf32> to vector<16x16xbf16>
    %swap3A_912 = arith.constant 32 : index
    %swap3A_913 = arith.constant 32 : index
    %swap3A_914 = vector.load %arg14[%swap3A_912, %swap3A_913] : memref<128x128xbf16, #tpu.memory_space<vmem>>, vector<16x16xbf16>
    tpu.vector_store %arg14[%swap3A_912, %swap3A_913], %convert_element_type3A_911 {strides = array<i32>} : memref<128x128xbf16, #tpu.memory_space<vmem>>, vector<16x16xbf16>,
    %get3A_915 = arith.constant 1584 : index
    %get3A_916 = arith.constant 0 : index
    %get3A_917 = vector.load %arg12[%get3A_915, %get3A_916] : memref<3200x16xf32, #tpu.memory_space<vmem>>, vector<16x16xf32>
    %convert_element_type3A_918 = arith.truncf %get3A_917 : vector<16x16xf32> to vector<16x16xbf16>
    %swap3A_919 = arith.constant 48 : index
    %swap3A_920 = arith.constant 48 : index
    %swap3A_921 = vector.load %arg14[%swap3A_919, %swap3A_920] : memref<128x128xbf16, #tpu.memory_space<vmem>>, vector<16x16xbf16>
    tpu.vector_store %arg14[%swap3A_919, %swap3A_920], %convert_element_type3A_918 {strides = array<i32>} : memref<128x128xbf16, #tpu.memory_space<vmem>>, vector<16x16xbf16>,
    %get3A_922 = arith.constant 1600 : index
    %get3A_923 = arith.constant 0 : index
    %get3A_924 = vector.load %arg12[%get3A_922, %get3A_923] : memref<3200x16xf32, #tpu.memory_space<vmem>>, vector<16x16xf32>
    %convert_element_type3A_925 = arith.truncf %get3A_924 : vector<16x16xf32> to vector<16x16xbf16>
    %swap3A_926 = arith.constant 64 : index
    %swap3A_927 = arith.constant 64 : index
    %swap3A_928 = vector.load %arg14[%swap3A_926, %swap3A_927] : memref<128x128xbf16, #tpu.memory_space<vmem>>, vector<16x16xbf16>
    tpu.vector_store %arg14[%swap3A_926, %swap3A_927], %convert_element_type3A_925 {strides = array<i32>} : memref<128x128xbf16, #tpu.memory_space<vmem>>, vector<16x16xbf16>,
    %get3A_929 = arith.constant 1616 : index
    %get3A_930 = arith.constant 0 : index
    %get3A_931 = vector.load %arg12[%get3A_929, %get3A_930] : memref<3200x16xf32, #tpu.memory_space<vmem>>, vector<16x16xf32>
    %convert_element_type3A_932 = arith.truncf %get3A_931 : vector<16x16xf32> to vector<16x16xbf16>
    %swap3A_933 = arith.constant 80 : index
    %swap3A_934 = arith.constant 80 : index
    %swap3A_935 = vector.load %arg14[%swap3A_933, %swap3A_934] : memref<128x128xbf16, #tpu.memory_space<vmem>>, vector<16x16xbf16>
    tpu.vector_store %arg14[%swap3A_933, %swap3A_934], %convert_element_type3A_932 {strides = array<i32>} : memref<128x128xbf16, #tpu.memory_space<vmem>>, vector<16x16xbf16>,
    %get3A_936 = arith.constant 1632 : index
    %get3A_937 = arith.constant 0 : index
    %get3A_938 = vector.load %arg12[%get3A_936, %get3A_937] : memref<3200x16xf32, #tpu.memory_space<vmem>>, vector<16x16xf32>
    %convert_element_type3A_939 = arith.truncf %get3A_938 : vector<16x16xf32> to vector<16x16xbf16>
    %swap3A_940 = arith.constant 96 : index
    %swap3A_941 = arith.constant 96 : index
    %swap3A_942 = vector.load %arg14[%swap3A_940, %swap3A_941] : memref<128x128xbf16, #tpu.memory_space<vmem>>, vector<16x16xbf16>
    tpu.vector_store %arg14[%swap3A_940, %swap3A_941], %convert_element_type3A_939 {strides = array<i32>} : memref<128x128xbf16, #tpu.memory_space<vmem>>, vector<16x16xbf16>,
    %get3A_943 = arith.constant 1648 : index
    %get3A_944 = arith.constant 0 : index
    %get3A_945 = vector.load %arg12[%get3A_943, %get3A_944] : memref<3200x16xf32, #tpu.memory_space<vmem>>, vector<16x16xf32>
    %convert_element_type3A_946 = arith.truncf %get3A_945 : vector<16x16xf32> to vector<16x16xbf16>
    %swap3A_947 = arith.constant 112 : index
    %swap3A_948 = arith.constant 112 : index
    %swap3A_949 = vector.load %arg14[%swap3A_947, %swap3A_948] : memref<128x128xbf16, #tpu.memory_space<vmem>>, vector<16x16xbf16>
    tpu.vector_store %arg14[%swap3A_947, %swap3A_948], %convert_element_type3A_946 {strides = array<i32>} : memref<128x128xbf16, #tpu.memory_space<vmem>>, vector<16x16xbf16>,
    %get3A_950 = arith.constant 1536 : index
    %get3A_951 = arith.constant 0 : index
    %get3A_952 = vector.load %arg15[%get3A_950, %get3A_951] : memref<3200x128xbf16, #tpu.memory_space<vmem>>, vector<128x128xbf16>
    %get3A_953 = arith.constant 0 : index
    %get3A_954 = arith.constant 0 : index
    %get3A_955 = vector.load %arg14[%get3A_953, %get3A_954] : memref<128x128xbf16, #tpu.memory_space<vmem>>, vector<128x128xbf16>
    %dot_general3A_956 = arith.constant dense<0.000000e+00> : vector<128x128xf32>
    %dot_general3A_957 = tpu.matmul %get3A_955, %get3A_952, %dot_general3A_956 {dimension_numbers = #tpu.dot_dimension_numbers<[0], [0], [1], [1], [0, 1, 1, 1], [], []>, transpose_lhs_hint = false} : vector<128x128xbf16>, vector<128x128xbf16>, vector<128x128xf32> -> vector<128x128xf32>
    %reshape3A_958 = vector.shape_cast %dot_general3A_957 : vector<128x128xf32> to vector<8x16x128xf32>
    %swap3A_959 = arith.constant 96 : index
    %swap3A_960 = arith.constant 0 : index
    %swap3A_961 = arith.constant 0 : index
    %swap3A_962 = vector.load %arg13[%swap3A_959, %swap3A_960, %swap3A_961] : memref<200x16x128xf32, #tpu.memory_space<vmem>>, vector<8x16x128xf32>
    tpu.vector_store %arg13[%swap3A_959, %swap3A_960, %swap3A_961], %reshape3A_958 {strides = array<i32>} : memref<200x16x128xf32, #tpu.memory_space<vmem>>, vector<8x16x128xf32>,
    %get3A_963 = arith.constant 1664 : index
    %get3A_964 = arith.constant 0 : index
    %get3A_965 = vector.load %arg12[%get3A_963, %get3A_964] : memref<3200x16xf32, #tpu.memory_space<vmem>>, vector<16x16xf32>
    %convert_element_type3A_966 = arith.truncf %get3A_965 : vector<16x16xf32> to vector<16x16xbf16>
    %swap3A_967 = arith.constant 0 : index
    %swap3A_968 = arith.constant 0 : index
    %swap3A_969 = vector.load %arg14[%swap3A_967, %swap3A_968] : memref<128x128xbf16, #tpu.memory_space<vmem>>, vector<16x16xbf16>
    tpu.vector_store %arg14[%swap3A_967, %swap3A_968], %convert_element_type3A_966 {strides = array<i32>} : memref<128x128xbf16, #tpu.memory_space<vmem>>, vector<16x16xbf16>,
    %get3A_970 = arith.constant 1680 : index
    %get3A_971 = arith.constant 0 : index
    %get3A_972 = vector.load %arg12[%get3A_970, %get3A_971] : memref<3200x16xf32, #tpu.memory_space<vmem>>, vector<16x16xf32>
    %convert_element_type3A_973 = arith.truncf %get3A_972 : vector<16x16xf32> to vector<16x16xbf16>
    %swap3A_974 = arith.constant 16 : index
    %swap3A_975 = arith.constant 16 : index
    %swap3A_976 = vector.load %arg14[%swap3A_974, %swap3A_975] : memref<128x128xbf16, #tpu.memory_space<vmem>>, vector<16x16xbf16>
    tpu.vector_store %arg14[%swap3A_974, %swap3A_975], %convert_element_type3A_973 {strides = array<i32>} : memref<128x128xbf16, #tpu.memory_space<vmem>>, vector<16x16xbf16>,
    %get3A_977 = arith.constant 1696 : index
    %get3A_978 = arith.constant 0 : index
    %get3A_979 = vector.load %arg12[%get3A_977, %get3A_978] : memref<3200x16xf32, #tpu.memory_space<vmem>>, vector<16x16xf32>
    %convert_element_type3A_980 = arith.truncf %get3A_979 : vector<16x16xf32> to vector<16x16xbf16>
    %swap3A_981 = arith.constant 32 : index
    %swap3A_982 = arith.constant 32 : index
    %swap3A_983 = vector.load %arg14[%swap3A_981, %swap3A_982] : memref<128x128xbf16, #tpu.memory_space<vmem>>, vector<16x16xbf16>
    tpu.vector_store %arg14[%swap3A_981, %swap3A_982], %convert_element_type3A_980 {strides = array<i32>} : memref<128x128xbf16, #tpu.memory_space<vmem>>, vector<16x16xbf16>,
    %get3A_984 = arith.constant 1712 : index
    %get3A_985 = arith.constant 0 : index
    %get3A_986 = vector.load %arg12[%get3A_984, %get3A_985] : memref<3200x16xf32, #tpu.memory_space<vmem>>, vector<16x16xf32>
    %convert_element_type3A_987 = arith.truncf %get3A_986 : vector<16x16xf32> to vector<16x16xbf16>
    %swap3A_988 = arith.constant 48 : index
    %swap3A_989 = arith.constant 48 : index
    %swap3A_990 = vector.load %arg14[%swap3A_988, %swap3A_989] : memref<128x128xbf16, #tpu.memory_space<vmem>>, vector<16x16xbf16>
    tpu.vector_store %arg14[%swap3A_988, %swap3A_989], %convert_element_type3A_987 {strides = array<i32>} : memref<128x128xbf16, #tpu.memory_space<vmem>>, vector<16x16xbf16>,
    %get3A_991 = arith.constant 1728 : index
    %get3A_992 = arith.constant 0 : index
    %get3A_993 = vector.load %arg12[%get3A_991, %get3A_992] : memref<3200x16xf32, #tpu.memory_space<vmem>>, vector<16x16xf32>
    %convert_element_type3A_994 = arith.truncf %get3A_993 : vector<16x16xf32> to vector<16x16xbf16>
    %swap3A_995 = arith.constant 64 : index
    %swap3A_996 = arith.constant 64 : index
    %swap3A_997 = vector.load %arg14[%swap3A_995, %swap3A_996] : memref<128x128xbf16, #tpu.memory_space<vmem>>, vector<16x16xbf16>
    tpu.vector_store %arg14[%swap3A_995, %swap3A_996], %convert_element_type3A_994 {strides = array<i32>} : memref<128x128xbf16, #tpu.memory_space<vmem>>, vector<16x16xbf16>,
    %get3A_998 = arith.constant 1744 : index
    %get3A_999 = arith.constant 0 : index
    %get3A_1000 = vector.load %arg12[%get3A_998, %get3A_999] : memref<3200x16xf32, #tpu.memory_space<vmem>>, vector<16x16xf32>
    %convert_element_type3A_1001 = arith.truncf %get3A_1000 : vector<16x16xf32> to vector<16x16xbf16>
    %swap3A_1002 = arith.constant 80 : index
    %swap3A_1003 = arith.constant 80 : index
    %swap3A_1004 = vector.load %arg14[%swap3A_1002, %swap3A_1003] : memref<128x128xbf16, #tpu.memory_space<vmem>>, vector<16x16xbf16>
    tpu.vector_store %arg14[%swap3A_1002, %swap3A_1003], %convert_element_type3A_1001 {strides = array<i32>} : memref<128x128xbf16, #tpu.memory_space<vmem>>, vector<16x16xbf16>,
    %get3A_1005 = arith.constant 1760 : index
    %get3A_1006 = arith.constant 0 : index
    %get3A_1007 = vector.load %arg12[%get3A_1005, %get3A_1006] : memref<3200x16xf32, #tpu.memory_space<vmem>>, vector<16x16xf32>
    %convert_element_type3A_1008 = arith.truncf %get3A_1007 : vector<16x16xf32> to vector<16x16xbf16>
    %swap3A_1009 = arith.constant 96 : index
    %swap3A_1010 = arith.constant 96 : index
    %swap3A_1011 = vector.load %arg14[%swap3A_1009, %swap3A_1010] : memref<128x128xbf16, #tpu.memory_space<vmem>>, vector<16x16xbf16>
    tpu.vector_store %arg14[%swap3A_1009, %swap3A_1010], %convert_element_type3A_1008 {strides = array<i32>} : memref<128x128xbf16, #tpu.memory_space<vmem>>, vector<16x16xbf16>,
    %get3A_1012 = arith.constant 1776 : index
    %get3A_1013 = arith.constant 0 : index
    %get3A_1014 = vector.load %arg12[%get3A_1012, %get3A_1013] : memref<3200x16xf32, #tpu.memory_space<vmem>>, vector<16x16xf32>
    %convert_element_type3A_1015 = arith.truncf %get3A_1014 : vector<16x16xf32> to vector<16x16xbf16>
    %swap3A_1016 = arith.constant 112 : index
    %swap3A_1017 = arith.constant 112 : index
    %swap3A_1018 = vector.load %arg14[%swap3A_1016, %swap3A_1017] : memref<128x128xbf16, #tpu.memory_space<vmem>>, vector<16x16xbf16>
    tpu.vector_store %arg14[%swap3A_1016, %swap3A_1017], %convert_element_type3A_1015 {strides = array<i32>} : memref<128x128xbf16, #tpu.memory_space<vmem>>, vector<16x16xbf16>,
    %get3A_1019 = arith.constant 1664 : index
    %get3A_1020 = arith.constant 0 : index
    %get3A_1021 = vector.load %arg15[%get3A_1019, %get3A_1020] : memref<3200x128xbf16, #tpu.memory_space<vmem>>, vector<128x128xbf16>
    %get3A_1022 = arith.constant 0 : index
    %get3A_1023 = arith.constant 0 : index
    %get3A_1024 = vector.load %arg14[%get3A_1022, %get3A_1023] : memref<128x128xbf16, #tpu.memory_space<vmem>>, vector<128x128xbf16>
    %dot_general3A_1025 = arith.constant dense<0.000000e+00> : vector<128x128xf32>
    %dot_general3A_1026 = tpu.matmul %get3A_1024, %get3A_1021, %dot_general3A_1025 {dimension_numbers = #tpu.dot_dimension_numbers<[0], [0], [1], [1], [0, 1, 1, 1], [], []>, transpose_lhs_hint = false} : vector<128x128xbf16>, vector<128x128xbf16>, vector<128x128xf32> -> vector<128x128xf32>
    %reshape3A_1027 = vector.shape_cast %dot_general3A_1026 : vector<128x128xf32> to vector<8x16x128xf32>
    %swap3A_1028 = arith.constant 104 : index
    %swap3A_1029 = arith.constant 0 : index
    %swap3A_1030 = arith.constant 0 : index
    %swap3A_1031 = vector.load %arg13[%swap3A_1028, %swap3A_1029, %swap3A_1030] : memref<200x16x128xf32, #tpu.memory_space<vmem>>, vector<8x16x128xf32>
    tpu.vector_store %arg13[%swap3A_1028, %swap3A_1029, %swap3A_1030], %reshape3A_1027 {strides = array<i32>} : memref<200x16x128xf32, #tpu.memory_space<vmem>>, vector<8x16x128xf32>,
    %get3A_1032 = arith.constant 1792 : index
    %get3A_1033 = arith.constant 0 : index
    %get3A_1034 = vector.load %arg12[%get3A_1032, %get3A_1033] : memref<3200x16xf32, #tpu.memory_space<vmem>>, vector<16x16xf32>
    %convert_element_type3A_1035 = arith.truncf %get3A_1034 : vector<16x16xf32> to vector<16x16xbf16>
    %swap3A_1036 = arith.constant 0 : index
    %swap3A_1037 = arith.constant 0 : index
    %swap3A_1038 = vector.load %arg14[%swap3A_1036, %swap3A_1037] : memref<128x128xbf16, #tpu.memory_space<vmem>>, vector<16x16xbf16>
    tpu.vector_store %arg14[%swap3A_1036, %swap3A_1037], %convert_element_type3A_1035 {strides = array<i32>} : memref<128x128xbf16, #tpu.memory_space<vmem>>, vector<16x16xbf16>,
    %get3A_1039 = arith.constant 1808 : index
    %get3A_1040 = arith.constant 0 : index
    %get3A_1041 = vector.load %arg12[%get3A_1039, %get3A_1040] : memref<3200x16xf32, #tpu.memory_space<vmem>>, vector<16x16xf32>
    %convert_element_type3A_1042 = arith.truncf %get3A_1041 : vector<16x16xf32> to vector<16x16xbf16>
    %swap3A_1043 = arith.constant 16 : index
    %swap3A_1044 = arith.constant 16 : index
    %swap3A_1045 = vector.load %arg14[%swap3A_1043, %swap3A_1044] : memref<128x128xbf16, #tpu.memory_space<vmem>>, vector<16x16xbf16>
    tpu.vector_store %arg14[%swap3A_1043, %swap3A_1044], %convert_element_type3A_1042 {strides = array<i32>} : memref<128x128xbf16, #tpu.memory_space<vmem>>, vector<16x16xbf16>,
    %get3A_1046 = arith.constant 1824 : index
    %get3A_1047 = arith.constant 0 : index
    %get3A_1048 = vector.load %arg12[%get3A_1046, %get3A_1047] : memref<3200x16xf32, #tpu.memory_space<vmem>>, vector<16x16xf32>
    %convert_element_type3A_1049 = arith.truncf %get3A_1048 : vector<16x16xf32> to vector<16x16xbf16>
    %swap3A_1050 = arith.constant 32 : index
    %swap3A_1051 = arith.constant 32 : index
    %swap3A_1052 = vector.load %arg14[%swap3A_1050, %swap3A_1051] : memref<128x128xbf16, #tpu.memory_space<vmem>>, vector<16x16xbf16>
    tpu.vector_store %arg14[%swap3A_1050, %swap3A_1051], %convert_element_type3A_1049 {strides = array<i32>} : memref<128x128xbf16, #tpu.memory_space<vmem>>, vector<16x16xbf16>,
    %get3A_1053 = arith.constant 1840 : index
    %get3A_1054 = arith.constant 0 : index
    %get3A_1055 = vector.load %arg12[%get3A_1053, %get3A_1054] : memref<3200x16xf32, #tpu.memory_space<vmem>>, vector<16x16xf32>
    %convert_element_type3A_1056 = arith.truncf %get3A_1055 : vector<16x16xf32> to vector<16x16xbf16>
    %swap3A_1057 = arith.constant 48 : index
    %swap3A_1058 = arith.constant 48 : index
    %swap3A_1059 = vector.load %arg14[%swap3A_1057, %swap3A_1058] : memref<128x128xbf16, #tpu.memory_space<vmem>>, vector<16x16xbf16>
    tpu.vector_store %arg14[%swap3A_1057, %swap3A_1058], %convert_element_type3A_1056 {strides = array<i32>} : memref<128x128xbf16, #tpu.memory_space<vmem>>, vector<16x16xbf16>,
    %get3A_1060 = arith.constant 1856 : index
    %get3A_1061 = arith.constant 0 : index
    %get3A_1062 = vector.load %arg12[%get3A_1060, %get3A_1061] : memref<3200x16xf32, #tpu.memory_space<vmem>>, vector<16x16xf32>
    %convert_element_type3A_1063 = arith.truncf %get3A_1062 : vector<16x16xf32> to vector<16x16xbf16>
    %swap3A_1064 = arith.constant 64 : index
    %swap3A_1065 = arith.constant 64 : index
    %swap3A_1066 = vector.load %arg14[%swap3A_1064, %swap3A_1065] : memref<128x128xbf16, #tpu.memory_space<vmem>>, vector<16x16xbf16>
    tpu.vector_store %arg14[%swap3A_1064, %swap3A_1065], %convert_element_type3A_1063 {strides = array<i32>} : memref<128x128xbf16, #tpu.memory_space<vmem>>, vector<16x16xbf16>,
    %get3A_1067 = arith.constant 1872 : index
    %get3A_1068 = arith.constant 0 : index
    %get3A_1069 = vector.load %arg12[%get3A_1067, %get3A_1068] : memref<3200x16xf32, #tpu.memory_space<vmem>>, vector<16x16xf32>
    %convert_element_type3A_1070 = arith.truncf %get3A_1069 : vector<16x16xf32> to vector<16x16xbf16>
    %swap3A_1071 = arith.constant 80 : index
    %swap3A_1072 = arith.constant 80 : index
    %swap3A_1073 = vector.load %arg14[%swap3A_1071, %swap3A_1072] : memref<128x128xbf16, #tpu.memory_space<vmem>>, vector<16x16xbf16>
    tpu.vector_store %arg14[%swap3A_1071, %swap3A_1072], %convert_element_type3A_1070 {strides = array<i32>} : memref<128x128xbf16, #tpu.memory_space<vmem>>, vector<16x16xbf16>,
    %get3A_1074 = arith.constant 1888 : index
    %get3A_1075 = arith.constant 0 : index
    %get3A_1076 = vector.load %arg12[%get3A_1074, %get3A_1075] : memref<3200x16xf32, #tpu.memory_space<vmem>>, vector<16x16xf32>
    %convert_element_type3A_1077 = arith.truncf %get3A_1076 : vector<16x16xf32> to vector<16x16xbf16>
    %swap3A_1078 = arith.constant 96 : index
    %swap3A_1079 = arith.constant 96 : index
    %swap3A_1080 = vector.load %arg14[%swap3A_1078, %swap3A_1079] : memref<128x128xbf16, #tpu.memory_space<vmem>>, vector<16x16xbf16>
    tpu.vector_store %arg14[%swap3A_1078, %swap3A_1079], %convert_element_type3A_1077 {strides = array<i32>} : memref<128x128xbf16, #tpu.memory_space<vmem>>, vector<16x16xbf16>,
    %get3A_1081 = arith.constant 1904 : index
    %get3A_1082 = arith.constant 0 : index
    %get3A_1083 = vector.load %arg12[%get3A_1081, %get3A_1082] : memref<3200x16xf32, #tpu.memory_space<vmem>>, vector<16x16xf32>
    %convert_element_type3A_1084 = arith.truncf %get3A_1083 : vector<16x16xf32> to vector<16x16xbf16>
    %swap3A_1085 = arith.constant 112 : index
    %swap3A_1086 = arith.constant 112 : index
    %swap3A_1087 = vector.load %arg14[%swap3A_1085, %swap3A_1086] : memref<128x128xbf16, #tpu.memory_space<vmem>>, vector<16x16xbf16>
    tpu.vector_store %arg14[%swap3A_1085, %swap3A_1086], %convert_element_type3A_1084 {strides = array<i32>} : memref<128x128xbf16, #tpu.memory_space<vmem>>, vector<16x16xbf16>,
    %get3A_1088 = arith.constant 1792 : index
    %get3A_1089 = arith.constant 0 : index
    %get3A_1090 = vector.load %arg15[%get3A_1088, %get3A_1089] : memref<3200x128xbf16, #tpu.memory_space<vmem>>, vector<128x128xbf16>
    %get3A_1091 = arith.constant 0 : index
    %get3A_1092 = arith.constant 0 : index
    %get3A_1093 = vector.load %arg14[%get3A_1091, %get3A_1092] : memref<128x128xbf16, #tpu.memory_space<vmem>>, vector<128x128xbf16>
    %dot_general3A_1094 = arith.constant dense<0.000000e+00> : vector<128x128xf32>
    %dot_general3A_1095 = tpu.matmul %get3A_1093, %get3A_1090, %dot_general3A_1094 {dimension_numbers = #tpu.dot_dimension_numbers<[0], [0], [1], [1], [0, 1, 1, 1], [], []>, transpose_lhs_hint = false} : vector<128x128xbf16>, vector<128x128xbf16>, vector<128x128xf32> -> vector<128x128xf32>
    %reshape3A_1096 = vector.shape_cast %dot_general3A_1095 : vector<128x128xf32> to vector<8x16x128xf32>
    %swap3A_1097 = arith.constant 112 : index
    %swap3A_1098 = arith.constant 0 : index
    %swap3A_1099 = arith.constant 0 : index
    %swap3A_1100 = vector.load %arg13[%swap3A_1097, %swap3A_1098, %swap3A_1099] : memref<200x16x128xf32, #tpu.memory_space<vmem>>, vector<8x16x128xf32>
    tpu.vector_store %arg13[%swap3A_1097, %swap3A_1098, %swap3A_1099], %reshape3A_1096 {strides = array<i32>} : memref<200x16x128xf32, #tpu.memory_space<vmem>>, vector<8x16x128xf32>,
    %get3A_1101 = arith.constant 1920 : index
    %get3A_1102 = arith.constant 0 : index
    %get3A_1103 = vector.load %arg12[%get3A_1101, %get3A_1102] : memref<3200x16xf32, #tpu.memory_space<vmem>>, vector<16x16xf32>
    %convert_element_type3A_1104 = arith.truncf %get3A_1103 : vector<16x16xf32> to vector<16x16xbf16>
    %swap3A_1105 = arith.constant 0 : index
    %swap3A_1106 = arith.constant 0 : index
    %swap3A_1107 = vector.load %arg14[%swap3A_1105, %swap3A_1106] : memref<128x128xbf16, #tpu.memory_space<vmem>>, vector<16x16xbf16>
    tpu.vector_store %arg14[%swap3A_1105, %swap3A_1106], %convert_element_type3A_1104 {strides = array<i32>} : memref<128x128xbf16, #tpu.memory_space<vmem>>, vector<16x16xbf16>,
    %get3A_1108 = arith.constant 1936 : index
    %get3A_1109 = arith.constant 0 : index
    %get3A_1110 = vector.load %arg12[%get3A_1108, %get3A_1109] : memref<3200x16xf32, #tpu.memory_space<vmem>>, vector<16x16xf32>
    %convert_element_type3A_1111 = arith.truncf %get3A_1110 : vector<16x16xf32> to vector<16x16xbf16>
    %swap3A_1112 = arith.constant 16 : index
    %swap3A_1113 = arith.constant 16 : index
    %swap3A_1114 = vector.load %arg14[%swap3A_1112, %swap3A_1113] : memref<128x128xbf16, #tpu.memory_space<vmem>>, vector<16x16xbf16>
    tpu.vector_store %arg14[%swap3A_1112, %swap3A_1113], %convert_element_type3A_1111 {strides = array<i32>} : memref<128x128xbf16, #tpu.memory_space<vmem>>, vector<16x16xbf16>,
    %get3A_1115 = arith.constant 1952 : index
    %get3A_1116 = arith.constant 0 : index
    %get3A_1117 = vector.load %arg12[%get3A_1115, %get3A_1116] : memref<3200x16xf32, #tpu.memory_space<vmem>>, vector<16x16xf32>
    %convert_element_type3A_1118 = arith.truncf %get3A_1117 : vector<16x16xf32> to vector<16x16xbf16>
    %swap3A_1119 = arith.constant 32 : index
    %swap3A_1120 = arith.constant 32 : index
    %swap3A_1121 = vector.load %arg14[%swap3A_1119, %swap3A_1120] : memref<128x128xbf16, #tpu.memory_space<vmem>>, vector<16x16xbf16>
    tpu.vector_store %arg14[%swap3A_1119, %swap3A_1120], %convert_element_type3A_1118 {strides = array<i32>} : memref<128x128xbf16, #tpu.memory_space<vmem>>, vector<16x16xbf16>,
    %get3A_1122 = arith.constant 1968 : index
    %get3A_1123 = arith.constant 0 : index
    %get3A_1124 = vector.load %arg12[%get3A_1122, %get3A_1123] : memref<3200x16xf32, #tpu.memory_space<vmem>>, vector<16x16xf32>
    %convert_element_type3A_1125 = arith.truncf %get3A_1124 : vector<16x16xf32> to vector<16x16xbf16>
    %swap3A_1126 = arith.constant 48 : index
    %swap3A_1127 = arith.constant 48 : index
    %swap3A_1128 = vector.load %arg14[%swap3A_1126, %swap3A_1127] : memref<128x128xbf16, #tpu.memory_space<vmem>>, vector<16x16xbf16>
    tpu.vector_store %arg14[%swap3A_1126, %swap3A_1127], %convert_element_type3A_1125 {strides = array<i32>} : memref<128x128xbf16, #tpu.memory_space<vmem>>, vector<16x16xbf16>,
    %get3A_1129 = arith.constant 1984 : index
    %get3A_1130 = arith.constant 0 : index
    %get3A_1131 = vector.load %arg12[%get3A_1129, %get3A_1130] : memref<3200x16xf32, #tpu.memory_space<vmem>>, vector<16x16xf32>
    %convert_element_type3A_1132 = arith.truncf %get3A_1131 : vector<16x16xf32> to vector<16x16xbf16>
    %swap3A_1133 = arith.constant 64 : index
    %swap3A_1134 = arith.constant 64 : index
    %swap3A_1135 = vector.load %arg14[%swap3A_1133, %swap3A_1134] : memref<128x128xbf16, #tpu.memory_space<vmem>>, vector<16x16xbf16>
    tpu.vector_store %arg14[%swap3A_1133, %swap3A_1134], %convert_element_type3A_1132 {strides = array<i32>} : memref<128x128xbf16, #tpu.memory_space<vmem>>, vector<16x16xbf16>,
    %get3A_1136 = arith.constant 2000 : index
    %get3A_1137 = arith.constant 0 : index
    %get3A_1138 = vector.load %arg12[%get3A_1136, %get3A_1137] : memref<3200x16xf32, #tpu.memory_space<vmem>>, vector<16x16xf32>
    %convert_element_type3A_1139 = arith.truncf %get3A_1138 : vector<16x16xf32> to vector<16x16xbf16>
    %swap3A_1140 = arith.constant 80 : index
    %swap3A_1141 = arith.constant 80 : index
    %swap3A_1142 = vector.load %arg14[%swap3A_1140, %swap3A_1141] : memref<128x128xbf16, #tpu.memory_space<vmem>>, vector<16x16xbf16>
    tpu.vector_store %arg14[%swap3A_1140, %swap3A_1141], %convert_element_type3A_1139 {strides = array<i32>} : memref<128x128xbf16, #tpu.memory_space<vmem>>, vector<16x16xbf16>,
    %get3A_1143 = arith.constant 2016 : index
    %get3A_1144 = arith.constant 0 : index
    %get3A_1145 = vector.load %arg12[%get3A_1143, %get3A_1144] : memref<3200x16xf32, #tpu.memory_space<vmem>>, vector<16x16xf32>
    %convert_element_type3A_1146 = arith.truncf %get3A_1145 : vector<16x16xf32> to vector<16x16xbf16>
    %swap3A_1147 = arith.constant 96 : index
    %swap3A_1148 = arith.constant 96 : index
    %swap3A_1149 = vector.load %arg14[%swap3A_1147, %swap3A_1148] : memref<128x128xbf16, #tpu.memory_space<vmem>>, vector<16x16xbf16>
    tpu.vector_store %arg14[%swap3A_1147, %swap3A_1148], %convert_element_type3A_1146 {strides = array<i32>} : memref<128x128xbf16, #tpu.memory_space<vmem>>, vector<16x16xbf16>,
    %get3A_1150 = arith.constant 2032 : index
    %get3A_1151 = arith.constant 0 : index
    %get3A_1152 = vector.load %arg12[%get3A_1150, %get3A_1151] : memref<3200x16xf32, #tpu.memory_space<vmem>>, vector<16x16xf32>
    %convert_element_type3A_1153 = arith.truncf %get3A_1152 : vector<16x16xf32> to vector<16x16xbf16>
    %swap3A_1154 = arith.constant 112 : index
    %swap3A_1155 = arith.constant 112 : index
    %swap3A_1156 = vector.load %arg14[%swap3A_1154, %swap3A_1155] : memref<128x128xbf16, #tpu.memory_space<vmem>>, vector<16x16xbf16>
    tpu.vector_store %arg14[%swap3A_1154, %swap3A_1155], %convert_element_type3A_1153 {strides = array<i32>} : memref<128x128xbf16, #tpu.memory_space<vmem>>, vector<16x16xbf16>,
    %get3A_1157 = arith.constant 1920 : index
    %get3A_1158 = arith.constant 0 : index
    %get3A_1159 = vector.load %arg15[%get3A_1157, %get3A_1158] : memref<3200x128xbf16, #tpu.memory_space<vmem>>, vector<128x128xbf16>
    %get3A_1160 = arith.constant 0 : index
    %get3A_1161 = arith.constant 0 : index
    %get3A_1162 = vector.load %arg14[%get3A_1160, %get3A_1161] : memref<128x128xbf16, #tpu.memory_space<vmem>>, vector<128x128xbf16>
    %dot_general3A_1163 = arith.constant dense<0.000000e+00> : vector<128x128xf32>
    %dot_general3A_1164 = tpu.matmul %get3A_1162, %get3A_1159, %dot_general3A_1163 {dimension_numbers = #tpu.dot_dimension_numbers<[0], [0], [1], [1], [0, 1, 1, 1], [], []>, transpose_lhs_hint = false} : vector<128x128xbf16>, vector<128x128xbf16>, vector<128x128xf32> -> vector<128x128xf32>
    %reshape3A_1165 = vector.shape_cast %dot_general3A_1164 : vector<128x128xf32> to vector<8x16x128xf32>
    %swap3A_1166 = arith.constant 120 : index
    %swap3A_1167 = arith.constant 0 : index
    %swap3A_1168 = arith.constant 0 : index
    %swap3A_1169 = vector.load %arg13[%swap3A_1166, %swap3A_1167, %swap3A_1168] : memref<200x16x128xf32, #tpu.memory_space<vmem>>, vector<8x16x128xf32>
    tpu.vector_store %arg13[%swap3A_1166, %swap3A_1167, %swap3A_1168], %reshape3A_1165 {strides = array<i32>} : memref<200x16x128xf32, #tpu.memory_space<vmem>>, vector<8x16x128xf32>,
    %get3A_1170 = arith.constant 2048 : index
    %get3A_1171 = arith.constant 0 : index
    %get3A_1172 = vector.load %arg12[%get3A_1170, %get3A_1171] : memref<3200x16xf32, #tpu.memory_space<vmem>>, vector<16x16xf32>
    %convert_element_type3A_1173 = arith.truncf %get3A_1172 : vector<16x16xf32> to vector<16x16xbf16>
    %swap3A_1174 = arith.constant 0 : index
    %swap3A_1175 = arith.constant 0 : index
    %swap3A_1176 = vector.load %arg14[%swap3A_1174, %swap3A_1175] : memref<128x128xbf16, #tpu.memory_space<vmem>>, vector<16x16xbf16>
    tpu.vector_store %arg14[%swap3A_1174, %swap3A_1175], %convert_element_type3A_1173 {strides = array<i32>} : memref<128x128xbf16, #tpu.memory_space<vmem>>, vector<16x16xbf16>,
    %get3A_1177 = arith.constant 2064 : index
    %get3A_1178 = arith.constant 0 : index
    %get3A_1179 = vector.load %arg12[%get3A_1177, %get3A_1178] : memref<3200x16xf32, #tpu.memory_space<vmem>>, vector<16x16xf32>
    %convert_element_type3A_1180 = arith.truncf %get3A_1179 : vector<16x16xf32> to vector<16x16xbf16>
    %swap3A_1181 = arith.constant 16 : index
    %swap3A_1182 = arith.constant 16 : index
    %swap3A_1183 = vector.load %arg14[%swap3A_1181, %swap3A_1182] : memref<128x128xbf16, #tpu.memory_space<vmem>>, vector<16x16xbf16>
    tpu.vector_store %arg14[%swap3A_1181, %swap3A_1182], %convert_element_type3A_1180 {strides = array<i32>} : memref<128x128xbf16, #tpu.memory_space<vmem>>, vector<16x16xbf16>,
    %get3A_1184 = arith.constant 2080 : index
    %get3A_1185 = arith.constant 0 : index
    %get3A_1186 = vector.load %arg12[%get3A_1184, %get3A_1185] : memref<3200x16xf32, #tpu.memory_space<vmem>>, vector<16x16xf32>
    %convert_element_type3A_1187 = arith.truncf %get3A_1186 : vector<16x16xf32> to vector<16x16xbf16>
    %swap3A_1188 = arith.constant 32 : index
    %swap3A_1189 = arith.constant 32 : index
    %swap3A_1190 = vector.load %arg14[%swap3A_1188, %swap3A_1189] : memref<128x128xbf16, #tpu.memory_space<vmem>>, vector<16x16xbf16>
    tpu.vector_store %arg14[%swap3A_1188, %swap3A_1189], %convert_element_type3A_1187 {strides = array<i32>} : memref<128x128xbf16, #tpu.memory_space<vmem>>, vector<16x16xbf16>,
    %get3A_1191 = arith.constant 2096 : index
    %get3A_1192 = arith.constant 0 : index
    %get3A_1193 = vector.load %arg12[%get3A_1191, %get3A_1192] : memref<3200x16xf32, #tpu.memory_space<vmem>>, vector<16x16xf32>
    %convert_element_type3A_1194 = arith.truncf %get3A_1193 : vector<16x16xf32> to vector<16x16xbf16>
    %swap3A_1195 = arith.constant 48 : index
    %swap3A_1196 = arith.constant 48 : index
    %swap3A_1197 = vector.load %arg14[%swap3A_1195, %swap3A_1196] : memref<128x128xbf16, #tpu.memory_space<vmem>>, vector<16x16xbf16>
    tpu.vector_store %arg14[%swap3A_1195, %swap3A_1196], %convert_element_type3A_1194 {strides = array<i32>} : memref<128x128xbf16, #tpu.memory_space<vmem>>, vector<16x16xbf16>,
    %get3A_1198 = arith.constant 2112 : index
    %get3A_1199 = arith.constant 0 : index
    %get3A_1200 = vector.load %arg12[%get3A_1198, %get3A_1199] : memref<3200x16xf32, #tpu.memory_space<vmem>>, vector<16x16xf32>
    %convert_element_type3A_1201 = arith.truncf %get3A_1200 : vector<16x16xf32> to vector<16x16xbf16>
    %swap3A_1202 = arith.constant 64 : index
    %swap3A_1203 = arith.constant 64 : index
    %swap3A_1204 = vector.load %arg14[%swap3A_1202, %swap3A_1203] : memref<128x128xbf16, #tpu.memory_space<vmem>>, vector<16x16xbf16>
    tpu.vector_store %arg14[%swap3A_1202, %swap3A_1203], %convert_element_type3A_1201 {strides = array<i32>} : memref<128x128xbf16, #tpu.memory_space<vmem>>, vector<16x16xbf16>,
    %get3A_1205 = arith.constant 2128 : index
    %get3A_1206 = arith.constant 0 : index
    %get3A_1207 = vector.load %arg12[%get3A_1205, %get3A_1206] : memref<3200x16xf32, #tpu.memory_space<vmem>>, vector<16x16xf32>
    %convert_element_type3A_1208 = arith.truncf %get3A_1207 : vector<16x16xf32> to vector<16x16xbf16>
    %swap3A_1209 = arith.constant 80 : index
    %swap3A_1210 = arith.constant 80 : index
    %swap3A_1211 = vector.load %arg14[%swap3A_1209, %swap3A_1210] : memref<128x128xbf16, #tpu.memory_space<vmem>>, vector<16x16xbf16>
    tpu.vector_store %arg14[%swap3A_1209, %swap3A_1210], %convert_element_type3A_1208 {strides = array<i32>} : memref<128x128xbf16, #tpu.memory_space<vmem>>, vector<16x16xbf16>,
    %get3A_1212 = arith.constant 2144 : index
    %get3A_1213 = arith.constant 0 : index
    %get3A_1214 = vector.load %arg12[%get3A_1212, %get3A_1213] : memref<3200x16xf32, #tpu.memory_space<vmem>>, vector<16x16xf32>
    %convert_element_type3A_1215 = arith.truncf %get3A_1214 : vector<16x16xf32> to vector<16x16xbf16>
    %swap3A_1216 = arith.constant 96 : index
    %swap3A_1217 = arith.constant 96 : index
    %swap3A_1218 = vector.load %arg14[%swap3A_1216, %swap3A_1217] : memref<128x128xbf16, #tpu.memory_space<vmem>>, vector<16x16xbf16>
    tpu.vector_store %arg14[%swap3A_1216, %swap3A_1217], %convert_element_type3A_1215 {strides = array<i32>} : memref<128x128xbf16, #tpu.memory_space<vmem>>, vector<16x16xbf16>,
    %get3A_1219 = arith.constant 2160 : index
    %get3A_1220 = arith.constant 0 : index
    %get3A_1221 = vector.load %arg12[%get3A_1219, %get3A_1220] : memref<3200x16xf32, #tpu.memory_space<vmem>>, vector<16x16xf32>
    %convert_element_type3A_1222 = arith.truncf %get3A_1221 : vector<16x16xf32> to vector<16x16xbf16>
    %swap3A_1223 = arith.constant 112 : index
    %swap3A_1224 = arith.constant 112 : index
    %swap3A_1225 = vector.load %arg14[%swap3A_1223, %swap3A_1224] : memref<128x128xbf16, #tpu.memory_space<vmem>>, vector<16x16xbf16>
    tpu.vector_store %arg14[%swap3A_1223, %swap3A_1224], %convert_element_type3A_1222 {strides = array<i32>} : memref<128x128xbf16, #tpu.memory_space<vmem>>, vector<16x16xbf16>,
    %get3A_1226 = arith.constant 2048 : index
    %get3A_1227 = arith.constant 0 : index
    %get3A_1228 = vector.load %arg15[%get3A_1226, %get3A_1227] : memref<3200x128xbf16, #tpu.memory_space<vmem>>, vector<128x128xbf16>
    %get3A_1229 = arith.constant 0 : index
    %get3A_1230 = arith.constant 0 : index
    %get3A_1231 = vector.load %arg14[%get3A_1229, %get3A_1230] : memref<128x128xbf16, #tpu.memory_space<vmem>>, vector<128x128xbf16>
    %dot_general3A_1232 = arith.constant dense<0.000000e+00> : vector<128x128xf32>
    %dot_general3A_1233 = tpu.matmul %get3A_1231, %get3A_1228, %dot_general3A_1232 {dimension_numbers = #tpu.dot_dimension_numbers<[0], [0], [1], [1], [0, 1, 1, 1], [], []>, transpose_lhs_hint = false} : vector<128x128xbf16>, vector<128x128xbf16>, vector<128x128xf32> -> vector<128x128xf32>
    %reshape3A_1234 = vector.shape_cast %dot_general3A_1233 : vector<128x128xf32> to vector<8x16x128xf32>
    %swap3A_1235 = arith.constant 128 : index
    %swap3A_1236 = arith.constant 0 : index
    %swap3A_1237 = arith.constant 0 : index
    %swap3A_1238 = vector.load %arg13[%swap3A_1235, %swap3A_1236, %swap3A_1237] : memref<200x16x128xf32, #tpu.memory_space<vmem>>, vector<8x16x128xf32>
    tpu.vector_store %arg13[%swap3A_1235, %swap3A_1236, %swap3A_1237], %reshape3A_1234 {strides = array<i32>} : memref<200x16x128xf32, #tpu.memory_space<vmem>>, vector<8x16x128xf32>,
    %get3A_1239 = arith.constant 2176 : index
    %get3A_1240 = arith.constant 0 : index
    %get3A_1241 = vector.load %arg12[%get3A_1239, %get3A_1240] : memref<3200x16xf32, #tpu.memory_space<vmem>>, vector<16x16xf32>
    %convert_element_type3A_1242 = arith.truncf %get3A_1241 : vector<16x16xf32> to vector<16x16xbf16>
    %swap3A_1243 = arith.constant 0 : index
    %swap3A_1244 = arith.constant 0 : index
    %swap3A_1245 = vector.load %arg14[%swap3A_1243, %swap3A_1244] : memref<128x128xbf16, #tpu.memory_space<vmem>>, vector<16x16xbf16>
    tpu.vector_store %arg14[%swap3A_1243, %swap3A_1244], %convert_element_type3A_1242 {strides = array<i32>} : memref<128x128xbf16, #tpu.memory_space<vmem>>, vector<16x16xbf16>,
    %get3A_1246 = arith.constant 2192 : index
    %get3A_1247 = arith.constant 0 : index
    %get3A_1248 = vector.load %arg12[%get3A_1246, %get3A_1247] : memref<3200x16xf32, #tpu.memory_space<vmem>>, vector<16x16xf32>
    %convert_element_type3A_1249 = arith.truncf %get3A_1248 : vector<16x16xf32> to vector<16x16xbf16>
    %swap3A_1250 = arith.constant 16 : index
    %swap3A_1251 = arith.constant 16 : index
    %swap3A_1252 = vector.load %arg14[%swap3A_1250, %swap3A_1251] : memref<128x128xbf16, #tpu.memory_space<vmem>>, vector<16x16xbf16>
    tpu.vector_store %arg14[%swap3A_1250, %swap3A_1251], %convert_element_type3A_1249 {strides = array<i32>} : memref<128x128xbf16, #tpu.memory_space<vmem>>, vector<16x16xbf16>,
    %get3A_1253 = arith.constant 2208 : index
    %get3A_1254 = arith.constant 0 : index
    %get3A_1255 = vector.load %arg12[%get3A_1253, %get3A_1254] : memref<3200x16xf32, #tpu.memory_space<vmem>>, vector<16x16xf32>
    %convert_element_type3A_1256 = arith.truncf %get3A_1255 : vector<16x16xf32> to vector<16x16xbf16>
    %swap3A_1257 = arith.constant 32 : index
    %swap3A_1258 = arith.constant 32 : index
    %swap3A_1259 = vector.load %arg14[%swap3A_1257, %swap3A_1258] : memref<128x128xbf16, #tpu.memory_space<vmem>>, vector<16x16xbf16>
    tpu.vector_store %arg14[%swap3A_1257, %swap3A_1258], %convert_element_type3A_1256 {strides = array<i32>} : memref<128x128xbf16, #tpu.memory_space<vmem>>, vector<16x16xbf16>,
    %get3A_1260 = arith.constant 2224 : index
    %get3A_1261 = arith.constant 0 : index
    %get3A_1262 = vector.load %arg12[%get3A_1260, %get3A_1261] : memref<3200x16xf32, #tpu.memory_space<vmem>>, vector<16x16xf32>
    %convert_element_type3A_1263 = arith.truncf %get3A_1262 : vector<16x16xf32> to vector<16x16xbf16>
    %swap3A_1264 = arith.constant 48 : index
    %swap3A_1265 = arith.constant 48 : index
    %swap3A_1266 = vector.load %arg14[%swap3A_1264, %swap3A_1265] : memref<128x128xbf16, #tpu.memory_space<vmem>>, vector<16x16xbf16>
    tpu.vector_store %arg14[%swap3A_1264, %swap3A_1265], %convert_element_type3A_1263 {strides = array<i32>} : memref<128x128xbf16, #tpu.memory_space<vmem>>, vector<16x16xbf16>,
    %get3A_1267 = arith.constant 2240 : index
    %get3A_1268 = arith.constant 0 : index
    %get3A_1269 = vector.load %arg12[%get3A_1267, %get3A_1268] : memref<3200x16xf32, #tpu.memory_space<vmem>>, vector<16x16xf32>
    %convert_element_type3A_1270 = arith.truncf %get3A_1269 : vector<16x16xf32> to vector<16x16xbf16>
    %swap3A_1271 = arith.constant 64 : index
    %swap3A_1272 = arith.constant 64 : index
    %swap3A_1273 = vector.load %arg14[%swap3A_1271, %swap3A_1272] : memref<128x128xbf16, #tpu.memory_space<vmem>>, vector<16x16xbf16>
    tpu.vector_store %arg14[%swap3A_1271, %swap3A_1272], %convert_element_type3A_1270 {strides = array<i32>} : memref<128x128xbf16, #tpu.memory_space<vmem>>, vector<16x16xbf16>,
    %get3A_1274 = arith.constant 2256 : index
    %get3A_1275 = arith.constant 0 : index
    %get3A_1276 = vector.load %arg12[%get3A_1274, %get3A_1275] : memref<3200x16xf32, #tpu.memory_space<vmem>>, vector<16x16xf32>
    %convert_element_type3A_1277 = arith.truncf %get3A_1276 : vector<16x16xf32> to vector<16x16xbf16>
    %swap3A_1278 = arith.constant 80 : index
    %swap3A_1279 = arith.constant 80 : index
    %swap3A_1280 = vector.load %arg14[%swap3A_1278, %swap3A_1279] : memref<128x128xbf16, #tpu.memory_space<vmem>>, vector<16x16xbf16>
    tpu.vector_store %arg14[%swap3A_1278, %swap3A_1279], %convert_element_type3A_1277 {strides = array<i32>} : memref<128x128xbf16, #tpu.memory_space<vmem>>, vector<16x16xbf16>,
    %get3A_1281 = arith.constant 2272 : index
    %get3A_1282 = arith.constant 0 : index
    %get3A_1283 = vector.load %arg12[%get3A_1281, %get3A_1282] : memref<3200x16xf32, #tpu.memory_space<vmem>>, vector<16x16xf32>
    %convert_element_type3A_1284 = arith.truncf %get3A_1283 : vector<16x16xf32> to vector<16x16xbf16>
    %swap3A_1285 = arith.constant 96 : index
    %swap3A_1286 = arith.constant 96 : index
    %swap3A_1287 = vector.load %arg14[%swap3A_1285, %swap3A_1286] : memref<128x128xbf16, #tpu.memory_space<vmem>>, vector<16x16xbf16>
    tpu.vector_store %arg14[%swap3A_1285, %swap3A_1286], %convert_element_type3A_1284 {strides = array<i32>} : memref<128x128xbf16, #tpu.memory_space<vmem>>, vector<16x16xbf16>,
    %get3A_1288 = arith.constant 2288 : index
    %get3A_1289 = arith.constant 0 : index
    %get3A_1290 = vector.load %arg12[%get3A_1288, %get3A_1289] : memref<3200x16xf32, #tpu.memory_space<vmem>>, vector<16x16xf32>
    %convert_element_type3A_1291 = arith.truncf %get3A_1290 : vector<16x16xf32> to vector<16x16xbf16>
    %swap3A_1292 = arith.constant 112 : index
    %swap3A_1293 = arith.constant 112 : index
    %swap3A_1294 = vector.load %arg14[%swap3A_1292, %swap3A_1293] : memref<128x128xbf16, #tpu.memory_space<vmem>>, vector<16x16xbf16>
    tpu.vector_store %arg14[%swap3A_1292, %swap3A_1293], %convert_element_type3A_1291 {strides = array<i32>} : memref<128x128xbf16, #tpu.memory_space<vmem>>, vector<16x16xbf16>,
    %get3A_1295 = arith.constant 2176 : index
    %get3A_1296 = arith.constant 0 : index
    %get3A_1297 = vector.load %arg15[%get3A_1295, %get3A_1296] : memref<3200x128xbf16, #tpu.memory_space<vmem>>, vector<128x128xbf16>
    %get3A_1298 = arith.constant 0 : index
    %get3A_1299 = arith.constant 0 : index
    %get3A_1300 = vector.load %arg14[%get3A_1298, %get3A_1299] : memref<128x128xbf16, #tpu.memory_space<vmem>>, vector<128x128xbf16>
    %dot_general3A_1301 = arith.constant dense<0.000000e+00> : vector<128x128xf32>
    %dot_general3A_1302 = tpu.matmul %get3A_1300, %get3A_1297, %dot_general3A_1301 {dimension_numbers = #tpu.dot_dimension_numbers<[0], [0], [1], [1], [0, 1, 1, 1], [], []>, transpose_lhs_hint = false} : vector<128x128xbf16>, vector<128x128xbf16>, vector<128x128xf32> -> vector<128x128xf32>
    %reshape3A_1303 = vector.shape_cast %dot_general3A_1302 : vector<128x128xf32> to vector<8x16x128xf32>
    %swap3A_1304 = arith.constant 136 : index
    %swap3A_1305 = arith.constant 0 : index
    %swap3A_1306 = arith.constant 0 : index
    %swap3A_1307 = vector.load %arg13[%swap3A_1304, %swap3A_1305, %swap3A_1306] : memref<200x16x128xf32, #tpu.memory_space<vmem>>, vector<8x16x128xf32>
    tpu.vector_store %arg13[%swap3A_1304, %swap3A_1305, %swap3A_1306], %reshape3A_1303 {strides = array<i32>} : memref<200x16x128xf32, #tpu.memory_space<vmem>>, vector<8x16x128xf32>,
    %get3A_1308 = arith.constant 2304 : index
    %get3A_1309 = arith.constant 0 : index
    %get3A_1310 = vector.load %arg12[%get3A_1308, %get3A_1309] : memref<3200x16xf32, #tpu.memory_space<vmem>>, vector<16x16xf32>
    %convert_element_type3A_1311 = arith.truncf %get3A_1310 : vector<16x16xf32> to vector<16x16xbf16>
    %swap3A_1312 = arith.constant 0 : index
    %swap3A_1313 = arith.constant 0 : index
    %swap3A_1314 = vector.load %arg14[%swap3A_1312, %swap3A_1313] : memref<128x128xbf16, #tpu.memory_space<vmem>>, vector<16x16xbf16>
    tpu.vector_store %arg14[%swap3A_1312, %swap3A_1313], %convert_element_type3A_1311 {strides = array<i32>} : memref<128x128xbf16, #tpu.memory_space<vmem>>, vector<16x16xbf16>,
    %get3A_1315 = arith.constant 2320 : index
    %get3A_1316 = arith.constant 0 : index
    %get3A_1317 = vector.load %arg12[%get3A_1315, %get3A_1316] : memref<3200x16xf32, #tpu.memory_space<vmem>>, vector<16x16xf32>
    %convert_element_type3A_1318 = arith.truncf %get3A_1317 : vector<16x16xf32> to vector<16x16xbf16>
    %swap3A_1319 = arith.constant 16 : index
    %swap3A_1320 = arith.constant 16 : index
    %swap3A_1321 = vector.load %arg14[%swap3A_1319, %swap3A_1320] : memref<128x128xbf16, #tpu.memory_space<vmem>>, vector<16x16xbf16>
    tpu.vector_store %arg14[%swap3A_1319, %swap3A_1320], %convert_element_type3A_1318 {strides = array<i32>} : memref<128x128xbf16, #tpu.memory_space<vmem>>, vector<16x16xbf16>,
    %get3A_1322 = arith.constant 2336 : index
    %get3A_1323 = arith.constant 0 : index
    %get3A_1324 = vector.load %arg12[%get3A_1322, %get3A_1323] : memref<3200x16xf32, #tpu.memory_space<vmem>>, vector<16x16xf32>
    %convert_element_type3A_1325 = arith.truncf %get3A_1324 : vector<16x16xf32> to vector<16x16xbf16>
    %swap3A_1326 = arith.constant 32 : index
    %swap3A_1327 = arith.constant 32 : index
    %swap3A_1328 = vector.load %arg14[%swap3A_1326, %swap3A_1327] : memref<128x128xbf16, #tpu.memory_space<vmem>>, vector<16x16xbf16>
    tpu.vector_store %arg14[%swap3A_1326, %swap3A_1327], %convert_element_type3A_1325 {strides = array<i32>} : memref<128x128xbf16, #tpu.memory_space<vmem>>, vector<16x16xbf16>,
    %get3A_1329 = arith.constant 2352 : index
    %get3A_1330 = arith.constant 0 : index
    %get3A_1331 = vector.load %arg12[%get3A_1329, %get3A_1330] : memref<3200x16xf32, #tpu.memory_space<vmem>>, vector<16x16xf32>
    %convert_element_type3A_1332 = arith.truncf %get3A_1331 : vector<16x16xf32> to vector<16x16xbf16>
    %swap3A_1333 = arith.constant 48 : index
    %swap3A_1334 = arith.constant 48 : index
    %swap3A_1335 = vector.load %arg14[%swap3A_1333, %swap3A_1334] : memref<128x128xbf16, #tpu.memory_space<vmem>>, vector<16x16xbf16>
    tpu.vector_store %arg14[%swap3A_1333, %swap3A_1334], %convert_element_type3A_1332 {strides = array<i32>} : memref<128x128xbf16, #tpu.memory_space<vmem>>, vector<16x16xbf16>,
    %get3A_1336 = arith.constant 2368 : index
    %get3A_1337 = arith.constant 0 : index
    %get3A_1338 = vector.load %arg12[%get3A_1336, %get3A_1337] : memref<3200x16xf32, #tpu.memory_space<vmem>>, vector<16x16xf32>
    %convert_element_type3A_1339 = arith.truncf %get3A_1338 : vector<16x16xf32> to vector<16x16xbf16>
    %swap3A_1340 = arith.constant 64 : index
    %swap3A_1341 = arith.constant 64 : index
    %swap3A_1342 = vector.load %arg14[%swap3A_1340, %swap3A_1341] : memref<128x128xbf16, #tpu.memory_space<vmem>>, vector<16x16xbf16>
    tpu.vector_store %arg14[%swap3A_1340, %swap3A_1341], %convert_element_type3A_1339 {strides = array<i32>} : memref<128x128xbf16, #tpu.memory_space<vmem>>, vector<16x16xbf16>,
    %get3A_1343 = arith.constant 2384 : index
    %get3A_1344 = arith.constant 0 : index
    %get3A_1345 = vector.load %arg12[%get3A_1343, %get3A_1344] : memref<3200x16xf32, #tpu.memory_space<vmem>>, vector<16x16xf32>
    %convert_element_type3A_1346 = arith.truncf %get3A_1345 : vector<16x16xf32> to vector<16x16xbf16>
    %swap3A_1347 = arith.constant 80 : index
    %swap3A_1348 = arith.constant 80 : index
    %swap3A_1349 = vector.load %arg14[%swap3A_1347, %swap3A_1348] : memref<128x128xbf16, #tpu.memory_space<vmem>>, vector<16x16xbf16>
    tpu.vector_store %arg14[%swap3A_1347, %swap3A_1348], %convert_element_type3A_1346 {strides = array<i32>} : memref<128x128xbf16, #tpu.memory_space<vmem>>, vector<16x16xbf16>,
    %get3A_1350 = arith.constant 2400 : index
    %get3A_1351 = arith.constant 0 : index
    %get3A_1352 = vector.load %arg12[%get3A_1350, %get3A_1351] : memref<3200x16xf32, #tpu.memory_space<vmem>>, vector<16x16xf32>
    %convert_element_type3A_1353 = arith.truncf %get3A_1352 : vector<16x16xf32> to vector<16x16xbf16>
    %swap3A_1354 = arith.constant 96 : index
    %swap3A_1355 = arith.constant 96 : index
    %swap3A_1356 = vector.load %arg14[%swap3A_1354, %swap3A_1355] : memref<128x128xbf16, #tpu.memory_space<vmem>>, vector<16x16xbf16>
    tpu.vector_store %arg14[%swap3A_1354, %swap3A_1355], %convert_element_type3A_1353 {strides = array<i32>} : memref<128x128xbf16, #tpu.memory_space<vmem>>, vector<16x16xbf16>,
    %get3A_1357 = arith.constant 2416 : index
    %get3A_1358 = arith.constant 0 : index
    %get3A_1359 = vector.load %arg12[%get3A_1357, %get3A_1358] : memref<3200x16xf32, #tpu.memory_space<vmem>>, vector<16x16xf32>
    %convert_element_type3A_1360 = arith.truncf %get3A_1359 : vector<16x16xf32> to vector<16x16xbf16>
    %swap3A_1361 = arith.constant 112 : index
    %swap3A_1362 = arith.constant 112 : index
    %swap3A_1363 = vector.load %arg14[%swap3A_1361, %swap3A_1362] : memref<128x128xbf16, #tpu.memory_space<vmem>>, vector<16x16xbf16>
    tpu.vector_store %arg14[%swap3A_1361, %swap3A_1362], %convert_element_type3A_1360 {strides = array<i32>} : memref<128x128xbf16, #tpu.memory_space<vmem>>, vector<16x16xbf16>,
    %get3A_1364 = arith.constant 2304 : index
    %get3A_1365 = arith.constant 0 : index
    %get3A_1366 = vector.load %arg15[%get3A_1364, %get3A_1365] : memref<3200x128xbf16, #tpu.memory_space<vmem>>, vector<128x128xbf16>
    %get3A_1367 = arith.constant 0 : index
    %get3A_1368 = arith.constant 0 : index
    %get3A_1369 = vector.load %arg14[%get3A_1367, %get3A_1368] : memref<128x128xbf16, #tpu.memory_space<vmem>>, vector<128x128xbf16>
    %dot_general3A_1370 = arith.constant dense<0.000000e+00> : vector<128x128xf32>
    %dot_general3A_1371 = tpu.matmul %get3A_1369, %get3A_1366, %dot_general3A_1370 {dimension_numbers = #tpu.dot_dimension_numbers<[0], [0], [1], [1], [0, 1, 1, 1], [], []>, transpose_lhs_hint = false} : vector<128x128xbf16>, vector<128x128xbf16>, vector<128x128xf32> -> vector<128x128xf32>
    %reshape3A_1372 = vector.shape_cast %dot_general3A_1371 : vector<128x128xf32> to vector<8x16x128xf32>
    %swap3A_1373 = arith.constant 144 : index
    %swap3A_1374 = arith.constant 0 : index
    %swap3A_1375 = arith.constant 0 : index
    %swap3A_1376 = vector.load %arg13[%swap3A_1373, %swap3A_1374, %swap3A_1375] : memref<200x16x128xf32, #tpu.memory_space<vmem>>, vector<8x16x128xf32>
    tpu.vector_store %arg13[%swap3A_1373, %swap3A_1374, %swap3A_1375], %reshape3A_1372 {strides = array<i32>} : memref<200x16x128xf32, #tpu.memory_space<vmem>>, vector<8x16x128xf32>,
    %get3A_1377 = arith.constant 2432 : index
    %get3A_1378 = arith.constant 0 : index
    %get3A_1379 = vector.load %arg12[%get3A_1377, %get3A_1378] : memref<3200x16xf32, #tpu.memory_space<vmem>>, vector<16x16xf32>
    %convert_element_type3A_1380 = arith.truncf %get3A_1379 : vector<16x16xf32> to vector<16x16xbf16>
    %swap3A_1381 = arith.constant 0 : index
    %swap3A_1382 = arith.constant 0 : index
    %swap3A_1383 = vector.load %arg14[%swap3A_1381, %swap3A_1382] : memref<128x128xbf16, #tpu.memory_space<vmem>>, vector<16x16xbf16>
    tpu.vector_store %arg14[%swap3A_1381, %swap3A_1382], %convert_element_type3A_1380 {strides = array<i32>} : memref<128x128xbf16, #tpu.memory_space<vmem>>, vector<16x16xbf16>,
    %get3A_1384 = arith.constant 2448 : index
    %get3A_1385 = arith.constant 0 : index
    %get3A_1386 = vector.load %arg12[%get3A_1384, %get3A_1385] : memref<3200x16xf32, #tpu.memory_space<vmem>>, vector<16x16xf32>
    %convert_element_type3A_1387 = arith.truncf %get3A_1386 : vector<16x16xf32> to vector<16x16xbf16>
    %swap3A_1388 = arith.constant 16 : index
    %swap3A_1389 = arith.constant 16 : index
    %swap3A_1390 = vector.load %arg14[%swap3A_1388, %swap3A_1389] : memref<128x128xbf16, #tpu.memory_space<vmem>>, vector<16x16xbf16>
    tpu.vector_store %arg14[%swap3A_1388, %swap3A_1389], %convert_element_type3A_1387 {strides = array<i32>} : memref<128x128xbf16, #tpu.memory_space<vmem>>, vector<16x16xbf16>,
    %get3A_1391 = arith.constant 2464 : index
    %get3A_1392 = arith.constant 0 : index
    %get3A_1393 = vector.load %arg12[%get3A_1391, %get3A_1392] : memref<3200x16xf32, #tpu.memory_space<vmem>>, vector<16x16xf32>
    %convert_element_type3A_1394 = arith.truncf %get3A_1393 : vector<16x16xf32> to vector<16x16xbf16>
    %swap3A_1395 = arith.constant 32 : index
    %swap3A_1396 = arith.constant 32 : index
    %swap3A_1397 = vector.load %arg14[%swap3A_1395, %swap3A_1396] : memref<128x128xbf16, #tpu.memory_space<vmem>>, vector<16x16xbf16>
    tpu.vector_store %arg14[%swap3A_1395, %swap3A_1396], %convert_element_type3A_1394 {strides = array<i32>} : memref<128x128xbf16, #tpu.memory_space<vmem>>, vector<16x16xbf16>,
    %get3A_1398 = arith.constant 2480 : index
    %get3A_1399 = arith.constant 0 : index
    %get3A_1400 = vector.load %arg12[%get3A_1398, %get3A_1399] : memref<3200x16xf32, #tpu.memory_space<vmem>>, vector<16x16xf32>
    %convert_element_type3A_1401 = arith.truncf %get3A_1400 : vector<16x16xf32> to vector<16x16xbf16>
    %swap3A_1402 = arith.constant 48 : index
    %swap3A_1403 = arith.constant 48 : index
    %swap3A_1404 = vector.load %arg14[%swap3A_1402, %swap3A_1403] : memref<128x128xbf16, #tpu.memory_space<vmem>>, vector<16x16xbf16>
    tpu.vector_store %arg14[%swap3A_1402, %swap3A_1403], %convert_element_type3A_1401 {strides = array<i32>} : memref<128x128xbf16, #tpu.memory_space<vmem>>, vector<16x16xbf16>,
    %get3A_1405 = arith.constant 2496 : index
    %get3A_1406 = arith.constant 0 : index
    %get3A_1407 = vector.load %arg12[%get3A_1405, %get3A_1406] : memref<3200x16xf32, #tpu.memory_space<vmem>>, vector<16x16xf32>
    %convert_element_type3A_1408 = arith.truncf %get3A_1407 : vector<16x16xf32> to vector<16x16xbf16>
    %swap3A_1409 = arith.constant 64 : index
    %swap3A_1410 = arith.constant 64 : index
    %swap3A_1411 = vector.load %arg14[%swap3A_1409, %swap3A_1410] : memref<128x128xbf16, #tpu.memory_space<vmem>>, vector<16x16xbf16>
    tpu.vector_store %arg14[%swap3A_1409, %swap3A_1410], %convert_element_type3A_1408 {strides = array<i32>} : memref<128x128xbf16, #tpu.memory_space<vmem>>, vector<16x16xbf16>,
    %get3A_1412 = arith.constant 2512 : index
    %get3A_1413 = arith.constant 0 : index
    %get3A_1414 = vector.load %arg12[%get3A_1412, %get3A_1413] : memref<3200x16xf32, #tpu.memory_space<vmem>>, vector<16x16xf32>
    %convert_element_type3A_1415 = arith.truncf %get3A_1414 : vector<16x16xf32> to vector<16x16xbf16>
    %swap3A_1416 = arith.constant 80 : index
    %swap3A_1417 = arith.constant 80 : index
    %swap3A_1418 = vector.load %arg14[%swap3A_1416, %swap3A_1417] : memref<128x128xbf16, #tpu.memory_space<vmem>>, vector<16x16xbf16>
    tpu.vector_store %arg14[%swap3A_1416, %swap3A_1417], %convert_element_type3A_1415 {strides = array<i32>} : memref<128x128xbf16, #tpu.memory_space<vmem>>, vector<16x16xbf16>,
    %get3A_1419 = arith.constant 2528 : index
    %get3A_1420 = arith.constant 0 : index
    %get3A_1421 = vector.load %arg12[%get3A_1419, %get3A_1420] : memref<3200x16xf32, #tpu.memory_space<vmem>>, vector<16x16xf32>
    %convert_element_type3A_1422 = arith.truncf %get3A_1421 : vector<16x16xf32> to vector<16x16xbf16>
    %swap3A_1423 = arith.constant 96 : index
    %swap3A_1424 = arith.constant 96 : index
    %swap3A_1425 = vector.load %arg14[%swap3A_1423, %swap3A_1424] : memref<128x128xbf16, #tpu.memory_space<vmem>>, vector<16x16xbf16>
    tpu.vector_store %arg14[%swap3A_1423, %swap3A_1424], %convert_element_type3A_1422 {strides = array<i32>} : memref<128x128xbf16, #tpu.memory_space<vmem>>, vector<16x16xbf16>,
    %get3A_1426 = arith.constant 2544 : index
    %get3A_1427 = arith.constant 0 : index
    %get3A_1428 = vector.load %arg12[%get3A_1426, %get3A_1427] : memref<3200x16xf32, #tpu.memory_space<vmem>>, vector<16x16xf32>
    %convert_element_type3A_1429 = arith.truncf %get3A_1428 : vector<16x16xf32> to vector<16x16xbf16>
    %swap3A_1430 = arith.constant 112 : index
    %swap3A_1431 = arith.constant 112 : index
    %swap3A_1432 = vector.load %arg14[%swap3A_1430, %swap3A_1431] : memref<128x128xbf16, #tpu.memory_space<vmem>>, vector<16x16xbf16>
    tpu.vector_store %arg14[%swap3A_1430, %swap3A_1431], %convert_element_type3A_1429 {strides = array<i32>} : memref<128x128xbf16, #tpu.memory_space<vmem>>, vector<16x16xbf16>,
    %get3A_1433 = arith.constant 2432 : index
    %get3A_1434 = arith.constant 0 : index
    %get3A_1435 = vector.load %arg15[%get3A_1433, %get3A_1434] : memref<3200x128xbf16, #tpu.memory_space<vmem>>, vector<128x128xbf16>
    %get3A_1436 = arith.constant 0 : index
    %get3A_1437 = arith.constant 0 : index
    %get3A_1438 = vector.load %arg14[%get3A_1436, %get3A_1437] : memref<128x128xbf16, #tpu.memory_space<vmem>>, vector<128x128xbf16>
    %dot_general3A_1439 = arith.constant dense<0.000000e+00> : vector<128x128xf32>
    %dot_general3A_1440 = tpu.matmul %get3A_1438, %get3A_1435, %dot_general3A_1439 {dimension_numbers = #tpu.dot_dimension_numbers<[0], [0], [1], [1], [0, 1, 1, 1], [], []>, transpose_lhs_hint = false} : vector<128x128xbf16>, vector<128x128xbf16>, vector<128x128xf32> -> vector<128x128xf32>
    %reshape3A_1441 = vector.shape_cast %dot_general3A_1440 : vector<128x128xf32> to vector<8x16x128xf32>
    %swap3A_1442 = arith.constant 152 : index
    %swap3A_1443 = arith.constant 0 : index
    %swap3A_1444 = arith.constant 0 : index
    %swap3A_1445 = vector.load %arg13[%swap3A_1442, %swap3A_1443, %swap3A_1444] : memref<200x16x128xf32, #tpu.memory_space<vmem>>, vector<8x16x128xf32>
    tpu.vector_store %arg13[%swap3A_1442, %swap3A_1443, %swap3A_1444], %reshape3A_1441 {strides = array<i32>} : memref<200x16x128xf32, #tpu.memory_space<vmem>>, vector<8x16x128xf32>,
    %get3A_1446 = arith.constant 2560 : index
    %get3A_1447 = arith.constant 0 : index
    %get3A_1448 = vector.load %arg12[%get3A_1446, %get3A_1447] : memref<3200x16xf32, #tpu.memory_space<vmem>>, vector<16x16xf32>
    %convert_element_type3A_1449 = arith.truncf %get3A_1448 : vector<16x16xf32> to vector<16x16xbf16>
    %swap3A_1450 = arith.constant 0 : index
    %swap3A_1451 = arith.constant 0 : index
    %swap3A_1452 = vector.load %arg14[%swap3A_1450, %swap3A_1451] : memref<128x128xbf16, #tpu.memory_space<vmem>>, vector<16x16xbf16>
    tpu.vector_store %arg14[%swap3A_1450, %swap3A_1451], %convert_element_type3A_1449 {strides = array<i32>} : memref<128x128xbf16, #tpu.memory_space<vmem>>, vector<16x16xbf16>,
    %get3A_1453 = arith.constant 2576 : index
    %get3A_1454 = arith.constant 0 : index
    %get3A_1455 = vector.load %arg12[%get3A_1453, %get3A_1454] : memref<3200x16xf32, #tpu.memory_space<vmem>>, vector<16x16xf32>
    %convert_element_type3A_1456 = arith.truncf %get3A_1455 : vector<16x16xf32> to vector<16x16xbf16>
    %swap3A_1457 = arith.constant 16 : index
    %swap3A_1458 = arith.constant 16 : index
    %swap3A_1459 = vector.load %arg14[%swap3A_1457, %swap3A_1458] : memref<128x128xbf16, #tpu.memory_space<vmem>>, vector<16x16xbf16>
    tpu.vector_store %arg14[%swap3A_1457, %swap3A_1458], %convert_element_type3A_1456 {strides = array<i32>} : memref<128x128xbf16, #tpu.memory_space<vmem>>, vector<16x16xbf16>,
    %get3A_1460 = arith.constant 2592 : index
    %get3A_1461 = arith.constant 0 : index
    %get3A_1462 = vector.load %arg12[%get3A_1460, %get3A_1461] : memref<3200x16xf32, #tpu.memory_space<vmem>>, vector<16x16xf32>
    %convert_element_type3A_1463 = arith.truncf %get3A_1462 : vector<16x16xf32> to vector<16x16xbf16>
    %swap3A_1464 = arith.constant 32 : index
    %swap3A_1465 = arith.constant 32 : index
    %swap3A_1466 = vector.load %arg14[%swap3A_1464, %swap3A_1465] : memref<128x128xbf16, #tpu.memory_space<vmem>>, vector<16x16xbf16>
    tpu.vector_store %arg14[%swap3A_1464, %swap3A_1465], %convert_element_type3A_1463 {strides = array<i32>} : memref<128x128xbf16, #tpu.memory_space<vmem>>, vector<16x16xbf16>,
    %get3A_1467 = arith.constant 2608 : index
    %get3A_1468 = arith.constant 0 : index
    %get3A_1469 = vector.load %arg12[%get3A_1467, %get3A_1468] : memref<3200x16xf32, #tpu.memory_space<vmem>>, vector<16x16xf32>
    %convert_element_type3A_1470 = arith.truncf %get3A_1469 : vector<16x16xf32> to vector<16x16xbf16>
    %swap3A_1471 = arith.constant 48 : index
    %swap3A_1472 = arith.constant 48 : index
    %swap3A_1473 = vector.load %arg14[%swap3A_1471, %swap3A_1472] : memref<128x128xbf16, #tpu.memory_space<vmem>>, vector<16x16xbf16>
    tpu.vector_store %arg14[%swap3A_1471, %swap3A_1472], %convert_element_type3A_1470 {strides = array<i32>} : memref<128x128xbf16, #tpu.memory_space<vmem>>, vector<16x16xbf16>,
    %get3A_1474 = arith.constant 2624 : index
    %get3A_1475 = arith.constant 0 : index
    %get3A_1476 = vector.load %arg12[%get3A_1474, %get3A_1475] : memref<3200x16xf32, #tpu.memory_space<vmem>>, vector<16x16xf32>
    %convert_element_type3A_1477 = arith.truncf %get3A_1476 : vector<16x16xf32> to vector<16x16xbf16>
    %swap3A_1478 = arith.constant 64 : index
    %swap3A_1479 = arith.constant 64 : index
    %swap3A_1480 = vector.load %arg14[%swap3A_1478, %swap3A_1479] : memref<128x128xbf16, #tpu.memory_space<vmem>>, vector<16x16xbf16>
    tpu.vector_store %arg14[%swap3A_1478, %swap3A_1479], %convert_element_type3A_1477 {strides = array<i32>} : memref<128x128xbf16, #tpu.memory_space<vmem>>, vector<16x16xbf16>,
    %get3A_1481 = arith.constant 2640 : index
    %get3A_1482 = arith.constant 0 : index
    %get3A_1483 = vector.load %arg12[%get3A_1481, %get3A_1482] : memref<3200x16xf32, #tpu.memory_space<vmem>>, vector<16x16xf32>
    %convert_element_type3A_1484 = arith.truncf %get3A_1483 : vector<16x16xf32> to vector<16x16xbf16>
    %swap3A_1485 = arith.constant 80 : index
    %swap3A_1486 = arith.constant 80 : index
    %swap3A_1487 = vector.load %arg14[%swap3A_1485, %swap3A_1486] : memref<128x128xbf16, #tpu.memory_space<vmem>>, vector<16x16xbf16>
    tpu.vector_store %arg14[%swap3A_1485, %swap3A_1486], %convert_element_type3A_1484 {strides = array<i32>} : memref<128x128xbf16, #tpu.memory_space<vmem>>, vector<16x16xbf16>,
    %get3A_1488 = arith.constant 2656 : index
    %get3A_1489 = arith.constant 0 : index
    %get3A_1490 = vector.load %arg12[%get3A_1488, %get3A_1489] : memref<3200x16xf32, #tpu.memory_space<vmem>>, vector<16x16xf32>
    %convert_element_type3A_1491 = arith.truncf %get3A_1490 : vector<16x16xf32> to vector<16x16xbf16>
    %swap3A_1492 = arith.constant 96 : index
    %swap3A_1493 = arith.constant 96 : index
    %swap3A_1494 = vector.load %arg14[%swap3A_1492, %swap3A_1493] : memref<128x128xbf16, #tpu.memory_space<vmem>>, vector<16x16xbf16>
    tpu.vector_store %arg14[%swap3A_1492, %swap3A_1493], %convert_element_type3A_1491 {strides = array<i32>} : memref<128x128xbf16, #tpu.memory_space<vmem>>, vector<16x16xbf16>,
    %get3A_1495 = arith.constant 2672 : index
    %get3A_1496 = arith.constant 0 : index
    %get3A_1497 = vector.load %arg12[%get3A_1495, %get3A_1496] : memref<3200x16xf32, #tpu.memory_space<vmem>>, vector<16x16xf32>
    %convert_element_type3A_1498 = arith.truncf %get3A_1497 : vector<16x16xf32> to vector<16x16xbf16>
    %swap3A_1499 = arith.constant 112 : index
    %swap3A_1500 = arith.constant 112 : index
    %swap3A_1501 = vector.load %arg14[%swap3A_1499, %swap3A_1500] : memref<128x128xbf16, #tpu.memory_space<vmem>>, vector<16x16xbf16>
    tpu.vector_store %arg14[%swap3A_1499, %swap3A_1500], %convert_element_type3A_1498 {strides = array<i32>} : memref<128x128xbf16, #tpu.memory_space<vmem>>, vector<16x16xbf16>,
    %get3A_1502 = arith.constant 2560 : index
    %get3A_1503 = arith.constant 0 : index
    %get3A_1504 = vector.load %arg15[%get3A_1502, %get3A_1503] : memref<3200x128xbf16, #tpu.memory_space<vmem>>, vector<128x128xbf16>
    %get3A_1505 = arith.constant 0 : index
    %get3A_1506 = arith.constant 0 : index
    %get3A_1507 = vector.load %arg14[%get3A_1505, %get3A_1506] : memref<128x128xbf16, #tpu.memory_space<vmem>>, vector<128x128xbf16>
    %dot_general3A_1508 = arith.constant dense<0.000000e+00> : vector<128x128xf32>
    %dot_general3A_1509 = tpu.matmul %get3A_1507, %get3A_1504, %dot_general3A_1508 {dimension_numbers = #tpu.dot_dimension_numbers<[0], [0], [1], [1], [0, 1, 1, 1], [], []>, transpose_lhs_hint = false} : vector<128x128xbf16>, vector<128x128xbf16>, vector<128x128xf32> -> vector<128x128xf32>
    %reshape3A_1510 = vector.shape_cast %dot_general3A_1509 : vector<128x128xf32> to vector<8x16x128xf32>
    %swap3A_1511 = arith.constant 160 : index
    %swap3A_1512 = arith.constant 0 : index
    %swap3A_1513 = arith.constant 0 : index
    %swap3A_1514 = vector.load %arg13[%swap3A_1511, %swap3A_1512, %swap3A_1513] : memref<200x16x128xf32, #tpu.memory_space<vmem>>, vector<8x16x128xf32>
    tpu.vector_store %arg13[%swap3A_1511, %swap3A_1512, %swap3A_1513], %reshape3A_1510 {strides = array<i32>} : memref<200x16x128xf32, #tpu.memory_space<vmem>>, vector<8x16x128xf32>,
    %get3A_1515 = arith.constant 2688 : index
    %get3A_1516 = arith.constant 0 : index
    %get3A_1517 = vector.load %arg12[%get3A_1515, %get3A_1516] : memref<3200x16xf32, #tpu.memory_space<vmem>>, vector<16x16xf32>
    %convert_element_type3A_1518 = arith.truncf %get3A_1517 : vector<16x16xf32> to vector<16x16xbf16>
    %swap3A_1519 = arith.constant 0 : index
    %swap3A_1520 = arith.constant 0 : index
    %swap3A_1521 = vector.load %arg14[%swap3A_1519, %swap3A_1520] : memref<128x128xbf16, #tpu.memory_space<vmem>>, vector<16x16xbf16>
    tpu.vector_store %arg14[%swap3A_1519, %swap3A_1520], %convert_element_type3A_1518 {strides = array<i32>} : memref<128x128xbf16, #tpu.memory_space<vmem>>, vector<16x16xbf16>,
    %get3A_1522 = arith.constant 2704 : index
    %get3A_1523 = arith.constant 0 : index
    %get3A_1524 = vector.load %arg12[%get3A_1522, %get3A_1523] : memref<3200x16xf32, #tpu.memory_space<vmem>>, vector<16x16xf32>
    %convert_element_type3A_1525 = arith.truncf %get3A_1524 : vector<16x16xf32> to vector<16x16xbf16>
    %swap3A_1526 = arith.constant 16 : index
    %swap3A_1527 = arith.constant 16 : index
    %swap3A_1528 = vector.load %arg14[%swap3A_1526, %swap3A_1527] : memref<128x128xbf16, #tpu.memory_space<vmem>>, vector<16x16xbf16>
    tpu.vector_store %arg14[%swap3A_1526, %swap3A_1527], %convert_element_type3A_1525 {strides = array<i32>} : memref<128x128xbf16, #tpu.memory_space<vmem>>, vector<16x16xbf16>,
    %get3A_1529 = arith.constant 2720 : index
    %get3A_1530 = arith.constant 0 : index
    %get3A_1531 = vector.load %arg12[%get3A_1529, %get3A_1530] : memref<3200x16xf32, #tpu.memory_space<vmem>>, vector<16x16xf32>
    %convert_element_type3A_1532 = arith.truncf %get3A_1531 : vector<16x16xf32> to vector<16x16xbf16>
    %swap3A_1533 = arith.constant 32 : index
    %swap3A_1534 = arith.constant 32 : index
    %swap3A_1535 = vector.load %arg14[%swap3A_1533, %swap3A_1534] : memref<128x128xbf16, #tpu.memory_space<vmem>>, vector<16x16xbf16>
    tpu.vector_store %arg14[%swap3A_1533, %swap3A_1534], %convert_element_type3A_1532 {strides = array<i32>} : memref<128x128xbf16, #tpu.memory_space<vmem>>, vector<16x16xbf16>,
    %get3A_1536 = arith.constant 2736 : index
    %get3A_1537 = arith.constant 0 : index
    %get3A_1538 = vector.load %arg12[%get3A_1536, %get3A_1537] : memref<3200x16xf32, #tpu.memory_space<vmem>>, vector<16x16xf32>
    %convert_element_type3A_1539 = arith.truncf %get3A_1538 : vector<16x16xf32> to vector<16x16xbf16>
    %swap3A_1540 = arith.constant 48 : index
    %swap3A_1541 = arith.constant 48 : index
    %swap3A_1542 = vector.load %arg14[%swap3A_1540, %swap3A_1541] : memref<128x128xbf16, #tpu.memory_space<vmem>>, vector<16x16xbf16>
    tpu.vector_store %arg14[%swap3A_1540, %swap3A_1541], %convert_element_type3A_1539 {strides = array<i32>} : memref<128x128xbf16, #tpu.memory_space<vmem>>, vector<16x16xbf16>,
    %get3A_1543 = arith.constant 2752 : index
    %get3A_1544 = arith.constant 0 : index
    %get3A_1545 = vector.load %arg12[%get3A_1543, %get3A_1544] : memref<3200x16xf32, #tpu.memory_space<vmem>>, vector<16x16xf32>
    %convert_element_type3A_1546 = arith.truncf %get3A_1545 : vector<16x16xf32> to vector<16x16xbf16>
    %swap3A_1547 = arith.constant 64 : index
    %swap3A_1548 = arith.constant 64 : index
    %swap3A_1549 = vector.load %arg14[%swap3A_1547, %swap3A_1548] : memref<128x128xbf16, #tpu.memory_space<vmem>>, vector<16x16xbf16>
    tpu.vector_store %arg14[%swap3A_1547, %swap3A_1548], %convert_element_type3A_1546 {strides = array<i32>} : memref<128x128xbf16, #tpu.memory_space<vmem>>, vector<16x16xbf16>,
    %get3A_1550 = arith.constant 2768 : index
    %get3A_1551 = arith.constant 0 : index
    %get3A_1552 = vector.load %arg12[%get3A_1550, %get3A_1551] : memref<3200x16xf32, #tpu.memory_space<vmem>>, vector<16x16xf32>
    %convert_element_type3A_1553 = arith.truncf %get3A_1552 : vector<16x16xf32> to vector<16x16xbf16>
    %swap3A_1554 = arith.constant 80 : index
    %swap3A_1555 = arith.constant 80 : index
    %swap3A_1556 = vector.load %arg14[%swap3A_1554, %swap3A_1555] : memref<128x128xbf16, #tpu.memory_space<vmem>>, vector<16x16xbf16>
    tpu.vector_store %arg14[%swap3A_1554, %swap3A_1555], %convert_element_type3A_1553 {strides = array<i32>} : memref<128x128xbf16, #tpu.memory_space<vmem>>, vector<16x16xbf16>,
    %get3A_1557 = arith.constant 2784 : index
    %get3A_1558 = arith.constant 0 : index
    %get3A_1559 = vector.load %arg12[%get3A_1557, %get3A_1558] : memref<3200x16xf32, #tpu.memory_space<vmem>>, vector<16x16xf32>
    %convert_element_type3A_1560 = arith.truncf %get3A_1559 : vector<16x16xf32> to vector<16x16xbf16>
    %swap3A_1561 = arith.constant 96 : index
    %swap3A_1562 = arith.constant 96 : index
    %swap3A_1563 = vector.load %arg14[%swap3A_1561, %swap3A_1562] : memref<128x128xbf16, #tpu.memory_space<vmem>>, vector<16x16xbf16>
    tpu.vector_store %arg14[%swap3A_1561, %swap3A_1562], %convert_element_type3A_1560 {strides = array<i32>} : memref<128x128xbf16, #tpu.memory_space<vmem>>, vector<16x16xbf16>,
    %get3A_1564 = arith.constant 2800 : index
    %get3A_1565 = arith.constant 0 : index
    %get3A_1566 = vector.load %arg12[%get3A_1564, %get3A_1565] : memref<3200x16xf32, #tpu.memory_space<vmem>>, vector<16x16xf32>
    %convert_element_type3A_1567 = arith.truncf %get3A_1566 : vector<16x16xf32> to vector<16x16xbf16>
    %swap3A_1568 = arith.constant 112 : index
    %swap3A_1569 = arith.constant 112 : index
    %swap3A_1570 = vector.load %arg14[%swap3A_1568, %swap3A_1569] : memref<128x128xbf16, #tpu.memory_space<vmem>>, vector<16x16xbf16>
    tpu.vector_store %arg14[%swap3A_1568, %swap3A_1569], %convert_element_type3A_1567 {strides = array<i32>} : memref<128x128xbf16, #tpu.memory_space<vmem>>, vector<16x16xbf16>,
    %get3A_1571 = arith.constant 2688 : index
    %get3A_1572 = arith.constant 0 : index
    %get3A_1573 = vector.load %arg15[%get3A_1571, %get3A_1572] : memref<3200x128xbf16, #tpu.memory_space<vmem>>, vector<128x128xbf16>
    %get3A_1574 = arith.constant 0 : index
    %get3A_1575 = arith.constant 0 : index
    %get3A_1576 = vector.load %arg14[%get3A_1574, %get3A_1575] : memref<128x128xbf16, #tpu.memory_space<vmem>>, vector<128x128xbf16>
    %dot_general3A_1577 = arith.constant dense<0.000000e+00> : vector<128x128xf32>
    %dot_general3A_1578 = tpu.matmul %get3A_1576, %get3A_1573, %dot_general3A_1577 {dimension_numbers = #tpu.dot_dimension_numbers<[0], [0], [1], [1], [0, 1, 1, 1], [], []>, transpose_lhs_hint = false} : vector<128x128xbf16>, vector<128x128xbf16>, vector<128x128xf32> -> vector<128x128xf32>
    %reshape3A_1579 = vector.shape_cast %dot_general3A_1578 : vector<128x128xf32> to vector<8x16x128xf32>
    %swap3A_1580 = arith.constant 168 : index
    %swap3A_1581 = arith.constant 0 : index
    %swap3A_1582 = arith.constant 0 : index
    %swap3A_1583 = vector.load %arg13[%swap3A_1580, %swap3A_1581, %swap3A_1582] : memref<200x16x128xf32, #tpu.memory_space<vmem>>, vector<8x16x128xf32>
    tpu.vector_store %arg13[%swap3A_1580, %swap3A_1581, %swap3A_1582], %reshape3A_1579 {strides = array<i32>} : memref<200x16x128xf32, #tpu.memory_space<vmem>>, vector<8x16x128xf32>,
    %get3A_1584 = arith.constant 2816 : index
    %get3A_1585 = arith.constant 0 : index
    %get3A_1586 = vector.load %arg12[%get3A_1584, %get3A_1585] : memref<3200x16xf32, #tpu.memory_space<vmem>>, vector<16x16xf32>
    %convert_element_type3A_1587 = arith.truncf %get3A_1586 : vector<16x16xf32> to vector<16x16xbf16>
    %swap3A_1588 = arith.constant 0 : index
    %swap3A_1589 = arith.constant 0 : index
    %swap3A_1590 = vector.load %arg14[%swap3A_1588, %swap3A_1589] : memref<128x128xbf16, #tpu.memory_space<vmem>>, vector<16x16xbf16>
    tpu.vector_store %arg14[%swap3A_1588, %swap3A_1589], %convert_element_type3A_1587 {strides = array<i32>} : memref<128x128xbf16, #tpu.memory_space<vmem>>, vector<16x16xbf16>,
    %get3A_1591 = arith.constant 2832 : index
    %get3A_1592 = arith.constant 0 : index
    %get3A_1593 = vector.load %arg12[%get3A_1591, %get3A_1592] : memref<3200x16xf32, #tpu.memory_space<vmem>>, vector<16x16xf32>
    %convert_element_type3A_1594 = arith.truncf %get3A_1593 : vector<16x16xf32> to vector<16x16xbf16>
    %swap3A_1595 = arith.constant 16 : index
    %swap3A_1596 = arith.constant 16 : index
    %swap3A_1597 = vector.load %arg14[%swap3A_1595, %swap3A_1596] : memref<128x128xbf16, #tpu.memory_space<vmem>>, vector<16x16xbf16>
    tpu.vector_store %arg14[%swap3A_1595, %swap3A_1596], %convert_element_type3A_1594 {strides = array<i32>} : memref<128x128xbf16, #tpu.memory_space<vmem>>, vector<16x16xbf16>,
    %get3A_1598 = arith.constant 2848 : index
    %get3A_1599 = arith.constant 0 : index
    %get3A_1600 = vector.load %arg12[%get3A_1598, %get3A_1599] : memref<3200x16xf32, #tpu.memory_space<vmem>>, vector<16x16xf32>
    %convert_element_type3A_1601 = arith.truncf %get3A_1600 : vector<16x16xf32> to vector<16x16xbf16>
    %swap3A_1602 = arith.constant 32 : index
    %swap3A_1603 = arith.constant 32 : index
    %swap3A_1604 = vector.load %arg14[%swap3A_1602, %swap3A_1603] : memref<128x128xbf16, #tpu.memory_space<vmem>>, vector<16x16xbf16>
    tpu.vector_store %arg14[%swap3A_1602, %swap3A_1603], %convert_element_type3A_1601 {strides = array<i32>} : memref<128x128xbf16, #tpu.memory_space<vmem>>, vector<16x16xbf16>,
    %get3A_1605 = arith.constant 2864 : index
    %get3A_1606 = arith.constant 0 : index
    %get3A_1607 = vector.load %arg12[%get3A_1605, %get3A_1606] : memref<3200x16xf32, #tpu.memory_space<vmem>>, vector<16x16xf32>
    %convert_element_type3A_1608 = arith.truncf %get3A_1607 : vector<16x16xf32> to vector<16x16xbf16>
    %swap3A_1609 = arith.constant 48 : index
    %swap3A_1610 = arith.constant 48 : index
    %swap3A_1611 = vector.load %arg14[%swap3A_1609, %swap3A_1610] : memref<128x128xbf16, #tpu.memory_space<vmem>>, vector<16x16xbf16>
    tpu.vector_store %arg14[%swap3A_1609, %swap3A_1610], %convert_element_type3A_1608 {strides = array<i32>} : memref<128x128xbf16, #tpu.memory_space<vmem>>, vector<16x16xbf16>,
    %get3A_1612 = arith.constant 2880 : index
    %get3A_1613 = arith.constant 0 : index
    %get3A_1614 = vector.load %arg12[%get3A_1612, %get3A_1613] : memref<3200x16xf32, #tpu.memory_space<vmem>>, vector<16x16xf32>
    %convert_element_type3A_1615 = arith.truncf %get3A_1614 : vector<16x16xf32> to vector<16x16xbf16>
    %swap3A_1616 = arith.constant 64 : index
    %swap3A_1617 = arith.constant 64 : index
    %swap3A_1618 = vector.load %arg14[%swap3A_1616, %swap3A_1617] : memref<128x128xbf16, #tpu.memory_space<vmem>>, vector<16x16xbf16>
    tpu.vector_store %arg14[%swap3A_1616, %swap3A_1617], %convert_element_type3A_1615 {strides = array<i32>} : memref<128x128xbf16, #tpu.memory_space<vmem>>, vector<16x16xbf16>,
    %get3A_1619 = arith.constant 2896 : index
    %get3A_1620 = arith.constant 0 : index
    %get3A_1621 = vector.load %arg12[%get3A_1619, %get3A_1620] : memref<3200x16xf32, #tpu.memory_space<vmem>>, vector<16x16xf32>
    %convert_element_type3A_1622 = arith.truncf %get3A_1621 : vector<16x16xf32> to vector<16x16xbf16>
    %swap3A_1623 = arith.constant 80 : index
    %swap3A_1624 = arith.constant 80 : index
    %swap3A_1625 = vector.load %arg14[%swap3A_1623, %swap3A_1624] : memref<128x128xbf16, #tpu.memory_space<vmem>>, vector<16x16xbf16>
    tpu.vector_store %arg14[%swap3A_1623, %swap3A_1624], %convert_element_type3A_1622 {strides = array<i32>} : memref<128x128xbf16, #tpu.memory_space<vmem>>, vector<16x16xbf16>,
    %get3A_1626 = arith.constant 2912 : index
    %get3A_1627 = arith.constant 0 : index
    %get3A_1628 = vector.load %arg12[%get3A_1626, %get3A_1627] : memref<3200x16xf32, #tpu.memory_space<vmem>>, vector<16x16xf32>
    %convert_element_type3A_1629 = arith.truncf %get3A_1628 : vector<16x16xf32> to vector<16x16xbf16>
    %swap3A_1630 = arith.constant 96 : index
    %swap3A_1631 = arith.constant 96 : index
    %swap3A_1632 = vector.load %arg14[%swap3A_1630, %swap3A_1631] : memref<128x128xbf16, #tpu.memory_space<vmem>>, vector<16x16xbf16>
    tpu.vector_store %arg14[%swap3A_1630, %swap3A_1631], %convert_element_type3A_1629 {strides = array<i32>} : memref<128x128xbf16, #tpu.memory_space<vmem>>, vector<16x16xbf16>,
    %get3A_1633 = arith.constant 2928 : index
    %get3A_1634 = arith.constant 0 : index
    %get3A_1635 = vector.load %arg12[%get3A_1633, %get3A_1634] : memref<3200x16xf32, #tpu.memory_space<vmem>>, vector<16x16xf32>
    %convert_element_type3A_1636 = arith.truncf %get3A_1635 : vector<16x16xf32> to vector<16x16xbf16>
    %swap3A_1637 = arith.constant 112 : index
    %swap3A_1638 = arith.constant 112 : index
    %swap3A_1639 = vector.load %arg14[%swap3A_1637, %swap3A_1638] : memref<128x128xbf16, #tpu.memory_space<vmem>>, vector<16x16xbf16>
    tpu.vector_store %arg14[%swap3A_1637, %swap3A_1638], %convert_element_type3A_1636 {strides = array<i32>} : memref<128x128xbf16, #tpu.memory_space<vmem>>, vector<16x16xbf16>,
    %get3A_1640 = arith.constant 2816 : index
    %get3A_1641 = arith.constant 0 : index
    %get3A_1642 = vector.load %arg15[%get3A_1640, %get3A_1641] : memref<3200x128xbf16, #tpu.memory_space<vmem>>, vector<128x128xbf16>
    %get3A_1643 = arith.constant 0 : index
    %get3A_1644 = arith.constant 0 : index
    %get3A_1645 = vector.load %arg14[%get3A_1643, %get3A_1644] : memref<128x128xbf16, #tpu.memory_space<vmem>>, vector<128x128xbf16>
    %dot_general3A_1646 = arith.constant dense<0.000000e+00> : vector<128x128xf32>
    %dot_general3A_1647 = tpu.matmul %get3A_1645, %get3A_1642, %dot_general3A_1646 {dimension_numbers = #tpu.dot_dimension_numbers<[0], [0], [1], [1], [0, 1, 1, 1], [], []>, transpose_lhs_hint = false} : vector<128x128xbf16>, vector<128x128xbf16>, vector<128x128xf32> -> vector<128x128xf32>
    %reshape3A_1648 = vector.shape_cast %dot_general3A_1647 : vector<128x128xf32> to vector<8x16x128xf32>
    %swap3A_1649 = arith.constant 176 : index
    %swap3A_1650 = arith.constant 0 : index
    %swap3A_1651 = arith.constant 0 : index
    %swap3A_1652 = vector.load %arg13[%swap3A_1649, %swap3A_1650, %swap3A_1651] : memref<200x16x128xf32, #tpu.memory_space<vmem>>, vector<8x16x128xf32>
    tpu.vector_store %arg13[%swap3A_1649, %swap3A_1650, %swap3A_1651], %reshape3A_1648 {strides = array<i32>} : memref<200x16x128xf32, #tpu.memory_space<vmem>>, vector<8x16x128xf32>,
    %get3A_1653 = arith.constant 2944 : index
    %get3A_1654 = arith.constant 0 : index
    %get3A_1655 = vector.load %arg12[%get3A_1653, %get3A_1654] : memref<3200x16xf32, #tpu.memory_space<vmem>>, vector<16x16xf32>
    %convert_element_type3A_1656 = arith.truncf %get3A_1655 : vector<16x16xf32> to vector<16x16xbf16>
    %swap3A_1657 = arith.constant 0 : index
    %swap3A_1658 = arith.constant 0 : index
    %swap3A_1659 = vector.load %arg14[%swap3A_1657, %swap3A_1658] : memref<128x128xbf16, #tpu.memory_space<vmem>>, vector<16x16xbf16>
    tpu.vector_store %arg14[%swap3A_1657, %swap3A_1658], %convert_element_type3A_1656 {strides = array<i32>} : memref<128x128xbf16, #tpu.memory_space<vmem>>, vector<16x16xbf16>,
    %get3A_1660 = arith.constant 2960 : index
    %get3A_1661 = arith.constant 0 : index
    %get3A_1662 = vector.load %arg12[%get3A_1660, %get3A_1661] : memref<3200x16xf32, #tpu.memory_space<vmem>>, vector<16x16xf32>
    %convert_element_type3A_1663 = arith.truncf %get3A_1662 : vector<16x16xf32> to vector<16x16xbf16>
    %swap3A_1664 = arith.constant 16 : index
    %swap3A_1665 = arith.constant 16 : index
    %swap3A_1666 = vector.load %arg14[%swap3A_1664, %swap3A_1665] : memref<128x128xbf16, #tpu.memory_space<vmem>>, vector<16x16xbf16>
    tpu.vector_store %arg14[%swap3A_1664, %swap3A_1665], %convert_element_type3A_1663 {strides = array<i32>} : memref<128x128xbf16, #tpu.memory_space<vmem>>, vector<16x16xbf16>,
    %get3A_1667 = arith.constant 2976 : index
    %get3A_1668 = arith.constant 0 : index
    %get3A_1669 = vector.load %arg12[%get3A_1667, %get3A_1668] : memref<3200x16xf32, #tpu.memory_space<vmem>>, vector<16x16xf32>
    %convert_element_type3A_1670 = arith.truncf %get3A_1669 : vector<16x16xf32> to vector<16x16xbf16>
    %swap3A_1671 = arith.constant 32 : index
    %swap3A_1672 = arith.constant 32 : index
    %swap3A_1673 = vector.load %arg14[%swap3A_1671, %swap3A_1672] : memref<128x128xbf16, #tpu.memory_space<vmem>>, vector<16x16xbf16>
    tpu.vector_store %arg14[%swap3A_1671, %swap3A_1672], %convert_element_type3A_1670 {strides = array<i32>} : memref<128x128xbf16, #tpu.memory_space<vmem>>, vector<16x16xbf16>,
    %get3A_1674 = arith.constant 2992 : index
    %get3A_1675 = arith.constant 0 : index
    %get3A_1676 = vector.load %arg12[%get3A_1674, %get3A_1675] : memref<3200x16xf32, #tpu.memory_space<vmem>>, vector<16x16xf32>
    %convert_element_type3A_1677 = arith.truncf %get3A_1676 : vector<16x16xf32> to vector<16x16xbf16>
    %swap3A_1678 = arith.constant 48 : index
    %swap3A_1679 = arith.constant 48 : index
    %swap3A_1680 = vector.load %arg14[%swap3A_1678, %swap3A_1679] : memref<128x128xbf16, #tpu.memory_space<vmem>>, vector<16x16xbf16>
    tpu.vector_store %arg14[%swap3A_1678, %swap3A_1679], %convert_element_type3A_1677 {strides = array<i32>} : memref<128x128xbf16, #tpu.memory_space<vmem>>, vector<16x16xbf16>,
    %get3A_1681 = arith.constant 3008 : index
    %get3A_1682 = arith.constant 0 : index
    %get3A_1683 = vector.load %arg12[%get3A_1681, %get3A_1682] : memref<3200x16xf32, #tpu.memory_space<vmem>>, vector<16x16xf32>
    %convert_element_type3A_1684 = arith.truncf %get3A_1683 : vector<16x16xf32> to vector<16x16xbf16>
    %swap3A_1685 = arith.constant 64 : index
    %swap3A_1686 = arith.constant 64 : index
    %swap3A_1687 = vector.load %arg14[%swap3A_1685, %swap3A_1686] : memref<128x128xbf16, #tpu.memory_space<vmem>>, vector<16x16xbf16>
    tpu.vector_store %arg14[%swap3A_1685, %swap3A_1686], %convert_element_type3A_1684 {strides = array<i32>} : memref<128x128xbf16, #tpu.memory_space<vmem>>, vector<16x16xbf16>,
    %get3A_1688 = arith.constant 3024 : index
    %get3A_1689 = arith.constant 0 : index
    %get3A_1690 = vector.load %arg12[%get3A_1688, %get3A_1689] : memref<3200x16xf32, #tpu.memory_space<vmem>>, vector<16x16xf32>
    %convert_element_type3A_1691 = arith.truncf %get3A_1690 : vector<16x16xf32> to vector<16x16xbf16>
    %swap3A_1692 = arith.constant 80 : index
    %swap3A_1693 = arith.constant 80 : index
    %swap3A_1694 = vector.load %arg14[%swap3A_1692, %swap3A_1693] : memref<128x128xbf16, #tpu.memory_space<vmem>>, vector<16x16xbf16>
    tpu.vector_store %arg14[%swap3A_1692, %swap3A_1693], %convert_element_type3A_1691 {strides = array<i32>} : memref<128x128xbf16, #tpu.memory_space<vmem>>, vector<16x16xbf16>,
    %get3A_1695 = arith.constant 3040 : index
    %get3A_1696 = arith.constant 0 : index
    %get3A_1697 = vector.load %arg12[%get3A_1695, %get3A_1696] : memref<3200x16xf32, #tpu.memory_space<vmem>>, vector<16x16xf32>
    %convert_element_type3A_1698 = arith.truncf %get3A_1697 : vector<16x16xf32> to vector<16x16xbf16>
    %swap3A_1699 = arith.constant 96 : index
    %swap3A_1700 = arith.constant 96 : index
    %swap3A_1701 = vector.load %arg14[%swap3A_1699, %swap3A_1700] : memref<128x128xbf16, #tpu.memory_space<vmem>>, vector<16x16xbf16>
    tpu.vector_store %arg14[%swap3A_1699, %swap3A_1700], %convert_element_type3A_1698 {strides = array<i32>} : memref<128x128xbf16, #tpu.memory_space<vmem>>, vector<16x16xbf16>,
    %get3A_1702 = arith.constant 3056 : index
    %get3A_1703 = arith.constant 0 : index
    %get3A_1704 = vector.load %arg12[%get3A_1702, %get3A_1703] : memref<3200x16xf32, #tpu.memory_space<vmem>>, vector<16x16xf32>
    %convert_element_type3A_1705 = arith.truncf %get3A_1704 : vector<16x16xf32> to vector<16x16xbf16>
    %swap3A_1706 = arith.constant 112 : index
    %swap3A_1707 = arith.constant 112 : index
    %swap3A_1708 = vector.load %arg14[%swap3A_1706, %swap3A_1707] : memref<128x128xbf16, #tpu.memory_space<vmem>>, vector<16x16xbf16>
    tpu.vector_store %arg14[%swap3A_1706, %swap3A_1707], %convert_element_type3A_1705 {strides = array<i32>} : memref<128x128xbf16, #tpu.memory_space<vmem>>, vector<16x16xbf16>,
    %get3A_1709 = arith.constant 2944 : index
    %get3A_1710 = arith.constant 0 : index
    %get3A_1711 = vector.load %arg15[%get3A_1709, %get3A_1710] : memref<3200x128xbf16, #tpu.memory_space<vmem>>, vector<128x128xbf16>
    %get3A_1712 = arith.constant 0 : index
    %get3A_1713 = arith.constant 0 : index
    %get3A_1714 = vector.load %arg14[%get3A_1712, %get3A_1713] : memref<128x128xbf16, #tpu.memory_space<vmem>>, vector<128x128xbf16>
    %dot_general3A_1715 = arith.constant dense<0.000000e+00> : vector<128x128xf32>
    %dot_general3A_1716 = tpu.matmul %get3A_1714, %get3A_1711, %dot_general3A_1715 {dimension_numbers = #tpu.dot_dimension_numbers<[0], [0], [1], [1], [0, 1, 1, 1], [], []>, transpose_lhs_hint = false} : vector<128x128xbf16>, vector<128x128xbf16>, vector<128x128xf32> -> vector<128x128xf32>
    %reshape3A_1717 = vector.shape_cast %dot_general3A_1716 : vector<128x128xf32> to vector<8x16x128xf32>
    %swap3A_1718 = arith.constant 184 : index
    %swap3A_1719 = arith.constant 0 : index
    %swap3A_1720 = arith.constant 0 : index
    %swap3A_1721 = vector.load %arg13[%swap3A_1718, %swap3A_1719, %swap3A_1720] : memref<200x16x128xf32, #tpu.memory_space<vmem>>, vector<8x16x128xf32>
    tpu.vector_store %arg13[%swap3A_1718, %swap3A_1719, %swap3A_1720], %reshape3A_1717 {strides = array<i32>} : memref<200x16x128xf32, #tpu.memory_space<vmem>>, vector<8x16x128xf32>,
    %get3A_1722 = arith.constant 3072 : index
    %get3A_1723 = arith.constant 0 : index
    %get3A_1724 = vector.load %arg12[%get3A_1722, %get3A_1723] : memref<3200x16xf32, #tpu.memory_space<vmem>>, vector<16x16xf32>
    %convert_element_type3A_1725 = arith.truncf %get3A_1724 : vector<16x16xf32> to vector<16x16xbf16>
    %swap3A_1726 = arith.constant 0 : index
    %swap3A_1727 = arith.constant 0 : index
    %swap3A_1728 = vector.load %arg14[%swap3A_1726, %swap3A_1727] : memref<128x128xbf16, #tpu.memory_space<vmem>>, vector<16x16xbf16>
    tpu.vector_store %arg14[%swap3A_1726, %swap3A_1727], %convert_element_type3A_1725 {strides = array<i32>} : memref<128x128xbf16, #tpu.memory_space<vmem>>, vector<16x16xbf16>,
    %get3A_1729 = arith.constant 3088 : index
    %get3A_1730 = arith.constant 0 : index
    %get3A_1731 = vector.load %arg12[%get3A_1729, %get3A_1730] : memref<3200x16xf32, #tpu.memory_space<vmem>>, vector<16x16xf32>
    %convert_element_type3A_1732 = arith.truncf %get3A_1731 : vector<16x16xf32> to vector<16x16xbf16>
    %swap3A_1733 = arith.constant 16 : index
    %swap3A_1734 = arith.constant 16 : index
    %swap3A_1735 = vector.load %arg14[%swap3A_1733, %swap3A_1734] : memref<128x128xbf16, #tpu.memory_space<vmem>>, vector<16x16xbf16>
    tpu.vector_store %arg14[%swap3A_1733, %swap3A_1734], %convert_element_type3A_1732 {strides = array<i32>} : memref<128x128xbf16, #tpu.memory_space<vmem>>, vector<16x16xbf16>,
    %get3A_1736 = arith.constant 3104 : index
    %get3A_1737 = arith.constant 0 : index
    %get3A_1738 = vector.load %arg12[%get3A_1736, %get3A_1737] : memref<3200x16xf32, #tpu.memory_space<vmem>>, vector<16x16xf32>
    %convert_element_type3A_1739 = arith.truncf %get3A_1738 : vector<16x16xf32> to vector<16x16xbf16>
    %swap3A_1740 = arith.constant 32 : index
    %swap3A_1741 = arith.constant 32 : index
    %swap3A_1742 = vector.load %arg14[%swap3A_1740, %swap3A_1741] : memref<128x128xbf16, #tpu.memory_space<vmem>>, vector<16x16xbf16>
    tpu.vector_store %arg14[%swap3A_1740, %swap3A_1741], %convert_element_type3A_1739 {strides = array<i32>} : memref<128x128xbf16, #tpu.memory_space<vmem>>, vector<16x16xbf16>,
    %get3A_1743 = arith.constant 3120 : index
    %get3A_1744 = arith.constant 0 : index
    %get3A_1745 = vector.load %arg12[%get3A_1743, %get3A_1744] : memref<3200x16xf32, #tpu.memory_space<vmem>>, vector<16x16xf32>
    %convert_element_type3A_1746 = arith.truncf %get3A_1745 : vector<16x16xf32> to vector<16x16xbf16>
    %swap3A_1747 = arith.constant 48 : index
    %swap3A_1748 = arith.constant 48 : index
    %swap3A_1749 = vector.load %arg14[%swap3A_1747, %swap3A_1748] : memref<128x128xbf16, #tpu.memory_space<vmem>>, vector<16x16xbf16>
    tpu.vector_store %arg14[%swap3A_1747, %swap3A_1748], %convert_element_type3A_1746 {strides = array<i32>} : memref<128x128xbf16, #tpu.memory_space<vmem>>, vector<16x16xbf16>,
    %get3A_1750 = arith.constant 3136 : index
    %get3A_1751 = arith.constant 0 : index
    %get3A_1752 = vector.load %arg12[%get3A_1750, %get3A_1751] : memref<3200x16xf32, #tpu.memory_space<vmem>>, vector<16x16xf32>
    %convert_element_type3A_1753 = arith.truncf %get3A_1752 : vector<16x16xf32> to vector<16x16xbf16>
    %swap3A_1754 = arith.constant 64 : index
    %swap3A_1755 = arith.constant 64 : index
    %swap3A_1756 = vector.load %arg14[%swap3A_1754, %swap3A_1755] : memref<128x128xbf16, #tpu.memory_space<vmem>>, vector<16x16xbf16>
    tpu.vector_store %arg14[%swap3A_1754, %swap3A_1755], %convert_element_type3A_1753 {strides = array<i32>} : memref<128x128xbf16, #tpu.memory_space<vmem>>, vector<16x16xbf16>,
    %get3A_1757 = arith.constant 3152 : index
    %get3A_1758 = arith.constant 0 : index
    %get3A_1759 = vector.load %arg12[%get3A_1757, %get3A_1758] : memref<3200x16xf32, #tpu.memory_space<vmem>>, vector<16x16xf32>
    %convert_element_type3A_1760 = arith.truncf %get3A_1759 : vector<16x16xf32> to vector<16x16xbf16>
    %swap3A_1761 = arith.constant 80 : index
    %swap3A_1762 = arith.constant 80 : index
    %swap3A_1763 = vector.load %arg14[%swap3A_1761, %swap3A_1762] : memref<128x128xbf16, #tpu.memory_space<vmem>>, vector<16x16xbf16>
    tpu.vector_store %arg14[%swap3A_1761, %swap3A_1762], %convert_element_type3A_1760 {strides = array<i32>} : memref<128x128xbf16, #tpu.memory_space<vmem>>, vector<16x16xbf16>,
    %get3A_1764 = arith.constant 3168 : index
    %get3A_1765 = arith.constant 0 : index
    %get3A_1766 = vector.load %arg12[%get3A_1764, %get3A_1765] : memref<3200x16xf32, #tpu.memory_space<vmem>>, vector<16x16xf32>
    %convert_element_type3A_1767 = arith.truncf %get3A_1766 : vector<16x16xf32> to vector<16x16xbf16>
    %swap3A_1768 = arith.constant 96 : index
    %swap3A_1769 = arith.constant 96 : index
    %swap3A_1770 = vector.load %arg14[%swap3A_1768, %swap3A_1769] : memref<128x128xbf16, #tpu.memory_space<vmem>>, vector<16x16xbf16>
    tpu.vector_store %arg14[%swap3A_1768, %swap3A_1769], %convert_element_type3A_1767 {strides = array<i32>} : memref<128x128xbf16, #tpu.memory_space<vmem>>, vector<16x16xbf16>,
    %get3A_1771 = arith.constant 3184 : index
    %get3A_1772 = arith.constant 0 : index
    %get3A_1773 = vector.load %arg12[%get3A_1771, %get3A_1772] : memref<3200x16xf32, #tpu.memory_space<vmem>>, vector<16x16xf32>
    %convert_element_type3A_1774 = arith.truncf %get3A_1773 : vector<16x16xf32> to vector<16x16xbf16>
    %swap3A_1775 = arith.constant 112 : index
    %swap3A_1776 = arith.constant 112 : index
    %swap3A_1777 = vector.load %arg14[%swap3A_1775, %swap3A_1776] : memref<128x128xbf16, #tpu.memory_space<vmem>>, vector<16x16xbf16>
    tpu.vector_store %arg14[%swap3A_1775, %swap3A_1776], %convert_element_type3A_1774 {strides = array<i32>} : memref<128x128xbf16, #tpu.memory_space<vmem>>, vector<16x16xbf16>,
    %get3A_1778 = arith.constant 3072 : index
    %get3A_1779 = arith.constant 0 : index
    %get3A_1780 = vector.load %arg15[%get3A_1778, %get3A_1779] : memref<3200x128xbf16, #tpu.memory_space<vmem>>, vector<128x128xbf16>
    %get3A_1781 = arith.constant 0 : index
    %get3A_1782 = arith.constant 0 : index
    %get3A_1783 = vector.load %arg14[%get3A_1781, %get3A_1782] : memref<128x128xbf16, #tpu.memory_space<vmem>>, vector<128x128xbf16>
    %dot_general3A_1784 = arith.constant dense<0.000000e+00> : vector<128x128xf32>
    %dot_general3A_1785 = tpu.matmul %get3A_1783, %get3A_1780, %dot_general3A_1784 {dimension_numbers = #tpu.dot_dimension_numbers<[0], [0], [1], [1], [0, 1, 1, 1], [], []>, transpose_lhs_hint = false} : vector<128x128xbf16>, vector<128x128xbf16>, vector<128x128xf32> -> vector<128x128xf32>
    %reshape3A_1786 = vector.shape_cast %dot_general3A_1785 : vector<128x128xf32> to vector<8x16x128xf32>
    %swap3A_1787 = arith.constant 192 : index
    %swap3A_1788 = arith.constant 0 : index
    %swap3A_1789 = arith.constant 0 : index
    %swap3A_1790 = vector.load %arg13[%swap3A_1787, %swap3A_1788, %swap3A_1789] : memref<200x16x128xf32, #tpu.memory_space<vmem>>, vector<8x16x128xf32>
    tpu.vector_store %arg13[%swap3A_1787, %swap3A_1788, %swap3A_1789], %reshape3A_1786 {strides = array<i32>} : memref<200x16x128xf32, #tpu.memory_space<vmem>>, vector<8x16x128xf32>,
    %get3A_1791 = arith.constant 0 : index
    %get3A_1792 = arith.constant 0 : index
    %get3A_1793 = vector.load %arg10[%get3A_1791, %get3A_1792] : memref<1x128xf32, #tpu.memory_space<vmem>>, vector<1x128xf32>
    %get3A_1794 = arith.constant 0 : index
    %get3A_1795 = arith.constant 0 : index
    %get3A_1796 = arith.constant 0 : index
    %get3A_1797 = vector.load %arg13[%get3A_1794, %get3A_1795, %get3A_1796] : memref<200x16x128xf32, #tpu.memory_space<vmem>>, vector<200x1x128xf32>
    %get3A_1798 = vector.shape_cast %get3A_1797 : vector<200x1x128xf32> to vector<200x128xf32>
    %get3A_1799 = arith.constant 0 : index
    %get3A_1800 = arith.constant 0 : index
    %get3A_1801 = arith.constant 0 : index
    %get3A_1802 = vector.load %arg9[%get3A_1799, %get3A_1800, %get3A_1801] : memref<16x128x128xf32, #tpu.memory_space<vmem>>, vector<1x128x128xf32>
    %get3A_1803 = vector.shape_cast %get3A_1802 : vector<1x128x128xf32> to vector<128x128xf32>
    %dot_general3A_1804 = arith.constant dense<0.000000e+00> : vector<200x128xf32>
    %dot_general3A_1805 = tpu.matmul %get3A_1798, %get3A_1803, %dot_general3A_1804 {dimension_numbers = #tpu.dot_dimension_numbers<[1], [0], [0], [1], [0, 0, 1, 1], [], []>, transpose_lhs_hint = false} : vector<200x128xf32>, vector<128x128xf32>, vector<200x128xf32> -> vector<200x128xf32>
    %add3A_1806 = vector.broadcast %get3A_1793 : vector<1x128xf32> to vector<200x128xf32>
    %add3A_1807 = arith.addf %add3A_1806, %dot_general3A_1805 : vector<200x128xf32>
    %get3A_1808 = arith.constant 0 : index
    %get3A_1809 = arith.constant 1 : index
    %get3A_1810 = arith.constant 0 : index
    %get3A_1811 = vector.load %arg13[%get3A_1808, %get3A_1809, %get3A_1810] : memref<200x16x128xf32, #tpu.memory_space<vmem>>, vector<200x1x128xf32>
    %get3A_1812 = vector.shape_cast %get3A_1811 : vector<200x1x128xf32> to vector<200x128xf32>
    %get3A_1813 = arith.constant 1 : index
    %get3A_1814 = arith.constant 0 : index
    %get3A_1815 = arith.constant 0 : index
    %get3A_1816 = vector.load %arg9[%get3A_1813, %get3A_1814, %get3A_1815] : memref<16x128x128xf32, #tpu.memory_space<vmem>>, vector<1x128x128xf32>
    %get3A_1817 = vector.shape_cast %get3A_1816 : vector<1x128x128xf32> to vector<128x128xf32>
    %dot_general3A_1818 = arith.constant dense<0.000000e+00> : vector<200x128xf32>
    %dot_general3A_1819 = tpu.matmul %get3A_1812, %get3A_1817, %dot_general3A_1818 {dimension_numbers = #tpu.dot_dimension_numbers<[1], [0], [0], [1], [0, 0, 1, 1], [], []>, transpose_lhs_hint = false} : vector<200x128xf32>, vector<128x128xf32>, vector<200x128xf32> -> vector<200x128xf32>
    %add3A_1820 = arith.addf %add3A_1807, %dot_general3A_1819 : vector<200x128xf32>
    %get3A_1821 = arith.constant 0 : index
    %get3A_1822 = arith.constant 2 : index
    %get3A_1823 = arith.constant 0 : index
    %get3A_1824 = vector.load %arg13[%get3A_1821, %get3A_1822, %get3A_1823] : memref<200x16x128xf32, #tpu.memory_space<vmem>>, vector<200x1x128xf32>
    %get3A_1825 = vector.shape_cast %get3A_1824 : vector<200x1x128xf32> to vector<200x128xf32>
    %get3A_1826 = arith.constant 2 : index
    %get3A_1827 = arith.constant 0 : index
    %get3A_1828 = arith.constant 0 : index
    %get3A_1829 = vector.load %arg9[%get3A_1826, %get3A_1827, %get3A_1828] : memref<16x128x128xf32, #tpu.memory_space<vmem>>, vector<1x128x128xf32>
    %get3A_1830 = vector.shape_cast %get3A_1829 : vector<1x128x128xf32> to vector<128x128xf32>
    %dot_general3A_1831 = arith.constant dense<0.000000e+00> : vector<200x128xf32>
    %dot_general3A_1832 = tpu.matmul %get3A_1825, %get3A_1830, %dot_general3A_1831 {dimension_numbers = #tpu.dot_dimension_numbers<[1], [0], [0], [1], [0, 0, 1, 1], [], []>, transpose_lhs_hint = false} : vector<200x128xf32>, vector<128x128xf32>, vector<200x128xf32> -> vector<200x128xf32>
    %add3A_1833 = arith.addf %add3A_1820, %dot_general3A_1832 : vector<200x128xf32>
    %get3A_1834 = arith.constant 0 : index
    %get3A_1835 = arith.constant 3 : index
    %get3A_1836 = arith.constant 0 : index
    %get3A_1837 = vector.load %arg13[%get3A_1834, %get3A_1835, %get3A_1836] : memref<200x16x128xf32, #tpu.memory_space<vmem>>, vector<200x1x128xf32>
    %get3A_1838 = vector.shape_cast %get3A_1837 : vector<200x1x128xf32> to vector<200x128xf32>
    %get3A_1839 = arith.constant 3 : index
    %get3A_1840 = arith.constant 0 : index
    %get3A_1841 = arith.constant 0 : index
    %get3A_1842 = vector.load %arg9[%get3A_1839, %get3A_1840, %get3A_1841] : memref<16x128x128xf32, #tpu.memory_space<vmem>>, vector<1x128x128xf32>
    %get3A_1843 = vector.shape_cast %get3A_1842 : vector<1x128x128xf32> to vector<128x128xf32>
    %dot_general3A_1844 = arith.constant dense<0.000000e+00> : vector<200x128xf32>
    %dot_general3A_1845 = tpu.matmul %get3A_1838, %get3A_1843, %dot_general3A_1844 {dimension_numbers = #tpu.dot_dimension_numbers<[1], [0], [0], [1], [0, 0, 1, 1], [], []>, transpose_lhs_hint = false} : vector<200x128xf32>, vector<128x128xf32>, vector<200x128xf32> -> vector<200x128xf32>
    %add3A_1846 = arith.addf %add3A_1833, %dot_general3A_1845 : vector<200x128xf32>
    %get3A_1847 = arith.constant 0 : index
    %get3A_1848 = arith.constant 4 : index
    %get3A_1849 = arith.constant 0 : index
    %get3A_1850 = vector.load %arg13[%get3A_1847, %get3A_1848, %get3A_1849] : memref<200x16x128xf32, #tpu.memory_space<vmem>>, vector<200x1x128xf32>
    %get3A_1851 = vector.shape_cast %get3A_1850 : vector<200x1x128xf32> to vector<200x128xf32>
    %get3A_1852 = arith.constant 4 : index
    %get3A_1853 = arith.constant 0 : index
    %get3A_1854 = arith.constant 0 : index
    %get3A_1855 = vector.load %arg9[%get3A_1852, %get3A_1853, %get3A_1854] : memref<16x128x128xf32, #tpu.memory_space<vmem>>, vector<1x128x128xf32>
    %get3A_1856 = vector.shape_cast %get3A_1855 : vector<1x128x128xf32> to vector<128x128xf32>
    %dot_general3A_1857 = arith.constant dense<0.000000e+00> : vector<200x128xf32>
    %dot_general3A_1858 = tpu.matmul %get3A_1851, %get3A_1856, %dot_general3A_1857 {dimension_numbers = #tpu.dot_dimension_numbers<[1], [0], [0], [1], [0, 0, 1, 1], [], []>, transpose_lhs_hint = false} : vector<200x128xf32>, vector<128x128xf32>, vector<200x128xf32> -> vector<200x128xf32>
    %add3A_1859 = arith.addf %add3A_1846, %dot_general3A_1858 : vector<200x128xf32>
    %get3A_1860 = arith.constant 0 : index
    %get3A_1861 = arith.constant 5 : index
    %get3A_1862 = arith.constant 0 : index
    %get3A_1863 = vector.load %arg13[%get3A_1860, %get3A_1861, %get3A_1862] : memref<200x16x128xf32, #tpu.memory_space<vmem>>, vector<200x1x128xf32>
    %get3A_1864 = vector.shape_cast %get3A_1863 : vector<200x1x128xf32> to vector<200x128xf32>
    %get3A_1865 = arith.constant 5 : index
    %get3A_1866 = arith.constant 0 : index
    %get3A_1867 = arith.constant 0 : index
    %get3A_1868 = vector.load %arg9[%get3A_1865, %get3A_1866, %get3A_1867] : memref<16x128x128xf32, #tpu.memory_space<vmem>>, vector<1x128x128xf32>
    %get3A_1869 = vector.shape_cast %get3A_1868 : vector<1x128x128xf32> to vector<128x128xf32>
    %dot_general3A_1870 = arith.constant dense<0.000000e+00> : vector<200x128xf32>
    %dot_general3A_1871 = tpu.matmul %get3A_1864, %get3A_1869, %dot_general3A_1870 {dimension_numbers = #tpu.dot_dimension_numbers<[1], [0], [0], [1], [0, 0, 1, 1], [], []>, transpose_lhs_hint = false} : vector<200x128xf32>, vector<128x128xf32>, vector<200x128xf32> -> vector<200x128xf32>
    %add3A_1872 = arith.addf %add3A_1859, %dot_general3A_1871 : vector<200x128xf32>
    %get3A_1873 = arith.constant 0 : index
    %get3A_1874 = arith.constant 6 : index
    %get3A_1875 = arith.constant 0 : index
    %get3A_1876 = vector.load %arg13[%get3A_1873, %get3A_1874, %get3A_1875] : memref<200x16x128xf32, #tpu.memory_space<vmem>>, vector<200x1x128xf32>
    %get3A_1877 = vector.shape_cast %get3A_1876 : vector<200x1x128xf32> to vector<200x128xf32>
    %get3A_1878 = arith.constant 6 : index
    %get3A_1879 = arith.constant 0 : index
    %get3A_1880 = arith.constant 0 : index
    %get3A_1881 = vector.load %arg9[%get3A_1878, %get3A_1879, %get3A_1880] : memref<16x128x128xf32, #tpu.memory_space<vmem>>, vector<1x128x128xf32>
    %get3A_1882 = vector.shape_cast %get3A_1881 : vector<1x128x128xf32> to vector<128x128xf32>
    %dot_general3A_1883 = arith.constant dense<0.000000e+00> : vector<200x128xf32>
    %dot_general3A_1884 = tpu.matmul %get3A_1877, %get3A_1882, %dot_general3A_1883 {dimension_numbers = #tpu.dot_dimension_numbers<[1], [0], [0], [1], [0, 0, 1, 1], [], []>, transpose_lhs_hint = false} : vector<200x128xf32>, vector<128x128xf32>, vector<200x128xf32> -> vector<200x128xf32>
    %add3A_1885 = arith.addf %add3A_1872, %dot_general3A_1884 : vector<200x128xf32>
    %get3A_1886 = arith.constant 0 : index
    %get3A_1887 = arith.constant 7 : index
    %get3A_1888 = arith.constant 0 : index
    %get3A_1889 = vector.load %arg13[%get3A_1886, %get3A_1887, %get3A_1888] : memref<200x16x128xf32, #tpu.memory_space<vmem>>, vector<200x1x128xf32>
    %get3A_1890 = vector.shape_cast %get3A_1889 : vector<200x1x128xf32> to vector<200x128xf32>
    %get3A_1891 = arith.constant 7 : index
    %get3A_1892 = arith.constant 0 : index
    %get3A_1893 = arith.constant 0 : index
    %get3A_1894 = vector.load %arg9[%get3A_1891, %get3A_1892, %get3A_1893] : memref<16x128x128xf32, #tpu.memory_space<vmem>>, vector<1x128x128xf32>
    %get3A_1895 = vector.shape_cast %get3A_1894 : vector<1x128x128xf32> to vector<128x128xf32>
    %dot_general3A_1896 = arith.constant dense<0.000000e+00> : vector<200x128xf32>
    %dot_general3A_1897 = tpu.matmul %get3A_1890, %get3A_1895, %dot_general3A_1896 {dimension_numbers = #tpu.dot_dimension_numbers<[1], [0], [0], [1], [0, 0, 1, 1], [], []>, transpose_lhs_hint = false} : vector<200x128xf32>, vector<128x128xf32>, vector<200x128xf32> -> vector<200x128xf32>
    %add3A_1898 = arith.addf %add3A_1885, %dot_general3A_1897 : vector<200x128xf32>
    %get3A_1899 = arith.constant 0 : index
    %get3A_1900 = arith.constant 8 : index
    %get3A_1901 = arith.constant 0 : index
    %get3A_1902 = vector.load %arg13[%get3A_1899, %get3A_1900, %get3A_1901] : memref<200x16x128xf32, #tpu.memory_space<vmem>>, vector<200x1x128xf32>
    %get3A_1903 = vector.shape_cast %get3A_1902 : vector<200x1x128xf32> to vector<200x128xf32>
    %get3A_1904 = arith.constant 8 : index
    %get3A_1905 = arith.constant 0 : index
    %get3A_1906 = arith.constant 0 : index
    %get3A_1907 = vector.load %arg9[%get3A_1904, %get3A_1905, %get3A_1906] : memref<16x128x128xf32, #tpu.memory_space<vmem>>, vector<1x128x128xf32>
    %get3A_1908 = vector.shape_cast %get3A_1907 : vector<1x128x128xf32> to vector<128x128xf32>
    %dot_general3A_1909 = arith.constant dense<0.000000e+00> : vector<200x128xf32>
    %dot_general3A_1910 = tpu.matmul %get3A_1903, %get3A_1908, %dot_general3A_1909 {dimension_numbers = #tpu.dot_dimension_numbers<[1], [0], [0], [1], [0, 0, 1, 1], [], []>, transpose_lhs_hint = false} : vector<200x128xf32>, vector<128x128xf32>, vector<200x128xf32> -> vector<200x128xf32>
    %add3A_1911 = arith.addf %add3A_1898, %dot_general3A_1910 : vector<200x128xf32>
    %get3A_1912 = arith.constant 0 : index
    %get3A_1913 = arith.constant 9 : index
    %get3A_1914 = arith.constant 0 : index
    %get3A_1915 = vector.load %arg13[%get3A_1912, %get3A_1913, %get3A_1914] : memref<200x16x128xf32, #tpu.memory_space<vmem>>, vector<200x1x128xf32>
    %get3A_1916 = vector.shape_cast %get3A_1915 : vector<200x1x128xf32> to vector<200x128xf32>
    %get3A_1917 = arith.constant 9 : index
    %get3A_1918 = arith.constant 0 : index
    %get3A_1919 = arith.constant 0 : index
    %get3A_1920 = vector.load %arg9[%get3A_1917, %get3A_1918, %get3A_1919] : memref<16x128x128xf32, #tpu.memory_space<vmem>>, vector<1x128x128xf32>
    %get3A_1921 = vector.shape_cast %get3A_1920 : vector<1x128x128xf32> to vector<128x128xf32>
    %dot_general3A_1922 = arith.constant dense<0.000000e+00> : vector<200x128xf32>
    %dot_general3A_1923 = tpu.matmul %get3A_1916, %get3A_1921, %dot_general3A_1922 {dimension_numbers = #tpu.dot_dimension_numbers<[1], [0], [0], [1], [0, 0, 1, 1], [], []>, transpose_lhs_hint = false} : vector<200x128xf32>, vector<128x128xf32>, vector<200x128xf32> -> vector<200x128xf32>
    %add3A_1924 = arith.addf %add3A_1911, %dot_general3A_1923 : vector<200x128xf32>
    %get3A_1925 = arith.constant 0 : index
    %get3A_1926 = arith.constant 10 : index
    %get3A_1927 = arith.constant 0 : index
    %get3A_1928 = vector.load %arg13[%get3A_1925, %get3A_1926, %get3A_1927] : memref<200x16x128xf32, #tpu.memory_space<vmem>>, vector<200x1x128xf32>
    %get3A_1929 = vector.shape_cast %get3A_1928 : vector<200x1x128xf32> to vector<200x128xf32>
    %get3A_1930 = arith.constant 10 : index
    %get3A_1931 = arith.constant 0 : index
    %get3A_1932 = arith.constant 0 : index
    %get3A_1933 = vector.load %arg9[%get3A_1930, %get3A_1931, %get3A_1932] : memref<16x128x128xf32, #tpu.memory_space<vmem>>, vector<1x128x128xf32>
    %get3A_1934 = vector.shape_cast %get3A_1933 : vector<1x128x128xf32> to vector<128x128xf32>
    %dot_general3A_1935 = arith.constant dense<0.000000e+00> : vector<200x128xf32>
    %dot_general3A_1936 = tpu.matmul %get3A_1929, %get3A_1934, %dot_general3A_1935 {dimension_numbers = #tpu.dot_dimension_numbers<[1], [0], [0], [1], [0, 0, 1, 1], [], []>, transpose_lhs_hint = false} : vector<200x128xf32>, vector<128x128xf32>, vector<200x128xf32> -> vector<200x128xf32>
    %add3A_1937 = arith.addf %add3A_1924, %dot_general3A_1936 : vector<200x128xf32>
    %get3A_1938 = arith.constant 0 : index
    %get3A_1939 = arith.constant 11 : index
    %get3A_1940 = arith.constant 0 : index
    %get3A_1941 = vector.load %arg13[%get3A_1938, %get3A_1939, %get3A_1940] : memref<200x16x128xf32, #tpu.memory_space<vmem>>, vector<200x1x128xf32>
    %get3A_1942 = vector.shape_cast %get3A_1941 : vector<200x1x128xf32> to vector<200x128xf32>
    %get3A_1943 = arith.constant 11 : index
    %get3A_1944 = arith.constant 0 : index
    %get3A_1945 = arith.constant 0 : index
    %get3A_1946 = vector.load %arg9[%get3A_1943, %get3A_1944, %get3A_1945] : memref<16x128x128xf32, #tpu.memory_space<vmem>>, vector<1x128x128xf32>
    %get3A_1947 = vector.shape_cast %get3A_1946 : vector<1x128x128xf32> to vector<128x128xf32>
    %dot_general3A_1948 = arith.constant dense<0.000000e+00> : vector<200x128xf32>
    %dot_general3A_1949 = tpu.matmul %get3A_1942, %get3A_1947, %dot_general3A_1948 {dimension_numbers = #tpu.dot_dimension_numbers<[1], [0], [0], [1], [0, 0, 1, 1], [], []>, transpose_lhs_hint = false} : vector<200x128xf32>, vector<128x128xf32>, vector<200x128xf32> -> vector<200x128xf32>
    %add3A_1950 = arith.addf %add3A_1937, %dot_general3A_1949 : vector<200x128xf32>
    %get3A_1951 = arith.constant 0 : index
    %get3A_1952 = arith.constant 12 : index
    %get3A_1953 = arith.constant 0 : index
    %get3A_1954 = vector.load %arg13[%get3A_1951, %get3A_1952, %get3A_1953] : memref<200x16x128xf32, #tpu.memory_space<vmem>>, vector<200x1x128xf32>
    %get3A_1955 = vector.shape_cast %get3A_1954 : vector<200x1x128xf32> to vector<200x128xf32>
    %get3A_1956 = arith.constant 12 : index
    %get3A_1957 = arith.constant 0 : index
    %get3A_1958 = arith.constant 0 : index
    %get3A_1959 = vector.load %arg9[%get3A_1956, %get3A_1957, %get3A_1958] : memref<16x128x128xf32, #tpu.memory_space<vmem>>, vector<1x128x128xf32>
    %get3A_1960 = vector.shape_cast %get3A_1959 : vector<1x128x128xf32> to vector<128x128xf32>
    %dot_general3A_1961 = arith.constant dense<0.000000e+00> : vector<200x128xf32>
    %dot_general3A_1962 = tpu.matmul %get3A_1955, %get3A_1960, %dot_general3A_1961 {dimension_numbers = #tpu.dot_dimension_numbers<[1], [0], [0], [1], [0, 0, 1, 1], [], []>, transpose_lhs_hint = false} : vector<200x128xf32>, vector<128x128xf32>, vector<200x128xf32> -> vector<200x128xf32>
    %add3A_1963 = arith.addf %add3A_1950, %dot_general3A_1962 : vector<200x128xf32>
    %get3A_1964 = arith.constant 0 : index
    %get3A_1965 = arith.constant 13 : index
    %get3A_1966 = arith.constant 0 : index
    %get3A_1967 = vector.load %arg13[%get3A_1964, %get3A_1965, %get3A_1966] : memref<200x16x128xf32, #tpu.memory_space<vmem>>, vector<200x1x128xf32>
    %get3A_1968 = vector.shape_cast %get3A_1967 : vector<200x1x128xf32> to vector<200x128xf32>
    %get3A_1969 = arith.constant 13 : index
    %get3A_1970 = arith.constant 0 : index
    %get3A_1971 = arith.constant 0 : index
    %get3A_1972 = vector.load %arg9[%get3A_1969, %get3A_1970, %get3A_1971] : memref<16x128x128xf32, #tpu.memory_space<vmem>>, vector<1x128x128xf32>
    %get3A_1973 = vector.shape_cast %get3A_1972 : vector<1x128x128xf32> to vector<128x128xf32>
    %dot_general3A_1974 = arith.constant dense<0.000000e+00> : vector<200x128xf32>
    %dot_general3A_1975 = tpu.matmul %get3A_1968, %get3A_1973, %dot_general3A_1974 {dimension_numbers = #tpu.dot_dimension_numbers<[1], [0], [0], [1], [0, 0, 1, 1], [], []>, transpose_lhs_hint = false} : vector<200x128xf32>, vector<128x128xf32>, vector<200x128xf32> -> vector<200x128xf32>
    %add3A_1976 = arith.addf %add3A_1963, %dot_general3A_1975 : vector<200x128xf32>
    %get3A_1977 = arith.constant 0 : index
    %get3A_1978 = arith.constant 14 : index
    %get3A_1979 = arith.constant 0 : index
    %get3A_1980 = vector.load %arg13[%get3A_1977, %get3A_1978, %get3A_1979] : memref<200x16x128xf32, #tpu.memory_space<vmem>>, vector<200x1x128xf32>
    %get3A_1981 = vector.shape_cast %get3A_1980 : vector<200x1x128xf32> to vector<200x128xf32>
    %get3A_1982 = arith.constant 14 : index
    %get3A_1983 = arith.constant 0 : index
    %get3A_1984 = arith.constant 0 : index
    %get3A_1985 = vector.load %arg9[%get3A_1982, %get3A_1983, %get3A_1984] : memref<16x128x128xf32, #tpu.memory_space<vmem>>, vector<1x128x128xf32>
    %get3A_1986 = vector.shape_cast %get3A_1985 : vector<1x128x128xf32> to vector<128x128xf32>
    %dot_general3A_1987 = arith.constant dense<0.000000e+00> : vector<200x128xf32>
    %dot_general3A_1988 = tpu.matmul %get3A_1981, %get3A_1986, %dot_general3A_1987 {dimension_numbers = #tpu.dot_dimension_numbers<[1], [0], [0], [1], [0, 0, 1, 1], [], []>, transpose_lhs_hint = false} : vector<200x128xf32>, vector<128x128xf32>, vector<200x128xf32> -> vector<200x128xf32>
    %add3A_1989 = arith.addf %add3A_1976, %dot_general3A_1988 : vector<200x128xf32>
    %get3A_1990 = arith.constant 0 : index
    %get3A_1991 = arith.constant 15 : index
    %get3A_1992 = arith.constant 0 : index
    %get3A_1993 = vector.load %arg13[%get3A_1990, %get3A_1991, %get3A_1992] : memref<200x16x128xf32, #tpu.memory_space<vmem>>, vector<200x1x128xf32>
    %get3A_1994 = vector.shape_cast %get3A_1993 : vector<200x1x128xf32> to vector<200x128xf32>
    %get3A_1995 = arith.constant 15 : index
    %get3A_1996 = arith.constant 0 : index
    %get3A_1997 = arith.constant 0 : index
    %get3A_1998 = vector.load %arg9[%get3A_1995, %get3A_1996, %get3A_1997] : memref<16x128x128xf32, #tpu.memory_space<vmem>>, vector<1x128x128xf32>
    %get3A_1999 = vector.shape_cast %get3A_1998 : vector<1x128x128xf32> to vector<128x128xf32>
    %dot_general3A_2000 = arith.constant dense<0.000000e+00> : vector<200x128xf32>
    %dot_general3A_2001 = tpu.matmul %get3A_1994, %get3A_1999, %dot_general3A_2000 {dimension_numbers = #tpu.dot_dimension_numbers<[1], [0], [0], [1], [0, 0, 1, 1], [], []>, transpose_lhs_hint = false} : vector<200x128xf32>, vector<128x128xf32>, vector<200x128xf32> -> vector<200x128xf32>
    %add3A_2002 = arith.addf %add3A_1989, %dot_general3A_2001 : vector<200x128xf32>
    %swap3A_2003 = arith.constant 0 : index
    %swap3A_2004 = arith.constant 0 : index
    %swap3A_2005 = vector.load %arg11[%swap3A_2003, %swap3A_2004] : memref<200x128xf32, #tpu.memory_space<vmem>>, vector<200x128xf32>
    tpu.vector_store %arg11[%swap3A_2003, %swap3A_2004], %add3A_2002 {strides = array<i32>} : memref<200x128xf32, #tpu.memory_space<vmem>>, vector<200x128xf32>,
    return
  }
  func.func @transform_0(%arg0: i32) -> (i32, i32) {
    %c0_i32 = arith.constant 0 : i32
    %c0_i32_0 = arith.constant 0 : i32
    return %arg0, %c0_i32 : i32, i32
  }
  func.func @transform_1(%arg0: i32) -> (i32, i32) {
    %c0_i32 = arith.constant 0 : i32
    %c0_i32_0 = arith.constant 0 : i32
    return %arg0, %c0_i32 : i32, i32
  }
  func.func @transform_2(%arg0: i32) -> (i32, i32) {
    %c0_i32 = arith.constant 0 : i32
    %c0_i32_0 = arith.constant 0 : i32
    %c0_i32_1 = arith.constant 0 : i32
    return %c0_i32, %c0_i32_0 : i32, i32
  }
  func.func @transform_3(%arg0: i32) -> (i32, i32) {
    %c0_i32 = arith.constant 0 : i32
    %c0_i32_0 = arith.constant 0 : i32
    %c0_i32_1 = arith.constant 0 : i32
    return %c0_i32, %c0_i32_0 : i32, i32
  }
  func.func @transform_4(%arg0: i32) -> (i32, i32) {
    %c0_i32 = arith.constant 0 : i32
    %c0_i32_0 = arith.constant 0 : i32
    %c0_i32_1 = arith.constant 0 : i32
    return %c0_i32, %c0_i32_0 : i32, i32
  }
  func.func @transform_5(%arg0: i32) -> (i32, i32) {
    %c0_i32 = arith.constant 0 : i32
    %c0_i32_0 = arith.constant 0 : i32
    %c0_i32_1 = arith.constant 0 : i32
    return %c0_i32, %c0_i32_0 : i32, i32
  }
  func.func @transform_6(%arg0: i32) -> (i32, i32) {
    %c0_i32 = arith.constant 0 : i32
    %c0_i32_0 = arith.constant 0 : i32
    %c0_i32_1 = arith.constant 0 : i32
    return %c0_i32, %c0_i32_0 : i32, i32
  }
  func.func @transform_7(%arg0: i32) -> (i32, i32) {
    %c0_i32 = arith.constant 0 : i32
    %c0_i32_0 = arith.constant 0 : i32
    %c0_i32_1 = arith.constant 0 : i32
    return %c0_i32, %c0_i32_0 : i32, i32
  }
  func.func @transform_8(%arg0: i32) -> (i32, i32, i32) {
    %c0_i32 = arith.constant 0 : i32
    %c0_i32_0 = arith.constant 0 : i32
    %c0_i32_1 = arith.constant 0 : i32
    %c0_i32_2 = arith.constant 0 : i32
    return %c0_i32, %c0_i32_0, %c0_i32_1 : i32, i32, i32
  }
  func.func @transform_9(%arg0: i32) -> (i32, i32) {
    %c0_i32 = arith.constant 0 : i32
    %c0_i32_0 = arith.constant 0 : i32
    %c0_i32_1 = arith.constant 0 : i32
    return %c0_i32, %c0_i32_0 : i32, i32
  }
  func.func @transform_10(%arg0: i32) -> (i32, i32) {
    %c0_i32 = arith.constant 0 : i32
    %c0_i32_0 = arith.constant 0 : i32
    return %arg0, %c0_i32 : i32, i32
  }
}

</mosaic_0001>

<sc_bundles>
// kernel: kernel.4.cloned.1.call-start
scs
__scs_entry_jumppad:
0x0: {  	(pc) =	sbr.rel $0x88, $3  }
0x1: {  	(tag) =	ssettag $0x0;
	lr =	simm.s32 $0x1  }
0x2: {  	[smem:$0x3F94] =	sst lr;
	_ =	strace $0xD0000000  }
0x3: {  	_ = 	snop  }
0x4: {  	_ = 	snop  }
0x5: {  	_ = 	snop  }
0x6: {  	_ = 	snop  }
0x7: {  	_ = 	snop  }
__scs_overlays_trampoline_lowered:
0x8: {  	[smem:$0x3FA3] =	sst s0  }
0x9: {  	[smem:$0x3FA4] =	sst s1  }
0xa: {  	[smem:$0x3FA5] =	sst s2  }
0xb: {  	[smem:$0x3FA6] =	sst s3  }
0xc: {  	[smem:$0x3FA7] =	sst s4  }
0xd: {  	[smem:$0x3FA8] =	sst s5  }
0xe: {  	[smem:$0x3FA9] =	sst s6  }
0xf: {  	[smem:$0x3FAA] =	sst s7  }
0x10: {  	[smem:$0x3FAB] =	sst s8  }
0x11: {  	[smem:$0x3FAC] =	sst s9;
	s0 =	simm.s32 @!p0 $0x0  }
0x12: {  	s1 =	sld [smem:$0x3F92];
	s0 =	simm.s32 @p0 $0x1  }
0x13: {  	[smem:$0x3FAD] =	sst s0;
	s0 =	simm.s32 @!p1 $0x0  }
0x14: {  	s2 =	sld [smem:$0x3F91];
	s0 =	simm.s32 @p1 $0x1  }
0x15: {  	[smem:$0x3FAE] =	sst s0;
	s0 =	simm.s32 @!p2 $0x0  }
0x16: {  	s3 =	sld [smem:$0x3FDB];
	s0 =	simm.s32 @p2 $0x1  }
0x17: {  	s4 =	simm.s32 $0x1BF5;
	[smem:$0x3FB0] =	sst s0  }
0x18: {  	s0 =	sld [smem:$0x3F93];
	_ =	swait.ge [sflag:s4], $0x0  }
0x19: {  	s7 =	sld [smem:$0x3F94]  }
0x1a: {  	s8 =	sadd.s32 $0xFFFFE003, lr  }
0x1b: {  	s9 =	sadd.s32 $0xFFFFFEF7, lr;
	s5 =	simm.s32 $0xFFFFFFFF;
	p2 =	slt.u32 s8, $0xFFFFF086  }
0x1c: {  	p1 =	slt.u32 s9, $0xF7A;
	s5 =	simm.s32 @!p2 $0x0  }
0x1d: {  	s5 =	simm.s32 @p1 $0x1;
	p0 =	seq.s32 s7, s2  }
0x1e: {  	s7 =	smul.u32 @!p0 $0xF7A, s2;
	p2 =	seq.s32 @!p0 s5, $0x0  }
0x1f: {  	s9 =	smul.u32 $0xF7A, s1;
	s8 =	simm.s32 @!p0 $0x1BF5;
	p2 =	por !p2, p0  }
0x20: {  	[sflag:s8] =	ssyncset.s32 @!p0 $0xFFFFF086;
	s6 =	sadd.s32 @!p0 s3, s7;
	s7 =	simm.s32 @!p0 $0x108  }
0x21: {  	s3 =	sadd.s32 s3, s9;
	s6 =	sadd.s32 @!p0 $0x88, s6;
	s7 =	simm.s32 @p2 $0x1082  }
0x22: {  	[simem:s7], [sflag:s8] =	dma.local @!p0 [hbm:s6], $0xF7A  }
0x23: {  	s9 =	sor.u32 $0xD0000000, s2;
	s6 =	simm.s32 $0x108;
	_ =	swait.ge @!p0 [sflag:s8], $0x0  }
0x24: {  	s3 =	sadd.s32 $0x88, s3;
	s6 =	simm.s32 @!p1 $0x1082;
	[sflag:s4] =	ssyncset.s32 $0xFFFFF086  }
0x25: {  	[simem:s6], [sflag:s4] =	dma.local [hbm:s3], $0xF7A  }
0x26: {  	[smem:$0x3F94] =	sst s1;
	(tag) =	ssettag s2;
	_ =	strace s9  }
0x27: {  	s1 =	sld [smem:$0x3FA4]  }
0x28: {  	s2 =	sld [smem:$0x3FA5]  }
0x29: {  	s4 =	sld [smem:$0x3FA7]  }
0x2a: {  	p0 =	seq.s32 s5, $0x0;
	s5 =	sld [smem:$0x3FA8]  }
0x2b: {  	s6 =	sld [smem:$0x3FA9]  }
0x2c: {  	s7 =	sld [smem:$0x3FAA]  }
0x2d: {  	s3 =	simm.s32 $0x108;
	s8 =	sld [smem:$0x3FAB]  }
0x2e: {  	s3 =	simm.s32 @!p0 $0x1082;
	s9 =	sld [smem:$0x3FAC]  }
0x2f: {  	lr =	sadd.s32 s0, s3;
	s0 =	sld [smem:$0x3FA3]  }
0x30: {  	s3 =	sld [smem:$0x3FA6]  }
0x31: {  	[smem:$0x3FAF] =	sst s10  }
0x32: {  	s10 =	sld [smem:$0x3FAD];
	_ =	sdelay $0x3  }
0x33: {  	p0 =	seq.s32 s10, $0x1;
	s10 =	sld [smem:$0x3FAF];
	_ =	sdelay $0x3  }
0x34: {  	[smem:$0x3FAF] =	sst s10  }
0x35: {  	s10 =	sld [smem:$0x3FAE];
	_ =	sdelay $0x3  }
0x36: {  	p1 =	seq.s32 s10, $0x1;
	s10 =	sld [smem:$0x3FAF];
	_ =	sdelay $0x3  }
0x37: {  	[smem:$0x3FAF] =	sst s10  }
0x38: {  	s10 =	sld [smem:$0x3FB0]  }
0x39: {  	_ = 	snop;
	(pc) =	sbr.ind lr, $3  }
0x3a: {  	_ = 	snop  }
0x3b: {  	_ = 	snop  }
0x3c: {  	p2 =	seq.s32 s10, $0x1;
	s10 =	sld [smem:$0x3FAF]  }
0x3d: {  	_ =	shalt  }
0x3e: {  	_ =	shalt  }
0x3f: {  	_ =	shalt  }
0x40: {  	_ =	shalt  }
0x41: {  	_ =	shalt  }
0x42: {  	_ =	shalt  }
0x43: {  	_ =	shalt  }
0x44: {  	_ =	shalt  }
0x45: {  	_ =	shalt  }
0x46: {  	_ =	shalt  }
0x47: {  	_ =	shalt  }
0x48: {  	_ =	shalt  }
0x49: {  	_ =	shalt  }
0x4a: {  	_ =	shalt  }
0x4b: {  	_ =	shalt  }
0x4c: {  	_ =	shalt  }
0x4d: {  	_ =	shalt  }
0x4e: {  	_ =	shalt  }
0x4f: {  	_ =	shalt  }
0x50: {  	_ =	shalt  }
0x51: {  	_ =	shalt  }
0x52: {  	_ =	shalt  }
0x53: {  	_ =	shalt  }
0x54: {  	_ =	shalt  }
0x55: {  	_ =	shalt  }
0x56: {  	_ =	shalt  }
0x57: {  	_ =	shalt  }
0x58: {  	_ =	shalt  }
0x59: {  	_ =	shalt  }
0x5a: {  	_ =	shalt  }
0x5b: {  	_ =	shalt  }
0x5c: {  	_ =	shalt  }
0x5d: {  	_ =	shalt  }
0x5e: {  	_ =	shalt  }
0x5f: {  	_ =	shalt  }
0x60: {  	_ =	shalt  }
0x61: {  	_ =	shalt  }
0x62: {  	_ =	shalt  }
0x63: {  	_ =	shalt  }
0x64: {  	_ =	shalt  }
0x65: {  	_ =	shalt  }
0x66: {  	_ =	shalt  }
0x67: {  	_ =	shalt  }
0x68: {  	_ =	shalt  }
0x69: {  	_ =	shalt  }
0x6a: {  	_ =	shalt  }
0x6b: {  	_ =	shalt  }
0x6c: {  	_ =	shalt  }
0x6d: {  	_ =	shalt  }
0x6e: {  	_ =	shalt  }
0x6f: {  	_ =	shalt  }
0x70: {  	_ =	shalt  }
0x71: {  	_ =	shalt  }
0x72: {  	_ =	shalt  }
0x73: {  	_ =	shalt  }
0x74: {  	_ =	shalt  }
0x75: {  	_ =	shalt  }
0x76: {  	_ =	shalt  }
0x77: {  	_ =	shalt  }
0x78: {  	_ =	shalt  }
0x79: {  	_ =	shalt  }
0x7a: {  	_ =	shalt  }
0x7b: {  	_ =	shalt  }
0x7c: {  	_ =	shalt  }
0x7d: {  	_ =	shalt  }
0x7e: {  	_ =	shalt  }
0x7f: {  	_ =	shalt  }
0x80: {  	_ =	shalt  }
0x81: {  	_ =	shalt  }
0x82: {  	_ =	shalt  }
0x83: {  	_ =	shalt  }
0x84: {  	_ =	shalt  }
0x85: {  	_ =	shalt  }
0x86: {  	_ =	shalt  }
0x87: {  	_ =	shalt  }
.Lfunc_end0:
.L_simem_size_0:
called_computation_lowered:
.L_overlay_start_0:
0x88: {  	s2 =	sld [smem:$0x3FD9]  }
0x89: {  	s3 =	sld [smem:$0x3FFE];
	_ =	sdelay $0x1  }
0x8a: {  	s1 =	srdreg.scid  }
0x8b: {  	s0 =	sand.u32 $0x1, s1  }
0x8c: {  	s16 =	sshll.u32 s0, $0xA;
	s2 =	sadd.s32 s3, s2  }
0x8d: {  	s2 =	sadd.s32 s2, s16  }
0x8e: {  	[smem:$0x3FBB] =	sst s2  }
0x8f: {  	_ = 	snop  }
0x90: {  	(tm) =	ssettm $0x1  }
0x91: {  	s17 =	sld [smem:$0x3FFB];
	_ =	sdelay $0x3  }
0x92: {  	_ =	strace s17  }
0x93: {  	s2 =	sld [smem:$0x3FFC];
	_ =	sdelay $0x3  }
0x94: {  	_ =	strace s2  }
0x95: {  	s2 =	sld [smem:$0x3FFD];
	_ =	sdelay $0x3  }
0x96: {  	_ =	strace s2  }
0x97: {  	_ =	strace $0x8FFFFFFF  }
0x98: {  	s18 =	sld [smem:$0x3FDB];
	_ =	sdelay $0x1  }
0x99: {  	s19 =	simm.s32 $_scs_section_size  }
0x9a: {  	s4 =	simm.s32 $_size__tile_overlayer_lowered;
	s5 =	simm.s32 $_tile_overlayer_lowered  }
0x9b: {  	s22 =	simm.s32 $0x1BFF;
	s21 =	sshll.u32 s5, $0x1;
	s2 =	sadd.s32 s19, s18  }
0x9c: {  	s6 =	simm.s32 $0x0;
	s20 =	sshll.u32 s4, $0x1;
	s4 =	sadd.s32 s21, s2  }
0x9d: {  	[timem:s6], [sflag:s22] =	dma.local [hbm:s4], s20  }
0x9e: {  	_ =	swait.ge [sflag:s22], s20  }
0x9f: {  	s3 =	ssub.s32 $0x0, s20;
	[sflag:s22] =	ssyncset.done $0x0  }
0xa0: {  	[sflag:s22] =	ssyncadd.s32 s3;
	_ =	sdelay $0x1  }
0xa1: {  	s23 =	simm.s32 $0x1B8B  }
0xa2: {  	_ =	swait.ge [sflag:s23], $0x1  }
0xa3: {  	[sflag:s23] =	ssyncset.done $0x0  }
0xa4: {  	s25 =	simm.s32 $0x1B8E;
	s24 =	sld [smem:$0x3FFE];
	[sflag:s23] =	ssyncadd.s32 $0xFFFFFFFF  }
0xa5: {  	s26 =	simm.s32 $execute0_lowered;
	[smem:$0x3FD2] =	sst s25  }
0xa6: {  	s4 =	sshll.u32 s26, $0x1;
	_ =	strace $0x80000046;
	[dreg:$0x1] =	wrdreg $0xFFFFFFFF  }
0xa7: {  	s28 =	simm.s32 $_size_execute0_lowered;
	s2 =	sadd.s32 s2, s4;
	[dreg:$0x0] =	wrdreg $0x0  }
0xa8: {  	s4 =	sshll.u32 s28, $0x1;
	[dreg:$0x2] =	wrdreg s2  }
0xa9: {  	[dreg:$0x3] =	wrdreg s4  }
0xaa: {  	[dreg:$0x4] =	wrdreg $0xC0  }
0xab: {  	_ =	task [dreg:s6], $0x5FFFF  }
0xac: {  	[dreg:$0x1] =	wrdreg $0xFFFFFFFF  }
0xad: {  	[dreg:$0x0] =	wrdreg $0x60  }
0xae: {  	[dreg:$0x2] =	wrdreg s24  }
0xaf: {  	[dreg:$0x3] =	wrdreg $0x9  }
0xb0: {  	_ =	task.clear_ibuf [dreg:s6], $0x4FFFF;
	_ =	strace $0x90000046  }
0xb1: {  	s29 =	simm.s32 $0x9;
	_ =	strace $0x80000048  }
0xb2: {  	_ =	swait.ge [sflag:s29], $0x1  }
0xb3: {  	[sflag:s29] =	ssyncadd.s32 $0xFFFFFFFF  }
0xb4: {  	_ =	strace $0x90000048  }
0xb5: {  	_ =	sfence  }
0xb6: {  	s30 =	sld [smem:$0x0];
	_ =	sdelay $0x2  }
0xb7: {  	s31 =	sshll.u32 s1, $0xD;
	s1 =	sshrl.u32 s1, $0x2  }
0xb8: {  	s3 =	sand.u32 $0x4000, s31;
	s1 =	sadd.s32 s1, s30  }
0xb9: {  	s0 =	sor.u32 s3, s0;
	s1 =	sshll.u32 s1, $0x11  }
0xba: {  	s0 =	sor.u32 s1, s0  }
0xbb: {  	s0 =	sadd.s32 $0x8F2B, s0  }
0xbc: {  	[sflag:s0] =	ssyncadd.remote.s32 $0x1  }
0xbd: {  	_ =	sfence.sel $0xFFFF  }
0xbe: {  	[dreg:$0x0] =	wrdreg $0xFFFFFFFF;
	(pc) =	sbr.abs _section_cstart, $3  }
0xbf: {  	[dreg:$0x1] =	wrdreg $0xFFFFFFFF  }
0xc0: {  	_ =	task.clear_ibuf [dreg:s6], $0x2FFFF;
	_ =	strace $0x9FFFFFFF  }
0xc1: {  	(tm) =	ssettm $0x7FFFFFFF  }
tec
execute0_lowered:
.L_overlay_start_1:
0x0: {  	(tag) =	ssettag $0x1  }
0x1: {  	s4 =	rddreg [dreg:$0x0]  }
0x2: {  	s0 =	rddreg [dreg:$0x1];
	s1 =	simm.s32 $0x0  }
0x3: {  	s5 =	srdreg.scid;
	s2 =	stileid.u32;
	s15 =	simm.s32 $0x100  }
0x4: {  	s16 =	simm.s32 $0x4100;
	s17 =	simm.s32 $0x3;
	[smem:$0x7FF] =	sst s1  }
0x5: {  	s3 =	sadd.s32 $0xD800, s4;
	s9 =	sand.u32 $0x1, s5;
	s10 =	sadd.s32 $0x1400, s4  }
0x6: {  	s6 =	sshll.u32 s2, $0x1;
	s11 =	sadd.s32 $0x6F400, s4;
	s13 =	sshll.u32 s2, $0x5  }
0x7: {  	s14 =	sshll.u32 s2, $0xC;
	_ =	strace $0x80000047;
	s5 =	ssub.s32 $0x2, s9  }
0x8: {  	s18 =	sor.u32 s9, s6;
	s28 =	sshll.u32 s9, $0x4;
	s29 =	sadd.s32 s14, s11  }
0x9: {  	s30 =	sshll.u32 s9, $0xB;
	s14 =	simm.s32 $0x80;
	s24 =	sshrl.u32 s5, $0x1  }
0xa: {  	s25 =	sshll.u32 s18, $0x4;
	s12 =	sor.u32 $0x20, s18;
	s7 =	sshll.u32 s18, $0xB  }
0xb: {  	s31 =	sadd.s32 s30, s29;
	p0 =	sgt.u32 s18, $0x14;
	s5 =	ssub.s32 s5, s24  }
0xc: {  	s4 =	sadd.s32 s10, s25;
	s26 =	sshll.u32 s12, $0x4;
	s7 =	sadd.s32 s11, s7  }
0xd: {  	s12 =	sshll.u32 s12, $0xB;
	s5 =	smax.u32 s5, $0x1;
	s6 =	sadd.s32 s10, s26  }
0xe: {  	s8 =	sadd.s32 $0x400, s4;
	s10 =	sadd.s32 s13, s10;
	s9 =	sadd.s32 s11, s12  }
0xf: {  	s11 =	sor.u32 $0x60, s18;
	s12 =	sadd.s32 $0x20000, s31;
	s10 =	sadd.s32 s28, s10  }
0x10: {  	s13 =	simm.s32 $0x1;
	s18 =	simm.s32 $0x0;
	s10 =	sadd.s32 $0x600, s10  }
.LBB2_1:
0x11: {  	[tilespmem:s1], [sflag:$0x1] =	stream.linear.gather [hbm4b:s4+s1], $0x80, $0x38;
	[tilespmem:$0x8100] =	vst v63  }
0x12: {  	_ =	swait.ge [sflag:s13], $0x80  }
0x13: {  	[sflag:s13] =	ssyncset.done $0x0  }
0x14: {  	[sflag:s13] =	ssyncadd.s32 $0xFFFFFF80  }
0x15: {  	[tilespmem:s14], [sflag:$0x1] =	stream.linear.gather [hbm4b:s6+s1], $0x80, $0x38;
	[tilespmem:$0x8100] =	vst v63  }
0x16: {  	s19 =	simm.s32 $0x2  }
0x17: {  	[tilespmem:s15], [sflag:$0x2] =	stream.indirect.gather [hbm4b:s3+s14], $0x80, s1, s14, $0xb8;
	[tilespmem:$0x8100] =	vst v63  }
0x18: {  	_ =	swait.ge [sflag:s19], $0x4000  }
0x19: {  	[sflag:s19] =	ssyncset.done $0x0  }
0x1a: {  	[sflag:s19] =	ssyncadd.s32 $0xFFFFC000  }
0x1b: {  	[hbm4b:s7+s1] =	stream.linear.scatter [tilespmem:s15], [sflag:$0x3], $0x4000, $0x38;
	[tilespmem:$0x8100] =	vst v63  }
0x1c: {  	_ =	swait.ge [sflag:s13], $0x80  }
0x1d: {  	[sflag:s13] =	ssyncset.done $0x0  }
0x1e: {  	[sflag:s13] =	ssyncadd.s32 $0xFFFFFF80  }
0x1f: {  	[tilespmem:s1], [sflag:$0x1] =	stream.linear.gather [hbm4b:s8+s1], $0x80, $0x38;
	[tilespmem:$0x8100] =	vst v63  }
0x20: {  	_ = 	snop  }
0x21: {  	[tilespmem:s16], [sflag:$0x2] =	stream.indirect.gather [hbm4b:s3+s14], $0x80, s14, s14, $0xb8;
	[tilespmem:$0x8100] =	vst v63  }
0x22: {  	_ =	swait.ge [sflag:s19], $0x4000  }
0x23: {  	[sflag:s19] =	ssyncset.done $0x0  }
0x24: {  	s20 =	sadd.s32 $0xFFFFFFE0, s11;
	[sflag:s19] =	ssyncadd.s32 $0xFFFFC000  }
0x25: {  	[hbm4b:s9+s1] =	stream.linear.scatter [tilespmem:s16], [sflag:$0x3], $0x4000, $0x38;
	[tilespmem:$0x8100] =	vst v63  }
0x26: {  	p1 =	sgt.u32 s20, $0xC34;
	_ =	swait.ge [sflag:s17], $0x4000  }
0x27: {  	s20 =	simm.s32 @!p1 $0x1;
	[sflag:s17] =	ssyncset.done $0x0  }
0x28: {  	p2 =	sgt.u32 @!p1 s11, $0xC34;
	s22 =	simm.s32 @!p1 $0x2;
	[sflag:s17] =	ssyncadd.s32 $0xFFFFC000  }
0x29: {  	p2 =	por p2, p1;
	s19 =	sand.u32 $0x1, s19;
	_ =	swait.ge @!p1 [sflag:s20], $0x80  }
0x2a: {  	s23 =	simm.s32 @!p2 $0x0;
	s21 =	sshll.u32 @!p2 s19, $0x7;
	[sflag:s20] =	ssyncset.done @!p1 $0x0  }
0x2b: {  	[sflag:s20] =	ssyncadd.s32 @!p1 $0xFFFFFF80;
	s20 =	sxor.u32 @!p2 $0x80, s21;
	s21 =	sshll.u32 @!p1 s19, $0xE  }
0x2c: {  	[tilespmem:s20], [sflag:$0x1] =	stream.linear.gather @!p2 [hbm4b:s10+s23], $0x80, $0x38;
	[tilespmem:$0x8100] =	vst v63  }
0x2d: {  	s19 =	sshll.u32 @!p1 s19, $0x7;
	s24 =	sor.u32 @!p1 $0x100, s21;
	s20 =	simm.s32 @!p1 $0x80  }
0x2e: {  	[tilespmem:s24], [sflag:$0x2] =	stream.indirect.gather @!p1 [hbm4b:s3+s20], $0x80, s19, s20, $0xb8;
	[tilespmem:$0x8100] =	vst v63  }
0x2f: {  	s25 =	simm.s32 @!p1 $0x0;
	s21 =	sadd.s32 $0x10000, s12;
	_ =	swait.ge @!p1 [sflag:s22], $0x4000  }
0x30: {  	s23 =	smov.u32 s12;
	s19 =	simm.s32 $0x3;
	[sflag:s22] =	ssyncset.done @!p1 $0x0  }
0x31: {  	s20 =	sadd.s32 $0x20, s11;
	[sflag:s22] =	ssyncadd.s32 @!p1 $0xFFFFC000;
	s22 =	sadd.s32 $0x200, s10  }
.LBB2_2:
0x32: {  	[hbm4b:s23+s25] =	stream.linear.scatter @!p1 [tilespmem:s24], [sflag:$0x3], $0x4000, $0x38;
	[tilespmem:$0x8100] =	vst v63  }
0x33: {  	s24 =	smov.u32 s19;
	s19 =	sadd.s32 $0x1, s19;
	s23 =	smov.u32 s21  }
0x34: {  	s25 =	sadd.s32 $0xFFFFFFE0, s20;
	p2 =	sne.s32 s19, $0x62;
	_ =	swait.ge [sflag:s17], $0x4000  }
0x35: {  	s24 =	sand.u32 $0x1, s24;
	p1 =	sgt.u32 s25, $0xC34;
	[sflag:s17] =	ssyncset.done $0x0  }
0x36: {  	s25 =	simm.s32 @!p1 $0x1;
	p3 =	sgt.u32 @!p1 s20, $0xC34;
	[sflag:s17] =	ssyncadd.s32 $0xFFFFC000  }
0x37: {  	s26 =	simm.s32 @!p1 $0x2;
	p3 =	por p3, p1;
	_ =	swait.ge @!p1 [sflag:s25], $0x80  }
0x38: {  	s28 =	sshll.u32 @!p3 s24, $0x7;
	s29 =	simm.s32 @!p3 $0x0;
	[sflag:s25] =	ssyncset.done @!p1 $0x0  }
0x39: {  	[sflag:s25] =	ssyncadd.s32 @!p1 $0xFFFFFF80;
	s25 =	sxor.u32 @!p3 $0x80, s28;
	s28 =	sshll.u32 @!p1 s24, $0xE  }
0x3a: {  	[tilespmem:s25], [sflag:$0x1] =	stream.linear.gather @!p3 [hbm4b:s22+s29], $0x80, $0x38;
	[tilespmem:$0x8100] =	vst v63  }
0x3b: {  	s25 =	sshll.u32 @!p1 s24, $0x7  }
.Ltmp0:
0x3c: {  	s24 =	sor.u32 @!p1 $0x100, s28;
	s28 =	simm.s32 @!p1 $0x80;
	(pc) =	sbr.rel @p2 .LBB2_2-.Ltmp0, $4  }
0x3d: {  	[tilespmem:s24], [sflag:$0x2] =	stream.indirect.gather @!p1 [hbm4b:s3+s28], $0x80, s25, s28, $0xb8;
	[tilespmem:$0x8100] =	vst v63  }
0x3e: {  	_ =	swait.ge @!p1 [sflag:s26], $0x4000  }
0x3f: {  	s21 =	sadd.s32 $0x10000, s21;
	s20 =	sadd.s32 $0x20, s20;
	[sflag:s26] =	ssyncset.done @!p1 $0x0  }
0x40: {  	s22 =	sadd.s32 $0x200, s22;
	s25 =	simm.s32 @!p1 $0x0;
	[sflag:s26] =	ssyncadd.s32 @!p1 $0xFFFFC000  }
0x41: {  	[hbm4b:s23+s25] =	stream.linear.scatter @!p1 [tilespmem:s24], [sflag:$0x3], $0x4000, $0x38;
	[tilespmem:$0x8100] =	vst v63  }
0x42: {  	s18 =	sadd.s32 $0x1, s18  }
0x43: {  	_ =	swait.ge [sflag:s17], $0x4000;
	p1 =	sne.s32 s18, s5  }
.Ltmp1:
0x44: {  	[sflag:s17] =	ssyncset.done $0x0;
	(pc) =	sbr.rel @p1 .LBB2_1-.Ltmp1, $4  }
0x45: {  	s19 =	simm.s32 @!p0 $0x3;
	[sflag:s17] =	ssyncadd.s32 $0xFFFFC000  }
0x46: {  	_ =	swait.ge @!p0 [sflag:s19], $0x4000  }
0x47: {  	[sflag:s19] =	ssyncset.done @!p0 $0x0  }
0x48: {  	[sflag:s19] =	ssyncadd.s32 @!p0 $0xFFFFC000  }
0x49: {  	_ =	sfence.sel $0x180000  }
0x4a: {  	[bflag:$0x0] =	sbarrier.arrive $0xFFFF  }
0x4b: {  	p0 =	sne.s32 s2, $0x0;
	_ =	strace $0x90000047  }
0x4c: {  	s0 =	sadd.s32 @!p0 $0x100000, s0;
	[bflag:$0x2] =	sbarrier.arrive $0xFFFF  }
0x4d: {  	[sflag:s0] =	ssyncadd.tile.s32 @!p0 $0x1;
	_ =	shalt  }
.Lfunc_end2:
_tile_overlayer_lowered:
.L_overlay_start_2:
0x4e: {  	(tag) =	ssettag $0x2  }
0x4f: {  	s0 =	rddreg [dreg:$0x0];
	s2 =	stileid.u32  }
0x50: {  	s1 =	rddreg [dreg:$0x1];
	p0 =	sne.s32 s2, $0x0  }
0x51: {  	s3 =	rddreg [dreg:$0x2];
	[bflag:$0x3] =	sbarrier.arrive $0xFFFF;
	s2 =	simm.s32 @!p0 $0x1C04  }
0x52: {  	[timem:s3], [sflag:s2] =	dma.local @!p0 [hbm:s0], s1  }
0x53: {  	s0 =	simm.s32 @!p0 $0x4  }
0x54: {  	_ =	swait.ge @!p0 [sflag:s0], s1  }
0x55: {  	s1 =	ssub.s32 @!p0 $0x0, s1;
	[sflag:s0] =	ssyncset.done @!p0 $0x0  }
0x56: {  	[sflag:s0] =	ssyncadd.s32 @!p0 s1  }
0x57: {  	[bflag:$0x3] =	sbarrier.arrive $0xFFFF  }
0x58: {  	_ =	shalt  }

</sc_bundles>
